<compile_context>
chip_gen: v7x
topology: tpu7x:2x2x1
jax: 0.10.2.dev20260603
libtpu: 0.0.44.dev20260713+nightly
codegen_flags: <defaults>
</compile_context>

<pallas_src>
import functools

import jax
import jax.numpy as jnp
from jax import lax
from jax.experimental import pallas as pl
from jax.experimental.pallas import tpu as pltpu
from jax.experimental.pallas import tpu_sc as plsc

_NS = 16384
_NT = 16384
_BS = 1024
_W = 2048
_NTC = _NT // _W

_NWORK = 32
_CHUNK = _NS // _NWORK
_L = 16
_IW = 128
_NIDX = _CHUNK // _IW


def _nn_idx_body(s_ref, t_ref, idx_ref, bv_ref, bj_ref):
    j = pl.program_id(1)

    s_blk = s_ref[...]
    t_blk = t_ref[...]
    a = jnp.dot(s_blk, t_blk, preferred_element_type=jnp.float32)
    s2 = jnp.sum(s_blk * s_blk, axis=1, keepdims=True)
    t2c = jnp.sum(t_blk * t_blk, axis=0, keepdims=True)
    key = (s2 - 2.0 * a) + t2c

    @pl.when(j == 0)
    def _():
        bv_ref[...] = key
        bj_ref[...] = jnp.zeros((_BS, _W), jnp.float32)

    @pl.when(j > 0)
    def _():
        upd = key < bv_ref[...]
        bv_ref[...] = jnp.where(upd, key, bv_ref[...])
        bj_ref[...] = jnp.where(upd, jnp.float32(j), bj_ref[...])

    @pl.when(j == _NTC - 1)
    def _():
        bv = bv_ref[...]
        m = jnp.min(bv, axis=1, keepdims=True)
        lane = lax.broadcasted_iota(jnp.int32, (_BS, _W), 1).astype(
            jnp.float32)
        jg = bj_ref[...] * jnp.float32(_W) + lane
        cand = jnp.where(bv == m, jg, jnp.float32(_NT))
        jmin = jnp.min(cand, axis=1, keepdims=True)
        idx_ref[0] = jmin.astype(jnp.int32)


def _nn_indices_tc(s_all, t2d):
    idx3 = pl.pallas_call(
        _nn_idx_body,
        grid=(_NS // _BS, _NTC),
        in_specs=[
            pl.BlockSpec((_BS, 3), lambda i, j: (i, 0)),
            pl.BlockSpec((3, _W), lambda i, j: (0, j)),
        ],
        out_specs=pl.BlockSpec((1, _BS, 1), lambda i, j: (i, 0, 0)),
        out_shape=jax.ShapeDtypeStruct((_NS // _BS, _BS, 1), jnp.int32),
        scratch_shapes=[
            pltpu.VMEM((_BS, _W), jnp.float32),
            pltpu.VMEM((_BS, _W), jnp.float32),
        ],
    )(s_all, t2d)
    return idx3.reshape(_NS)


def _make_sc_gather():
    mesh = plsc.VectorSubcoreMesh(core_axis_name="c", subcore_axis_name="s")

    @functools.partial(
        pl.kernel, mesh=mesh,
        compiler_params=pltpu.CompilerParams(use_tc_tiling_on_sc=False),
        out_type=[
            jax.ShapeDtypeStruct((_NS,), jnp.float32),
            jax.ShapeDtypeStruct((_NS,), jnp.float32),
            jax.ShapeDtypeStruct((_NS,), jnp.float32),
            jax.ShapeDtypeStruct((_NWORK, _L), jnp.float32),
        ],
        scratch_types=[
            pltpu.VMEM((_NIDX, _IW), jnp.int32),
            pltpu.VMEM((_CHUNK,), jnp.float32),
            pltpu.VMEM((_CHUNK,), jnp.float32),
            pltpu.VMEM((_CHUNK,), jnp.float32),
            pltpu.VMEM((_CHUNK,), jnp.float32),
            pltpu.VMEM((_CHUNK,), jnp.float32),
            pltpu.VMEM((_CHUNK,), jnp.float32),
            pltpu.VMEM((_CHUNK,), jnp.float32),
            pltpu.VMEM((_CHUNK,), jnp.float32),
            pltpu.VMEM((_CHUNK,), jnp.float32),
            pltpu.VMEM((_L,), jnp.float32),
            pltpu.SemaphoreType.DMA,
        ],
    )
    def gather_pw(tx_hbm, ty_hbm, tz_hbm, sx_hbm, sy_hbm, sz_hbm, idx_hbm,
                  pwx_hbm, pwy_hbm, pwz_hbm, psum_hbm,
                  idx_v, sx_v, sy_v, sz_v, gx_v, gy_v, gz_v,
                  pwx_v, pwy_v, pwz_v, acc_v, sem):
        wid = lax.axis_index("s") * 2 + lax.axis_index("c")
        base = wid * _CHUNK
        pltpu.sync_copy(idx_hbm.at[pl.ds(wid * _NIDX, _NIDX)], idx_v)
        pltpu.sync_copy(sx_hbm.at[pl.ds(base, _CHUNK)], sx_v)
        pltpu.sync_copy(sy_hbm.at[pl.ds(base, _CHUNK)], sy_v)
        pltpu.sync_copy(sz_hbm.at[pl.ds(base, _CHUNK)], sz_v)
        copies = []
        for j in range(_NIDX):
            row = idx_v.at[j]
            dst = pl.ds(j * _IW, _IW)
            copies.append(pltpu.async_copy(tx_hbm.at[row], gx_v.at[dst], sem))
            copies.append(pltpu.async_copy(ty_hbm.at[row], gy_v.at[dst], sem))
            copies.append(pltpu.async_copy(tz_hbm.at[row], gz_v.at[dst], sem))
        for c in copies:
            c.wait()
        acc = jnp.zeros((_L,), jnp.float32)
        for k in range(_CHUNK // _L):
            sl = pl.ds(k * _L, _L)
            dx = sx_v[sl] - gx_v[sl]
            dy = sy_v[sl] - gy_v[sl]
            dz = sz_v[sl] - gz_v[sl]
            px = dx * dx
            py = dy * dy
            pz = dz * dz
            pwx_v[sl] = px
            pwy_v[sl] = py
            pwz_v[sl] = pz
            acc = acc + px + py + pz
        acc_v[...] = acc
        pltpu.sync_copy(pwx_v, pwx_hbm.at[pl.ds(base, _CHUNK)])
        pltpu.sync_copy(pwy_v, pwy_hbm.at[pl.ds(base, _CHUNK)])
        pltpu.sync_copy(pwz_v, pwz_hbm.at[pl.ds(base, _CHUNK)])
        pltpu.sync_copy(acc_v, psum_hbm.at[wid])

    return gather_pw


_sc_gather_cache = []


def _sc_gather(*args):
    if not _sc_gather_cache:
        _sc_gather_cache.append(_make_sc_gather())
    return _sc_gather_cache[0](*args)


def kernel(source_point_cloud_transformed, source_normal_list_transformed,
           target_point_cloud, target_normal_list,
           compute_pointwise_loss_bool):
    src = source_point_cloud_transformed
    tgt = target_point_cloud

    s_all = jnp.transpose(src[0], (1, 0))

    idx = _nn_indices_tc(s_all, tgt[0])
    idx2 = idx.reshape(_NS // _IW, _IW)

    pwx, pwy, pwz, psum = _sc_gather(
        tgt[0, 0], tgt[0, 1], tgt[0, 2],
        src[0, 0], src[0, 1], src[0, 2], idx2)

    pw = jnp.stack([pwx, pwy, pwz]).reshape(1, 3, _NS)
    loss = jnp.sum(psum) / jnp.float32(3 * _NS)
    src_out = jnp.transpose(src, (1, 0, 2)).reshape(1, 3, -1)
    return (loss, pw, src_out)

# --- scband reference (transcript-rebuilt; emitter-appended) ---
"""Pipeline reference for scband-icplosses-25031069401571 (READ-ONLY COPY).

The authoritative reference and input builder live on the scoring server;
editing this copy changes nothing except your own understanding.
"""

import jax, jax.numpy as jnp
import numpy as np

NS = 16384
NT = 16384
CH = 2048

def setup_inputs(seed: int = 0) -> dict:
    key = jax.random.key(seed)
    k1, k2, k3, k4 = jax.random.split(key, 4)
    return {
        "source_point_cloud_transformed": jax.random.normal(k1, (1, 3, NS), dtype=jnp.float32),
        "source_normal_list_transformed": jax.random.normal(k2, (1, 3, NS), dtype=jnp.float32),
        "target_point_cloud": jax.random.normal(k3, (1, 3, NT), dtype=jnp.float32),
        "target_normal_list": jax.random.normal(k4, (1, 3, NT), dtype=jnp.float32),
        "compute_pointwise_loss_bool": True,
    }

def _nn_indices(s, t):
    # Brute-force exact nearest neighbor (replaces scipy cKDTree.query)
    # s: [Ns, 3] queries, t: [Nt, 3] keys
    t2 = jnp.sum(t * t, axis=1)
    outs = []
    for i in range(0, s.shape[0], CH):
        sc = s[i:i + CH]
        d2 = jnp.sum(sc * sc, axis=1, keepdims=True) - 2.0 * (sc @ t.T) + t2[None, :]
        outs.append(jnp.argmin(d2, axis=1))
    return jnp.concatenate(outs, axis=0)

def reference(source_point_cloud_transformed, source_normal_list_transformed, target_point_cloud, target_normal_list, compute_pointwise_loss_bool):
    # po2po_alone=True branch of ICPLosses.forward:
    # KD-tree NN query on target cloud, gather correspondences, KDPointToPointLoss.
    src = source_point_cloud_transformed  # [1, 3, NS]
    tgt = target_point_cloud              # [1, 3, NT]
    s = jnp.transpose(src[0], (1, 0))     # [NS, 3]
    t = jnp.transpose(tgt[0], (1, 0))     # [NT, 3]
    idx = _nn_indices(s, t)               # [NS] int nearest-target indices
    target_corr = jnp.take(tgt, idx, axis=2)  # gather: [1, 3, NS]
    diff = src - target_corr
    loss = jnp.mean(diff * diff)          # MSELoss(mean)
    pointwise = jax.lax.stop_gradient(diff * diff)  # MSELoss(reduction='none').detach()
    pw = jnp.transpose(pointwise, (1, 0, 2)).reshape(1, 3, -1)
    src_out = jnp.transpose(src, (1, 0, 2)).reshape(1, 3, -1)
    return (loss, pw, src_out)

if __name__ == "__main__":
    import jax
    _d = setup_inputs()
    print(jax.jit(kernel)(*tuple(_d.values())))

</pallas_src>

<mosaic_0001>
#map = affine_map<(d0, d1) -> (0)>
#map1 = affine_map<(d0, d1) -> (0, 0)>
module attributes {stable_mosaic.version = 14 : i64} {
  func.func @gather_pw(%arg0: i32, %arg1: i32, %arg2: memref<16384xf32, #tpu.memory_space<hbm>>, %arg3: memref<16384xf32, #tpu.memory_space<hbm>>, %arg4: memref<16384xf32, #tpu.memory_space<hbm>>, %arg5: memref<16384xf32, #tpu.memory_space<hbm>>, %arg6: memref<16384xf32, #tpu.memory_space<hbm>>, %arg7: memref<16384xf32, #tpu.memory_space<hbm>>, %arg8: memref<128x128xi32, #tpu.memory_space<hbm>>, %arg9: memref<16384xf32, #tpu.memory_space<hbm>>, %arg10: memref<16384xf32, #tpu.memory_space<hbm>>, %arg11: memref<16384xf32, #tpu.memory_space<hbm>>, %arg12: memref<32x16xf32, #tpu.memory_space<hbm>>, %arg13: memref<4x128xi32, #tpu.memory_space<vmem>>, %arg14: memref<512xf32, #tpu.memory_space<vmem>>, %arg15: memref<512xf32, #tpu.memory_space<vmem>>, %arg16: memref<512xf32, #tpu.memory_space<vmem>>, %arg17: memref<512xf32, #tpu.memory_space<vmem>>, %arg18: memref<512xf32, #tpu.memory_space<vmem>>, %arg19: memref<512xf32, #tpu.memory_space<vmem>>, %arg20: memref<512xf32, #tpu.memory_space<vmem>>, %arg21: memref<512xf32, #tpu.memory_space<vmem>>, %arg22: memref<512xf32, #tpu.memory_space<vmem>>, %arg23: memref<16xf32, #tpu.memory_space<vmem>>, %arg24: memref<!tpu.dma_semaphore, #tpu.memory_space<semaphore_mem>>) attributes {dimension_semantics = [#tpu.dimension_semantics<core_parallel>, #tpu.dimension_semantics<subcore_parallel>], iteration_bounds = array<i64: 2, 16>, scalar_prefetch = 0 : i64, scratch_operands = 12 : i64, tpu.core_type = #tpu.core_type<sc_vector_subcore>, window_params = [{transform_indices = #map}, {transform_indices = #map}, {transform_indices = #map}, {transform_indices = #map}, {transform_indices = #map}, {transform_indices = #map}, {transform_indices = #map1}, {transform_indices = #map}, {transform_indices = #map}, {transform_indices = #map}, {transform_indices = #map1}]} {
    %mul3A = arith.constant 2 : i32
    %mul3A_0 = arith.muli %arg1, %mul3A : i32
    %add3A = arith.addi %mul3A_0, %arg0 : i32
    %mul3A_1 = arith.constant 512 : i32
    %mul3A_2 = arith.muli %add3A, %mul3A_1 : i32
    %mul3A_3 = arith.constant 4 : i32
    %mul3A_4 = arith.muli %add3A, %mul3A_3 : i32
    "tpu.region"() ({
      %run_scoped3A = tpu.sem_alloc : memref<!tpu.dma_semaphore, #tpu.memory_space<semaphore_mem>>
      %dma_start3A_1445 = arith.constant 0 : i32
      %dma_start3A_1446 = tpu.memref_slice %arg8[%mul3A_4, %dma_start3A_1445] : memref<128x128xi32, #tpu.memory_space<hbm>> -> memref<4x128xi32, #tpu.memory_space<hbm>>
      %dma_start3A_1447 = arith.constant 0 : i32
      %dma_start3A_1448 = tpu.memref_slice %arg8[%mul3A_4, %dma_start3A_1447] : memref<128x128xi32, #tpu.memory_space<hbm>> -> memref<4x128xi32, #tpu.memory_space<hbm>>
      tpu.enqueue_dma source(%dma_start3A_1448 : memref<4x128xi32, #tpu.memory_space<hbm>>) target(%arg13 : memref<4x128xi32, #tpu.memory_space<vmem>>) target_semaphore(%run_scoped3A : memref<!tpu.dma_semaphore, #tpu.memory_space<semaphore_mem>>)
      %dma_wait3A_1449 = arith.constant 0 : i32
      %dma_wait3A_1450 = tpu.memref_slice %arg8[%mul3A_4, %dma_wait3A_1449] : memref<128x128xi32, #tpu.memory_space<hbm>> -> memref<4x128xi32, #tpu.memory_space<hbm>>
      %dma_wait3A_1451 = arith.constant 0 : i32
      %dma_wait3A_1452 = tpu.memref_slice %arg8[%mul3A_4, %dma_wait3A_1451] : memref<128x128xi32, #tpu.memory_space<hbm>> -> memref<4x128xi32, #tpu.memory_space<hbm>>
      tpu.wait_dma2 semaphore(%run_scoped3A : memref<!tpu.dma_semaphore, #tpu.memory_space<semaphore_mem>>) src(%dma_wait3A_1452 : memref<4x128xi32, #tpu.memory_space<hbm>>) dst(%arg13 : memref<4x128xi32, #tpu.memory_space<vmem>>)
      tpu.yield
    }) : () -> ()
    "tpu.region"() ({
      %run_scoped3A = tpu.sem_alloc : memref<!tpu.dma_semaphore, #tpu.memory_space<semaphore_mem>>
      %dma_start3A_1445 = tpu.memref_slice %arg5[%mul3A_2] : memref<16384xf32, #tpu.memory_space<hbm>> -> memref<512xf32, #tpu.memory_space<hbm>>
      %dma_start3A_1446 = tpu.memref_slice %arg5[%mul3A_2] : memref<16384xf32, #tpu.memory_space<hbm>> -> memref<512xf32, #tpu.memory_space<hbm>>
      tpu.enqueue_dma source(%dma_start3A_1446 : memref<512xf32, #tpu.memory_space<hbm>>) target(%arg14 : memref<512xf32, #tpu.memory_space<vmem>>) target_semaphore(%run_scoped3A : memref<!tpu.dma_semaphore, #tpu.memory_space<semaphore_mem>>)
      %dma_wait3A_1447 = tpu.memref_slice %arg5[%mul3A_2] : memref<16384xf32, #tpu.memory_space<hbm>> -> memref<512xf32, #tpu.memory_space<hbm>>
      %dma_wait3A_1448 = tpu.memref_slice %arg5[%mul3A_2] : memref<16384xf32, #tpu.memory_space<hbm>> -> memref<512xf32, #tpu.memory_space<hbm>>
      tpu.wait_dma2 semaphore(%run_scoped3A : memref<!tpu.dma_semaphore, #tpu.memory_space<semaphore_mem>>) src(%dma_wait3A_1448 : memref<512xf32, #tpu.memory_space<hbm>>) dst(%arg14 : memref<512xf32, #tpu.memory_space<vmem>>)
      tpu.yield
    }) : () -> ()
    "tpu.region"() ({
      %run_scoped3A = tpu.sem_alloc : memref<!tpu.dma_semaphore, #tpu.memory_space<semaphore_mem>>
      %dma_start3A_1445 = tpu.memref_slice %arg6[%mul3A_2] : memref<16384xf32, #tpu.memory_space<hbm>> -> memref<512xf32, #tpu.memory_space<hbm>>
      %dma_start3A_1446 = tpu.memref_slice %arg6[%mul3A_2] : memref<16384xf32, #tpu.memory_space<hbm>> -> memref<512xf32, #tpu.memory_space<hbm>>
      tpu.enqueue_dma source(%dma_start3A_1446 : memref<512xf32, #tpu.memory_space<hbm>>) target(%arg15 : memref<512xf32, #tpu.memory_space<vmem>>) target_semaphore(%run_scoped3A : memref<!tpu.dma_semaphore, #tpu.memory_space<semaphore_mem>>)
      %dma_wait3A_1447 = tpu.memref_slice %arg6[%mul3A_2] : memref<16384xf32, #tpu.memory_space<hbm>> -> memref<512xf32, #tpu.memory_space<hbm>>
      %dma_wait3A_1448 = tpu.memref_slice %arg6[%mul3A_2] : memref<16384xf32, #tpu.memory_space<hbm>> -> memref<512xf32, #tpu.memory_space<hbm>>
      tpu.wait_dma2 semaphore(%run_scoped3A : memref<!tpu.dma_semaphore, #tpu.memory_space<semaphore_mem>>) src(%dma_wait3A_1448 : memref<512xf32, #tpu.memory_space<hbm>>) dst(%arg15 : memref<512xf32, #tpu.memory_space<vmem>>)
      tpu.yield
    }) : () -> ()
    "tpu.region"() ({
      %run_scoped3A = tpu.sem_alloc : memref<!tpu.dma_semaphore, #tpu.memory_space<semaphore_mem>>
      %dma_start3A_1445 = tpu.memref_slice %arg7[%mul3A_2] : memref<16384xf32, #tpu.memory_space<hbm>> -> memref<512xf32, #tpu.memory_space<hbm>>
      %dma_start3A_1446 = tpu.memref_slice %arg7[%mul3A_2] : memref<16384xf32, #tpu.memory_space<hbm>> -> memref<512xf32, #tpu.memory_space<hbm>>
      tpu.enqueue_dma source(%dma_start3A_1446 : memref<512xf32, #tpu.memory_space<hbm>>) target(%arg16 : memref<512xf32, #tpu.memory_space<vmem>>) target_semaphore(%run_scoped3A : memref<!tpu.dma_semaphore, #tpu.memory_space<semaphore_mem>>)
      %dma_wait3A_1447 = tpu.memref_slice %arg7[%mul3A_2] : memref<16384xf32, #tpu.memory_space<hbm>> -> memref<512xf32, #tpu.memory_space<hbm>>
      %dma_wait3A_1448 = tpu.memref_slice %arg7[%mul3A_2] : memref<16384xf32, #tpu.memory_space<hbm>> -> memref<512xf32, #tpu.memory_space<hbm>>
      tpu.wait_dma2 semaphore(%run_scoped3A : memref<!tpu.dma_semaphore, #tpu.memory_space<semaphore_mem>>) src(%dma_wait3A_1448 : memref<512xf32, #tpu.memory_space<hbm>>) dst(%arg16 : memref<512xf32, #tpu.memory_space<vmem>>)
      tpu.yield
    }) : () -> ()
    %dma_start3A = arith.constant 0 : i32
    %dma_start3A_5 = arith.constant 0 : i32
    %dma_start3A_6 = tpu.memref_slice %arg17[%dma_start3A_5] : memref<512xf32, #tpu.memory_space<vmem>> -> memref<128xf32, #tpu.memory_space<vmem>>
    %dma_start3A_7 = arith.constant 0 : i32
    %dma_start3A_8 = tpu.memref_slice %arg13[%dma_start3A, %dma_start3A_7] : memref<4x128xi32, #tpu.memory_space<vmem>> -> memref<1x128xi32, #tpu.memory_space<vmem>>
    %dma_start3A_9 = tpu.memref_squeeze %dma_start3A_8 : memref<1x128xi32, #tpu.memory_space<vmem>> -> memref<128xi32, #tpu.memory_space<vmem>>
    %dma_start3A_10 = arith.constant 0 : i32
    %dma_start3A_11 = tpu.memref_slice %arg2[%dma_start3A_10] : memref<16384xf32, #tpu.memory_space<hbm>> -> memref<16384xf32, #tpu.memory_space<hbm>>
    tpu.enqueue_indirect_dma source(%dma_start3A_11 : memref<16384xf32, #tpu.memory_space<hbm>>) target(%dma_start3A_6 : memref<128xf32, #tpu.memory_space<vmem>>) offsets(%dma_start3A_9 : memref<128xi32, #tpu.memory_space<vmem>>) semaphore(%arg24 : memref<!tpu.dma_semaphore, #tpu.memory_space<semaphore_mem>>)
    %dma_start3A_12 = arith.constant 0 : i32
    %dma_start3A_13 = arith.constant 0 : i32
    %dma_start3A_14 = tpu.memref_slice %arg18[%dma_start3A_13] : memref<512xf32, #tpu.memory_space<vmem>> -> memref<128xf32, #tpu.memory_space<vmem>>
    %dma_start3A_15 = arith.constant 0 : i32
    %dma_start3A_16 = tpu.memref_slice %arg13[%dma_start3A_12, %dma_start3A_15] : memref<4x128xi32, #tpu.memory_space<vmem>> -> memref<1x128xi32, #tpu.memory_space<vmem>>
    %dma_start3A_17 = tpu.memref_squeeze %dma_start3A_16 : memref<1x128xi32, #tpu.memory_space<vmem>> -> memref<128xi32, #tpu.memory_space<vmem>>
    %dma_start3A_18 = arith.constant 0 : i32
    %dma_start3A_19 = tpu.memref_slice %arg3[%dma_start3A_18] : memref<16384xf32, #tpu.memory_space<hbm>> -> memref<16384xf32, #tpu.memory_space<hbm>>
    tpu.enqueue_indirect_dma source(%dma_start3A_19 : memref<16384xf32, #tpu.memory_space<hbm>>) target(%dma_start3A_14 : memref<128xf32, #tpu.memory_space<vmem>>) offsets(%dma_start3A_17 : memref<128xi32, #tpu.memory_space<vmem>>) semaphore(%arg24 : memref<!tpu.dma_semaphore, #tpu.memory_space<semaphore_mem>>)
    %dma_start3A_20 = arith.constant 0 : i32
    %dma_start3A_21 = arith.constant 0 : i32
    %dma_start3A_22 = tpu.memref_slice %arg19[%dma_start3A_21] : memref<512xf32, #tpu.memory_space<vmem>> -> memref<128xf32, #tpu.memory_space<vmem>>
    %dma_start3A_23 = arith.constant 0 : i32
    %dma_start3A_24 = tpu.memref_slice %arg13[%dma_start3A_20, %dma_start3A_23] : memref<4x128xi32, #tpu.memory_space<vmem>> -> memref<1x128xi32, #tpu.memory_space<vmem>>
    %dma_start3A_25 = tpu.memref_squeeze %dma_start3A_24 : memref<1x128xi32, #tpu.memory_space<vmem>> -> memref<128xi32, #tpu.memory_space<vmem>>
    %dma_start3A_26 = arith.constant 0 : i32
    %dma_start3A_27 = tpu.memref_slice %arg4[%dma_start3A_26] : memref<16384xf32, #tpu.memory_space<hbm>> -> memref<16384xf32, #tpu.memory_space<hbm>>
    tpu.enqueue_indirect_dma source(%dma_start3A_27 : memref<16384xf32, #tpu.memory_space<hbm>>) target(%dma_start3A_22 : memref<128xf32, #tpu.memory_space<vmem>>) offsets(%dma_start3A_25 : memref<128xi32, #tpu.memory_space<vmem>>) semaphore(%arg24 : memref<!tpu.dma_semaphore, #tpu.memory_space<semaphore_mem>>)
    %dma_start3A_28 = arith.constant 1 : i32
    %dma_start3A_29 = arith.constant 128 : i32
    %dma_start3A_30 = tpu.memref_slice %arg17[%dma_start3A_29] : memref<512xf32, #tpu.memory_space<vmem>> -> memref<128xf32, #tpu.memory_space<vmem>>
    %dma_start3A_31 = arith.constant 0 : i32
    %dma_start3A_32 = tpu.memref_slice %arg13[%dma_start3A_28, %dma_start3A_31] : memref<4x128xi32, #tpu.memory_space<vmem>> -> memref<1x128xi32, #tpu.memory_space<vmem>>
    %dma_start3A_33 = tpu.memref_squeeze %dma_start3A_32 : memref<1x128xi32, #tpu.memory_space<vmem>> -> memref<128xi32, #tpu.memory_space<vmem>>
    %dma_start3A_34 = arith.constant 0 : i32
    %dma_start3A_35 = tpu.memref_slice %arg2[%dma_start3A_34] : memref<16384xf32, #tpu.memory_space<hbm>> -> memref<16384xf32, #tpu.memory_space<hbm>>
    tpu.enqueue_indirect_dma source(%dma_start3A_35 : memref<16384xf32, #tpu.memory_space<hbm>>) target(%dma_start3A_30 : memref<128xf32, #tpu.memory_space<vmem>>) offsets(%dma_start3A_33 : memref<128xi32, #tpu.memory_space<vmem>>) semaphore(%arg24 : memref<!tpu.dma_semaphore, #tpu.memory_space<semaphore_mem>>)
    %dma_start3A_36 = arith.constant 1 : i32
    %dma_start3A_37 = arith.constant 128 : i32
    %dma_start3A_38 = tpu.memref_slice %arg18[%dma_start3A_37] : memref<512xf32, #tpu.memory_space<vmem>> -> memref<128xf32, #tpu.memory_space<vmem>>
    %dma_start3A_39 = arith.constant 0 : i32
    %dma_start3A_40 = tpu.memref_slice %arg13[%dma_start3A_36, %dma_start3A_39] : memref<4x128xi32, #tpu.memory_space<vmem>> -> memref<1x128xi32, #tpu.memory_space<vmem>>
    %dma_start3A_41 = tpu.memref_squeeze %dma_start3A_40 : memref<1x128xi32, #tpu.memory_space<vmem>> -> memref<128xi32, #tpu.memory_space<vmem>>
    %dma_start3A_42 = arith.constant 0 : i32
    %dma_start3A_43 = tpu.memref_slice %arg3[%dma_start3A_42] : memref<16384xf32, #tpu.memory_space<hbm>> -> memref<16384xf32, #tpu.memory_space<hbm>>
    tpu.enqueue_indirect_dma source(%dma_start3A_43 : memref<16384xf32, #tpu.memory_space<hbm>>) target(%dma_start3A_38 : memref<128xf32, #tpu.memory_space<vmem>>) offsets(%dma_start3A_41 : memref<128xi32, #tpu.memory_space<vmem>>) semaphore(%arg24 : memref<!tpu.dma_semaphore, #tpu.memory_space<semaphore_mem>>)
    %dma_start3A_44 = arith.constant 1 : i32
    %dma_start3A_45 = arith.constant 128 : i32
    %dma_start3A_46 = tpu.memref_slice %arg19[%dma_start3A_45] : memref<512xf32, #tpu.memory_space<vmem>> -> memref<128xf32, #tpu.memory_space<vmem>>
    %dma_start3A_47 = arith.constant 0 : i32
    %dma_start3A_48 = tpu.memref_slice %arg13[%dma_start3A_44, %dma_start3A_47] : memref<4x128xi32, #tpu.memory_space<vmem>> -> memref<1x128xi32, #tpu.memory_space<vmem>>
    %dma_start3A_49 = tpu.memref_squeeze %dma_start3A_48 : memref<1x128xi32, #tpu.memory_space<vmem>> -> memref<128xi32, #tpu.memory_space<vmem>>
    %dma_start3A_50 = arith.constant 0 : i32
    %dma_start3A_51 = tpu.memref_slice %arg4[%dma_start3A_50] : memref<16384xf32, #tpu.memory_space<hbm>> -> memref<16384xf32, #tpu.memory_space<hbm>>
    tpu.enqueue_indirect_dma source(%dma_start3A_51 : memref<16384xf32, #tpu.memory_space<hbm>>) target(%dma_start3A_46 : memref<128xf32, #tpu.memory_space<vmem>>) offsets(%dma_start3A_49 : memref<128xi32, #tpu.memory_space<vmem>>) semaphore(%arg24 : memref<!tpu.dma_semaphore, #tpu.memory_space<semaphore_mem>>)
    %dma_start3A_52 = arith.constant 2 : i32
    %dma_start3A_53 = arith.constant 256 : i32
    %dma_start3A_54 = tpu.memref_slice %arg17[%dma_start3A_53] : memref<512xf32, #tpu.memory_space<vmem>> -> memref<128xf32, #tpu.memory_space<vmem>>
    %dma_start3A_55 = arith.constant 0 : i32
    %dma_start3A_56 = tpu.memref_slice %arg13[%dma_start3A_52, %dma_start3A_55] : memref<4x128xi32, #tpu.memory_space<vmem>> -> memref<1x128xi32, #tpu.memory_space<vmem>>
    %dma_start3A_57 = tpu.memref_squeeze %dma_start3A_56 : memref<1x128xi32, #tpu.memory_space<vmem>> -> memref<128xi32, #tpu.memory_space<vmem>>
    %dma_start3A_58 = arith.constant 0 : i32
    %dma_start3A_59 = tpu.memref_slice %arg2[%dma_start3A_58] : memref<16384xf32, #tpu.memory_space<hbm>> -> memref<16384xf32, #tpu.memory_space<hbm>>
    tpu.enqueue_indirect_dma source(%dma_start3A_59 : memref<16384xf32, #tpu.memory_space<hbm>>) target(%dma_start3A_54 : memref<128xf32, #tpu.memory_space<vmem>>) offsets(%dma_start3A_57 : memref<128xi32, #tpu.memory_space<vmem>>) semaphore(%arg24 : memref<!tpu.dma_semaphore, #tpu.memory_space<semaphore_mem>>)
    %dma_start3A_60 = arith.constant 2 : i32
    %dma_start3A_61 = arith.constant 256 : i32
    %dma_start3A_62 = tpu.memref_slice %arg18[%dma_start3A_61] : memref<512xf32, #tpu.memory_space<vmem>> -> memref<128xf32, #tpu.memory_space<vmem>>
    %dma_start3A_63 = arith.constant 0 : i32
    %dma_start3A_64 = tpu.memref_slice %arg13[%dma_start3A_60, %dma_start3A_63] : memref<4x128xi32, #tpu.memory_space<vmem>> -> memref<1x128xi32, #tpu.memory_space<vmem>>
    %dma_start3A_65 = tpu.memref_squeeze %dma_start3A_64 : memref<1x128xi32, #tpu.memory_space<vmem>> -> memref<128xi32, #tpu.memory_space<vmem>>
    %dma_start3A_66 = arith.constant 0 : i32
    %dma_start3A_67 = tpu.memref_slice %arg3[%dma_start3A_66] : memref<16384xf32, #tpu.memory_space<hbm>> -> memref<16384xf32, #tpu.memory_space<hbm>>
    tpu.enqueue_indirect_dma source(%dma_start3A_67 : memref<16384xf32, #tpu.memory_space<hbm>>) target(%dma_start3A_62 : memref<128xf32, #tpu.memory_space<vmem>>) offsets(%dma_start3A_65 : memref<128xi32, #tpu.memory_space<vmem>>) semaphore(%arg24 : memref<!tpu.dma_semaphore, #tpu.memory_space<semaphore_mem>>)
    %dma_start3A_68 = arith.constant 2 : i32
    %dma_start3A_69 = arith.constant 256 : i32
    %dma_start3A_70 = tpu.memref_slice %arg19[%dma_start3A_69] : memref<512xf32, #tpu.memory_space<vmem>> -> memref<128xf32, #tpu.memory_space<vmem>>
    %dma_start3A_71 = arith.constant 0 : i32
    %dma_start3A_72 = tpu.memref_slice %arg13[%dma_start3A_68, %dma_start3A_71] : memref<4x128xi32, #tpu.memory_space<vmem>> -> memref<1x128xi32, #tpu.memory_space<vmem>>
    %dma_start3A_73 = tpu.memref_squeeze %dma_start3A_72 : memref<1x128xi32, #tpu.memory_space<vmem>> -> memref<128xi32, #tpu.memory_space<vmem>>
    %dma_start3A_74 = arith.constant 0 : i32
    %dma_start3A_75 = tpu.memref_slice %arg4[%dma_start3A_74] : memref<16384xf32, #tpu.memory_space<hbm>> -> memref<16384xf32, #tpu.memory_space<hbm>>
    tpu.enqueue_indirect_dma source(%dma_start3A_75 : memref<16384xf32, #tpu.memory_space<hbm>>) target(%dma_start3A_70 : memref<128xf32, #tpu.memory_space<vmem>>) offsets(%dma_start3A_73 : memref<128xi32, #tpu.memory_space<vmem>>) semaphore(%arg24 : memref<!tpu.dma_semaphore, #tpu.memory_space<semaphore_mem>>)
    %dma_start3A_76 = arith.constant 3 : i32
    %dma_start3A_77 = arith.constant 384 : i32
    %dma_start3A_78 = tpu.memref_slice %arg17[%dma_start3A_77] : memref<512xf32, #tpu.memory_space<vmem>> -> memref<128xf32, #tpu.memory_space<vmem>>
    %dma_start3A_79 = arith.constant 0 : i32
    %dma_start3A_80 = tpu.memref_slice %arg13[%dma_start3A_76, %dma_start3A_79] : memref<4x128xi32, #tpu.memory_space<vmem>> -> memref<1x128xi32, #tpu.memory_space<vmem>>
    %dma_start3A_81 = tpu.memref_squeeze %dma_start3A_80 : memref<1x128xi32, #tpu.memory_space<vmem>> -> memref<128xi32, #tpu.memory_space<vmem>>
    %dma_start3A_82 = arith.constant 0 : i32
    %dma_start3A_83 = tpu.memref_slice %arg2[%dma_start3A_82] : memref<16384xf32, #tpu.memory_space<hbm>> -> memref<16384xf32, #tpu.memory_space<hbm>>
    tpu.enqueue_indirect_dma source(%dma_start3A_83 : memref<16384xf32, #tpu.memory_space<hbm>>) target(%dma_start3A_78 : memref<128xf32, #tpu.memory_space<vmem>>) offsets(%dma_start3A_81 : memref<128xi32, #tpu.memory_space<vmem>>) semaphore(%arg24 : memref<!tpu.dma_semaphore, #tpu.memory_space<semaphore_mem>>)
    %dma_start3A_84 = arith.constant 3 : i32
    %dma_start3A_85 = arith.constant 384 : i32
    %dma_start3A_86 = tpu.memref_slice %arg18[%dma_start3A_85] : memref<512xf32, #tpu.memory_space<vmem>> -> memref<128xf32, #tpu.memory_space<vmem>>
    %dma_start3A_87 = arith.constant 0 : i32
    %dma_start3A_88 = tpu.memref_slice %arg13[%dma_start3A_84, %dma_start3A_87] : memref<4x128xi32, #tpu.memory_space<vmem>> -> memref<1x128xi32, #tpu.memory_space<vmem>>
    %dma_start3A_89 = tpu.memref_squeeze %dma_start3A_88 : memref<1x128xi32, #tpu.memory_space<vmem>> -> memref<128xi32, #tpu.memory_space<vmem>>
    %dma_start3A_90 = arith.constant 0 : i32
    %dma_start3A_91 = tpu.memref_slice %arg3[%dma_start3A_90] : memref<16384xf32, #tpu.memory_space<hbm>> -> memref<16384xf32, #tpu.memory_space<hbm>>
    tpu.enqueue_indirect_dma source(%dma_start3A_91 : memref<16384xf32, #tpu.memory_space<hbm>>) target(%dma_start3A_86 : memref<128xf32, #tpu.memory_space<vmem>>) offsets(%dma_start3A_89 : memref<128xi32, #tpu.memory_space<vmem>>) semaphore(%arg24 : memref<!tpu.dma_semaphore, #tpu.memory_space<semaphore_mem>>)
    %dma_start3A_92 = arith.constant 3 : i32
    %dma_start3A_93 = arith.constant 384 : i32
    %dma_start3A_94 = tpu.memref_slice %arg19[%dma_start3A_93] : memref<512xf32, #tpu.memory_space<vmem>> -> memref<128xf32, #tpu.memory_space<vmem>>
    %dma_start3A_95 = arith.constant 0 : i32
    %dma_start3A_96 = tpu.memref_slice %arg13[%dma_start3A_92, %dma_start3A_95] : memref<4x128xi32, #tpu.memory_space<vmem>> -> memref<1x128xi32, #tpu.memory_space<vmem>>
    %dma_start3A_97 = tpu.memref_squeeze %dma_start3A_96 : memref<1x128xi32, #tpu.memory_space<vmem>> -> memref<128xi32, #tpu.memory_space<vmem>>
    %dma_start3A_98 = arith.constant 0 : i32
    %dma_start3A_99 = tpu.memref_slice %arg4[%dma_start3A_98] : memref<16384xf32, #tpu.memory_space<hbm>> -> memref<16384xf32, #tpu.memory_space<hbm>>
    tpu.enqueue_indirect_dma source(%dma_start3A_99 : memref<16384xf32, #tpu.memory_space<hbm>>) target(%dma_start3A_94 : memref<128xf32, #tpu.memory_space<vmem>>) offsets(%dma_start3A_97 : memref<128xi32, #tpu.memory_space<vmem>>) semaphore(%arg24 : memref<!tpu.dma_semaphore, #tpu.memory_space<semaphore_mem>>)
    %dma_wait3A = arith.constant 0 : i32
    %dma_wait3A_100 = arith.constant 0 : i32
    %dma_wait3A_101 = tpu.memref_slice %arg17[%dma_wait3A_100] : memref<512xf32, #tpu.memory_space<vmem>> -> memref<128xf32, #tpu.memory_space<vmem>>
    %dma_wait3A_102 = arith.constant 0 : i32
    %dma_wait3A_103 = tpu.memref_slice %arg13[%dma_wait3A, %dma_wait3A_102] : memref<4x128xi32, #tpu.memory_space<vmem>> -> memref<1x128xi32, #tpu.memory_space<vmem>>
    %dma_wait3A_104 = tpu.memref_squeeze %dma_wait3A_103 : memref<1x128xi32, #tpu.memory_space<vmem>> -> memref<128xi32, #tpu.memory_space<vmem>>
    %dma_wait3A_105 = arith.constant 0 : i32
    %dma_wait3A_106 = tpu.memref_slice %arg2[%dma_wait3A_105] : memref<16384xf32, #tpu.memory_space<hbm>> -> memref<16384xf32, #tpu.memory_space<hbm>>
    tpu.wait_indirect_dma semaphore(%arg24 : memref<!tpu.dma_semaphore, #tpu.memory_space<semaphore_mem>>) src(%dma_wait3A_106 : memref<16384xf32, #tpu.memory_space<hbm>>) dst(%dma_wait3A_101 : memref<128xf32, #tpu.memory_space<vmem>>)
    %dma_wait3A_107 = arith.constant 0 : i32
    %dma_wait3A_108 = arith.constant 0 : i32
    %dma_wait3A_109 = tpu.memref_slice %arg18[%dma_wait3A_108] : memref<512xf32, #tpu.memory_space<vmem>> -> memref<128xf32, #tpu.memory_space<vmem>>
    %dma_wait3A_110 = arith.constant 0 : i32
    %dma_wait3A_111 = tpu.memref_slice %arg13[%dma_wait3A_107, %dma_wait3A_110] : memref<4x128xi32, #tpu.memory_space<vmem>> -> memref<1x128xi32, #tpu.memory_space<vmem>>
    %dma_wait3A_112 = tpu.memref_squeeze %dma_wait3A_111 : memref<1x128xi32, #tpu.memory_space<vmem>> -> memref<128xi32, #tpu.memory_space<vmem>>
    %dma_wait3A_113 = arith.constant 0 : i32
    %dma_wait3A_114 = tpu.memref_slice %arg3[%dma_wait3A_113] : memref<16384xf32, #tpu.memory_space<hbm>> -> memref<16384xf32, #tpu.memory_space<hbm>>
    tpu.wait_indirect_dma semaphore(%arg24 : memref<!tpu.dma_semaphore, #tpu.memory_space<semaphore_mem>>) src(%dma_wait3A_114 : memref<16384xf32, #tpu.memory_space<hbm>>) dst(%dma_wait3A_109 : memref<128xf32, #tpu.memory_space<vmem>>)
    %dma_wait3A_115 = arith.constant 0 : i32
    %dma_wait3A_116 = arith.constant 0 : i32
    %dma_wait3A_117 = tpu.memref_slice %arg19[%dma_wait3A_116] : memref<512xf32, #tpu.memory_space<vmem>> -> memref<128xf32, #tpu.memory_space<vmem>>
    %dma_wait3A_118 = arith.constant 0 : i32
    %dma_wait3A_119 = tpu.memref_slice %arg13[%dma_wait3A_115, %dma_wait3A_118] : memref<4x128xi32, #tpu.memory_space<vmem>> -> memref<1x128xi32, #tpu.memory_space<vmem>>
    %dma_wait3A_120 = tpu.memref_squeeze %dma_wait3A_119 : memref<1x128xi32, #tpu.memory_space<vmem>> -> memref<128xi32, #tpu.memory_space<vmem>>
    %dma_wait3A_121 = arith.constant 0 : i32
    %dma_wait3A_122 = tpu.memref_slice %arg4[%dma_wait3A_121] : memref<16384xf32, #tpu.memory_space<hbm>> -> memref<16384xf32, #tpu.memory_space<hbm>>
    tpu.wait_indirect_dma semaphore(%arg24 : memref<!tpu.dma_semaphore, #tpu.memory_space<semaphore_mem>>) src(%dma_wait3A_122 : memref<16384xf32, #tpu.memory_space<hbm>>) dst(%dma_wait3A_117 : memref<128xf32, #tpu.memory_space<vmem>>)
    %dma_wait3A_123 = arith.constant 1 : i32
    %dma_wait3A_124 = arith.constant 128 : i32
    %dma_wait3A_125 = tpu.memref_slice %arg17[%dma_wait3A_124] : memref<512xf32, #tpu.memory_space<vmem>> -> memref<128xf32, #tpu.memory_space<vmem>>
    %dma_wait3A_126 = arith.constant 0 : i32
    %dma_wait3A_127 = tpu.memref_slice %arg13[%dma_wait3A_123, %dma_wait3A_126] : memref<4x128xi32, #tpu.memory_space<vmem>> -> memref<1x128xi32, #tpu.memory_space<vmem>>
    %dma_wait3A_128 = tpu.memref_squeeze %dma_wait3A_127 : memref<1x128xi32, #tpu.memory_space<vmem>> -> memref<128xi32, #tpu.memory_space<vmem>>
    %dma_wait3A_129 = arith.constant 0 : i32
    %dma_wait3A_130 = tpu.memref_slice %arg2[%dma_wait3A_129] : memref<16384xf32, #tpu.memory_space<hbm>> -> memref<16384xf32, #tpu.memory_space<hbm>>
    tpu.wait_indirect_dma semaphore(%arg24 : memref<!tpu.dma_semaphore, #tpu.memory_space<semaphore_mem>>) src(%dma_wait3A_130 : memref<16384xf32, #tpu.memory_space<hbm>>) dst(%dma_wait3A_125 : memref<128xf32, #tpu.memory_space<vmem>>)
    %dma_wait3A_131 = arith.constant 1 : i32
    %dma_wait3A_132 = arith.constant 128 : i32
    %dma_wait3A_133 = tpu.memref_slice %arg18[%dma_wait3A_132] : memref<512xf32, #tpu.memory_space<vmem>> -> memref<128xf32, #tpu.memory_space<vmem>>
    %dma_wait3A_134 = arith.constant 0 : i32
    %dma_wait3A_135 = tpu.memref_slice %arg13[%dma_wait3A_131, %dma_wait3A_134] : memref<4x128xi32, #tpu.memory_space<vmem>> -> memref<1x128xi32, #tpu.memory_space<vmem>>
    %dma_wait3A_136 = tpu.memref_squeeze %dma_wait3A_135 : memref<1x128xi32, #tpu.memory_space<vmem>> -> memref<128xi32, #tpu.memory_space<vmem>>
    %dma_wait3A_137 = arith.constant 0 : i32
    %dma_wait3A_138 = tpu.memref_slice %arg3[%dma_wait3A_137] : memref<16384xf32, #tpu.memory_space<hbm>> -> memref<16384xf32, #tpu.memory_space<hbm>>
    tpu.wait_indirect_dma semaphore(%arg24 : memref<!tpu.dma_semaphore, #tpu.memory_space<semaphore_mem>>) src(%dma_wait3A_138 : memref<16384xf32, #tpu.memory_space<hbm>>) dst(%dma_wait3A_133 : memref<128xf32, #tpu.memory_space<vmem>>)
    %dma_wait3A_139 = arith.constant 1 : i32
    %dma_wait3A_140 = arith.constant 128 : i32
    %dma_wait3A_141 = tpu.memref_slice %arg19[%dma_wait3A_140] : memref<512xf32, #tpu.memory_space<vmem>> -> memref<128xf32, #tpu.memory_space<vmem>>
    %dma_wait3A_142 = arith.constant 0 : i32
    %dma_wait3A_143 = tpu.memref_slice %arg13[%dma_wait3A_139, %dma_wait3A_142] : memref<4x128xi32, #tpu.memory_space<vmem>> -> memref<1x128xi32, #tpu.memory_space<vmem>>
    %dma_wait3A_144 = tpu.memref_squeeze %dma_wait3A_143 : memref<1x128xi32, #tpu.memory_space<vmem>> -> memref<128xi32, #tpu.memory_space<vmem>>
    %dma_wait3A_145 = arith.constant 0 : i32
    %dma_wait3A_146 = tpu.memref_slice %arg4[%dma_wait3A_145] : memref<16384xf32, #tpu.memory_space<hbm>> -> memref<16384xf32, #tpu.memory_space<hbm>>
    tpu.wait_indirect_dma semaphore(%arg24 : memref<!tpu.dma_semaphore, #tpu.memory_space<semaphore_mem>>) src(%dma_wait3A_146 : memref<16384xf32, #tpu.memory_space<hbm>>) dst(%dma_wait3A_141 : memref<128xf32, #tpu.memory_space<vmem>>)
    %dma_wait3A_147 = arith.constant 2 : i32
    %dma_wait3A_148 = arith.constant 256 : i32
    %dma_wait3A_149 = tpu.memref_slice %arg17[%dma_wait3A_148] : memref<512xf32, #tpu.memory_space<vmem>> -> memref<128xf32, #tpu.memory_space<vmem>>
    %dma_wait3A_150 = arith.constant 0 : i32
    %dma_wait3A_151 = tpu.memref_slice %arg13[%dma_wait3A_147, %dma_wait3A_150] : memref<4x128xi32, #tpu.memory_space<vmem>> -> memref<1x128xi32, #tpu.memory_space<vmem>>
    %dma_wait3A_152 = tpu.memref_squeeze %dma_wait3A_151 : memref<1x128xi32, #tpu.memory_space<vmem>> -> memref<128xi32, #tpu.memory_space<vmem>>
    %dma_wait3A_153 = arith.constant 0 : i32
    %dma_wait3A_154 = tpu.memref_slice %arg2[%dma_wait3A_153] : memref<16384xf32, #tpu.memory_space<hbm>> -> memref<16384xf32, #tpu.memory_space<hbm>>
    tpu.wait_indirect_dma semaphore(%arg24 : memref<!tpu.dma_semaphore, #tpu.memory_space<semaphore_mem>>) src(%dma_wait3A_154 : memref<16384xf32, #tpu.memory_space<hbm>>) dst(%dma_wait3A_149 : memref<128xf32, #tpu.memory_space<vmem>>)
    %dma_wait3A_155 = arith.constant 2 : i32
    %dma_wait3A_156 = arith.constant 256 : i32
    %dma_wait3A_157 = tpu.memref_slice %arg18[%dma_wait3A_156] : memref<512xf32, #tpu.memory_space<vmem>> -> memref<128xf32, #tpu.memory_space<vmem>>
    %dma_wait3A_158 = arith.constant 0 : i32
    %dma_wait3A_159 = tpu.memref_slice %arg13[%dma_wait3A_155, %dma_wait3A_158] : memref<4x128xi32, #tpu.memory_space<vmem>> -> memref<1x128xi32, #tpu.memory_space<vmem>>
    %dma_wait3A_160 = tpu.memref_squeeze %dma_wait3A_159 : memref<1x128xi32, #tpu.memory_space<vmem>> -> memref<128xi32, #tpu.memory_space<vmem>>
    %dma_wait3A_161 = arith.constant 0 : i32
    %dma_wait3A_162 = tpu.memref_slice %arg3[%dma_wait3A_161] : memref<16384xf32, #tpu.memory_space<hbm>> -> memref<16384xf32, #tpu.memory_space<hbm>>
    tpu.wait_indirect_dma semaphore(%arg24 : memref<!tpu.dma_semaphore, #tpu.memory_space<semaphore_mem>>) src(%dma_wait3A_162 : memref<16384xf32, #tpu.memory_space<hbm>>) dst(%dma_wait3A_157 : memref<128xf32, #tpu.memory_space<vmem>>)
    %dma_wait3A_163 = arith.constant 2 : i32
    %dma_wait3A_164 = arith.constant 256 : i32
    %dma_wait3A_165 = tpu.memref_slice %arg19[%dma_wait3A_164] : memref<512xf32, #tpu.memory_space<vmem>> -> memref<128xf32, #tpu.memory_space<vmem>>
    %dma_wait3A_166 = arith.constant 0 : i32
    %dma_wait3A_167 = tpu.memref_slice %arg13[%dma_wait3A_163, %dma_wait3A_166] : memref<4x128xi32, #tpu.memory_space<vmem>> -> memref<1x128xi32, #tpu.memory_space<vmem>>
    %dma_wait3A_168 = tpu.memref_squeeze %dma_wait3A_167 : memref<1x128xi32, #tpu.memory_space<vmem>> -> memref<128xi32, #tpu.memory_space<vmem>>
    %dma_wait3A_169 = arith.constant 0 : i32
    %dma_wait3A_170 = tpu.memref_slice %arg4[%dma_wait3A_169] : memref<16384xf32, #tpu.memory_space<hbm>> -> memref<16384xf32, #tpu.memory_space<hbm>>
    tpu.wait_indirect_dma semaphore(%arg24 : memref<!tpu.dma_semaphore, #tpu.memory_space<semaphore_mem>>) src(%dma_wait3A_170 : memref<16384xf32, #tpu.memory_space<hbm>>) dst(%dma_wait3A_165 : memref<128xf32, #tpu.memory_space<vmem>>)
    %dma_wait3A_171 = arith.constant 3 : i32
    %dma_wait3A_172 = arith.constant 384 : i32
    %dma_wait3A_173 = tpu.memref_slice %arg17[%dma_wait3A_172] : memref<512xf32, #tpu.memory_space<vmem>> -> memref<128xf32, #tpu.memory_space<vmem>>
    %dma_wait3A_174 = arith.constant 0 : i32
    %dma_wait3A_175 = tpu.memref_slice %arg13[%dma_wait3A_171, %dma_wait3A_174] : memref<4x128xi32, #tpu.memory_space<vmem>> -> memref<1x128xi32, #tpu.memory_space<vmem>>
    %dma_wait3A_176 = tpu.memref_squeeze %dma_wait3A_175 : memref<1x128xi32, #tpu.memory_space<vmem>> -> memref<128xi32, #tpu.memory_space<vmem>>
    %dma_wait3A_177 = arith.constant 0 : i32
    %dma_wait3A_178 = tpu.memref_slice %arg2[%dma_wait3A_177] : memref<16384xf32, #tpu.memory_space<hbm>> -> memref<16384xf32, #tpu.memory_space<hbm>>
    tpu.wait_indirect_dma semaphore(%arg24 : memref<!tpu.dma_semaphore, #tpu.memory_space<semaphore_mem>>) src(%dma_wait3A_178 : memref<16384xf32, #tpu.memory_space<hbm>>) dst(%dma_wait3A_173 : memref<128xf32, #tpu.memory_space<vmem>>)
    %dma_wait3A_179 = arith.constant 3 : i32
    %dma_wait3A_180 = arith.constant 384 : i32
    %dma_wait3A_181 = tpu.memref_slice %arg18[%dma_wait3A_180] : memref<512xf32, #tpu.memory_space<vmem>> -> memref<128xf32, #tpu.memory_space<vmem>>
    %dma_wait3A_182 = arith.constant 0 : i32
    %dma_wait3A_183 = tpu.memref_slice %arg13[%dma_wait3A_179, %dma_wait3A_182] : memref<4x128xi32, #tpu.memory_space<vmem>> -> memref<1x128xi32, #tpu.memory_space<vmem>>
    %dma_wait3A_184 = tpu.memref_squeeze %dma_wait3A_183 : memref<1x128xi32, #tpu.memory_space<vmem>> -> memref<128xi32, #tpu.memory_space<vmem>>
    %dma_wait3A_185 = arith.constant 0 : i32
    %dma_wait3A_186 = tpu.memref_slice %arg3[%dma_wait3A_185] : memref<16384xf32, #tpu.memory_space<hbm>> -> memref<16384xf32, #tpu.memory_space<hbm>>
    tpu.wait_indirect_dma semaphore(%arg24 : memref<!tpu.dma_semaphore, #tpu.memory_space<semaphore_mem>>) src(%dma_wait3A_186 : memref<16384xf32, #tpu.memory_space<hbm>>) dst(%dma_wait3A_181 : memref<128xf32, #tpu.memory_space<vmem>>)
    %dma_wait3A_187 = arith.constant 3 : i32
    %dma_wait3A_188 = arith.constant 384 : i32
    %dma_wait3A_189 = tpu.memref_slice %arg19[%dma_wait3A_188] : memref<512xf32, #tpu.memory_space<vmem>> -> memref<128xf32, #tpu.memory_space<vmem>>
    %dma_wait3A_190 = arith.constant 0 : i32
    %dma_wait3A_191 = tpu.memref_slice %arg13[%dma_wait3A_187, %dma_wait3A_190] : memref<4x128xi32, #tpu.memory_space<vmem>> -> memref<1x128xi32, #tpu.memory_space<vmem>>
    %dma_wait3A_192 = tpu.memref_squeeze %dma_wait3A_191 : memref<1x128xi32, #tpu.memory_space<vmem>> -> memref<128xi32, #tpu.memory_space<vmem>>
    %dma_wait3A_193 = arith.constant 0 : i32
    %dma_wait3A_194 = tpu.memref_slice %arg4[%dma_wait3A_193] : memref<16384xf32, #tpu.memory_space<hbm>> -> memref<16384xf32, #tpu.memory_space<hbm>>
    tpu.wait_indirect_dma semaphore(%arg24 : memref<!tpu.dma_semaphore, #tpu.memory_space<semaphore_mem>>) src(%dma_wait3A_194 : memref<16384xf32, #tpu.memory_space<hbm>>) dst(%dma_wait3A_189 : memref<128xf32, #tpu.memory_space<vmem>>)
    %broadcast_in_dim3A = arith.constant 0.000000e+00 : f32
    %broadcast_in_dim3A_195 = vector.broadcast %broadcast_in_dim3A : f32 to vector<16xf32>
    %get3A = arith.constant 0 : index
    %get3A_196 = tpu.vector_load %arg14[%get3A] {strides = array<i32>} : memref<512xf32, #tpu.memory_space<vmem>>, vector<16xf32>,
    %get3A_197 = vector.shape_cast %get3A_196 : vector<16xf32> to vector<16xf32>
    %get3A_198 = arith.constant 0 : index
    %get3A_199 = tpu.vector_load %arg17[%get3A_198] {strides = array<i32>} : memref<512xf32, #tpu.memory_space<vmem>>, vector<16xf32>,
    %get3A_200 = vector.shape_cast %get3A_199 : vector<16xf32> to vector<16xf32>
    %sub3A = arith.subf %get3A_197, %get3A_200 : vector<16xf32>
    %get3A_201 = arith.constant 0 : index
    %get3A_202 = tpu.vector_load %arg15[%get3A_201] {strides = array<i32>} : memref<512xf32, #tpu.memory_space<vmem>>, vector<16xf32>,
    %get3A_203 = vector.shape_cast %get3A_202 : vector<16xf32> to vector<16xf32>
    %get3A_204 = arith.constant 0 : index
    %get3A_205 = tpu.vector_load %arg18[%get3A_204] {strides = array<i32>} : memref<512xf32, #tpu.memory_space<vmem>>, vector<16xf32>,
    %get3A_206 = vector.shape_cast %get3A_205 : vector<16xf32> to vector<16xf32>
    %sub3A_207 = arith.subf %get3A_203, %get3A_206 : vector<16xf32>
    %get3A_208 = arith.constant 0 : index
    %get3A_209 = tpu.vector_load %arg16[%get3A_208] {strides = array<i32>} : memref<512xf32, #tpu.memory_space<vmem>>, vector<16xf32>,
    %get3A_210 = vector.shape_cast %get3A_209 : vector<16xf32> to vector<16xf32>
    %get3A_211 = arith.constant 0 : index
    %get3A_212 = tpu.vector_load %arg19[%get3A_211] {strides = array<i32>} : memref<512xf32, #tpu.memory_space<vmem>>, vector<16xf32>,
    %get3A_213 = vector.shape_cast %get3A_212 : vector<16xf32> to vector<16xf32>
    %sub3A_214 = arith.subf %get3A_210, %get3A_213 : vector<16xf32>
    %mul3A_215 = arith.mulf %sub3A, %sub3A : vector<16xf32>
    %mul3A_216 = arith.mulf %sub3A_207, %sub3A_207 : vector<16xf32>
    %mul3A_217 = arith.mulf %sub3A_214, %sub3A_214 : vector<16xf32>
    %swap3A = arith.constant 0 : index
    %swap3A_218 = tpu.vector_load %arg20[%swap3A] {strides = array<i32>} : memref<512xf32, #tpu.memory_space<vmem>>, vector<16xf32>,
    %swap3A_219 = vector.shape_cast %swap3A_218 : vector<16xf32> to vector<16xf32>
    %swap3A_220 = vector.shape_cast %mul3A_215 : vector<16xf32> to vector<16xf32>
    tpu.vector_store %arg20[%swap3A], %swap3A_220 {strides = array<i32>} : memref<512xf32, #tpu.memory_space<vmem>>, vector<16xf32>,
    %swap3A_221 = arith.constant 0 : index
    %swap3A_222 = tpu.vector_load %arg21[%swap3A_221] {strides = array<i32>} : memref<512xf32, #tpu.memory_space<vmem>>, vector<16xf32>,
    %swap3A_223 = vector.shape_cast %swap3A_222 : vector<16xf32> to vector<16xf32>
    %swap3A_224 = vector.shape_cast %mul3A_216 : vector<16xf32> to vector<16xf32>
    tpu.vector_store %arg21[%swap3A_221], %swap3A_224 {strides = array<i32>} : memref<512xf32, #tpu.memory_space<vmem>>, vector<16xf32>,
    %swap3A_225 = arith.constant 0 : index
    %swap3A_226 = tpu.vector_load %arg22[%swap3A_225] {strides = array<i32>} : memref<512xf32, #tpu.memory_space<vmem>>, vector<16xf32>,
    %swap3A_227 = vector.shape_cast %swap3A_226 : vector<16xf32> to vector<16xf32>
    %swap3A_228 = vector.shape_cast %mul3A_217 : vector<16xf32> to vector<16xf32>
    tpu.vector_store %arg22[%swap3A_225], %swap3A_228 {strides = array<i32>} : memref<512xf32, #tpu.memory_space<vmem>>, vector<16xf32>,
    %add3A_229 = arith.addf %broadcast_in_dim3A_195, %mul3A_215 : vector<16xf32>
    %add3A_230 = arith.addf %add3A_229, %mul3A_216 : vector<16xf32>
    %add3A_231 = arith.addf %add3A_230, %mul3A_217 : vector<16xf32>
    %get3A_232 = arith.constant 16 : index
    %get3A_233 = tpu.vector_load %arg14[%get3A_232] {strides = array<i32>} : memref<512xf32, #tpu.memory_space<vmem>>, vector<16xf32>,
    %get3A_234 = vector.shape_cast %get3A_233 : vector<16xf32> to vector<16xf32>
    %get3A_235 = arith.constant 16 : index
    %get3A_236 = tpu.vector_load %arg17[%get3A_235] {strides = array<i32>} : memref<512xf32, #tpu.memory_space<vmem>>, vector<16xf32>,
    %get3A_237 = vector.shape_cast %get3A_236 : vector<16xf32> to vector<16xf32>
    %sub3A_238 = arith.subf %get3A_234, %get3A_237 : vector<16xf32>
    %get3A_239 = arith.constant 16 : index
    %get3A_240 = tpu.vector_load %arg15[%get3A_239] {strides = array<i32>} : memref<512xf32, #tpu.memory_space<vmem>>, vector<16xf32>,
    %get3A_241 = vector.shape_cast %get3A_240 : vector<16xf32> to vector<16xf32>
    %get3A_242 = arith.constant 16 : index
    %get3A_243 = tpu.vector_load %arg18[%get3A_242] {strides = array<i32>} : memref<512xf32, #tpu.memory_space<vmem>>, vector<16xf32>,
    %get3A_244 = vector.shape_cast %get3A_243 : vector<16xf32> to vector<16xf32>
    %sub3A_245 = arith.subf %get3A_241, %get3A_244 : vector<16xf32>
    %get3A_246 = arith.constant 16 : index
    %get3A_247 = tpu.vector_load %arg16[%get3A_246] {strides = array<i32>} : memref<512xf32, #tpu.memory_space<vmem>>, vector<16xf32>,
    %get3A_248 = vector.shape_cast %get3A_247 : vector<16xf32> to vector<16xf32>
    %get3A_249 = arith.constant 16 : index
    %get3A_250 = tpu.vector_load %arg19[%get3A_249] {strides = array<i32>} : memref<512xf32, #tpu.memory_space<vmem>>, vector<16xf32>,
    %get3A_251 = vector.shape_cast %get3A_250 : vector<16xf32> to vector<16xf32>
    %sub3A_252 = arith.subf %get3A_248, %get3A_251 : vector<16xf32>
    %mul3A_253 = arith.mulf %sub3A_238, %sub3A_238 : vector<16xf32>
    %mul3A_254 = arith.mulf %sub3A_245, %sub3A_245 : vector<16xf32>
    %mul3A_255 = arith.mulf %sub3A_252, %sub3A_252 : vector<16xf32>
    %swap3A_256 = arith.constant 16 : index
    %swap3A_257 = tpu.vector_load %arg20[%swap3A_256] {strides = array<i32>} : memref<512xf32, #tpu.memory_space<vmem>>, vector<16xf32>,
    %swap3A_258 = vector.shape_cast %swap3A_257 : vector<16xf32> to vector<16xf32>
    %swap3A_259 = vector.shape_cast %mul3A_253 : vector<16xf32> to vector<16xf32>
    tpu.vector_store %arg20[%swap3A_256], %swap3A_259 {strides = array<i32>} : memref<512xf32, #tpu.memory_space<vmem>>, vector<16xf32>,
    %swap3A_260 = arith.constant 16 : index
    %swap3A_261 = tpu.vector_load %arg21[%swap3A_260] {strides = array<i32>} : memref<512xf32, #tpu.memory_space<vmem>>, vector<16xf32>,
    %swap3A_262 = vector.shape_cast %swap3A_261 : vector<16xf32> to vector<16xf32>
    %swap3A_263 = vector.shape_cast %mul3A_254 : vector<16xf32> to vector<16xf32>
    tpu.vector_store %arg21[%swap3A_260], %swap3A_263 {strides = array<i32>} : memref<512xf32, #tpu.memory_space<vmem>>, vector<16xf32>,
    %swap3A_264 = arith.constant 16 : index
    %swap3A_265 = tpu.vector_load %arg22[%swap3A_264] {strides = array<i32>} : memref<512xf32, #tpu.memory_space<vmem>>, vector<16xf32>,
    %swap3A_266 = vector.shape_cast %swap3A_265 : vector<16xf32> to vector<16xf32>
    %swap3A_267 = vector.shape_cast %mul3A_255 : vector<16xf32> to vector<16xf32>
    tpu.vector_store %arg22[%swap3A_264], %swap3A_267 {strides = array<i32>} : memref<512xf32, #tpu.memory_space<vmem>>, vector<16xf32>,
    %add3A_268 = arith.addf %add3A_231, %mul3A_253 : vector<16xf32>
    %add3A_269 = arith.addf %add3A_268, %mul3A_254 : vector<16xf32>
    %add3A_270 = arith.addf %add3A_269, %mul3A_255 : vector<16xf32>
    %get3A_271 = arith.constant 32 : index
    %get3A_272 = tpu.vector_load %arg14[%get3A_271] {strides = array<i32>} : memref<512xf32, #tpu.memory_space<vmem>>, vector<16xf32>,
    %get3A_273 = vector.shape_cast %get3A_272 : vector<16xf32> to vector<16xf32>
    %get3A_274 = arith.constant 32 : index
    %get3A_275 = tpu.vector_load %arg17[%get3A_274] {strides = array<i32>} : memref<512xf32, #tpu.memory_space<vmem>>, vector<16xf32>,
    %get3A_276 = vector.shape_cast %get3A_275 : vector<16xf32> to vector<16xf32>
    %sub3A_277 = arith.subf %get3A_273, %get3A_276 : vector<16xf32>
    %get3A_278 = arith.constant 32 : index
    %get3A_279 = tpu.vector_load %arg15[%get3A_278] {strides = array<i32>} : memref<512xf32, #tpu.memory_space<vmem>>, vector<16xf32>,
    %get3A_280 = vector.shape_cast %get3A_279 : vector<16xf32> to vector<16xf32>
    %get3A_281 = arith.constant 32 : index
    %get3A_282 = tpu.vector_load %arg18[%get3A_281] {strides = array<i32>} : memref<512xf32, #tpu.memory_space<vmem>>, vector<16xf32>,
    %get3A_283 = vector.shape_cast %get3A_282 : vector<16xf32> to vector<16xf32>
    %sub3A_284 = arith.subf %get3A_280, %get3A_283 : vector<16xf32>
    %get3A_285 = arith.constant 32 : index
    %get3A_286 = tpu.vector_load %arg16[%get3A_285] {strides = array<i32>} : memref<512xf32, #tpu.memory_space<vmem>>, vector<16xf32>,
    %get3A_287 = vector.shape_cast %get3A_286 : vector<16xf32> to vector<16xf32>
    %get3A_288 = arith.constant 32 : index
    %get3A_289 = tpu.vector_load %arg19[%get3A_288] {strides = array<i32>} : memref<512xf32, #tpu.memory_space<vmem>>, vector<16xf32>,
    %get3A_290 = vector.shape_cast %get3A_289 : vector<16xf32> to vector<16xf32>
    %sub3A_291 = arith.subf %get3A_287, %get3A_290 : vector<16xf32>
    %mul3A_292 = arith.mulf %sub3A_277, %sub3A_277 : vector<16xf32>
    %mul3A_293 = arith.mulf %sub3A_284, %sub3A_284 : vector<16xf32>
    %mul3A_294 = arith.mulf %sub3A_291, %sub3A_291 : vector<16xf32>
    %swap3A_295 = arith.constant 32 : index
    %swap3A_296 = tpu.vector_load %arg20[%swap3A_295] {strides = array<i32>} : memref<512xf32, #tpu.memory_space<vmem>>, vector<16xf32>,
    %swap3A_297 = vector.shape_cast %swap3A_296 : vector<16xf32> to vector<16xf32>
    %swap3A_298 = vector.shape_cast %mul3A_292 : vector<16xf32> to vector<16xf32>
    tpu.vector_store %arg20[%swap3A_295], %swap3A_298 {strides = array<i32>} : memref<512xf32, #tpu.memory_space<vmem>>, vector<16xf32>,
    %swap3A_299 = arith.constant 32 : index
    %swap3A_300 = tpu.vector_load %arg21[%swap3A_299] {strides = array<i32>} : memref<512xf32, #tpu.memory_space<vmem>>, vector<16xf32>,
    %swap3A_301 = vector.shape_cast %swap3A_300 : vector<16xf32> to vector<16xf32>
    %swap3A_302 = vector.shape_cast %mul3A_293 : vector<16xf32> to vector<16xf32>
    tpu.vector_store %arg21[%swap3A_299], %swap3A_302 {strides = array<i32>} : memref<512xf32, #tpu.memory_space<vmem>>, vector<16xf32>,
    %swap3A_303 = arith.constant 32 : index
    %swap3A_304 = tpu.vector_load %arg22[%swap3A_303] {strides = array<i32>} : memref<512xf32, #tpu.memory_space<vmem>>, vector<16xf32>,
    %swap3A_305 = vector.shape_cast %swap3A_304 : vector<16xf32> to vector<16xf32>
    %swap3A_306 = vector.shape_cast %mul3A_294 : vector<16xf32> to vector<16xf32>
    tpu.vector_store %arg22[%swap3A_303], %swap3A_306 {strides = array<i32>} : memref<512xf32, #tpu.memory_space<vmem>>, vector<16xf32>,
    %add3A_307 = arith.addf %add3A_270, %mul3A_292 : vector<16xf32>
    %add3A_308 = arith.addf %add3A_307, %mul3A_293 : vector<16xf32>
    %add3A_309 = arith.addf %add3A_308, %mul3A_294 : vector<16xf32>
    %get3A_310 = arith.constant 48 : index
    %get3A_311 = tpu.vector_load %arg14[%get3A_310] {strides = array<i32>} : memref<512xf32, #tpu.memory_space<vmem>>, vector<16xf32>,
    %get3A_312 = vector.shape_cast %get3A_311 : vector<16xf32> to vector<16xf32>
    %get3A_313 = arith.constant 48 : index
    %get3A_314 = tpu.vector_load %arg17[%get3A_313] {strides = array<i32>} : memref<512xf32, #tpu.memory_space<vmem>>, vector<16xf32>,
    %get3A_315 = vector.shape_cast %get3A_314 : vector<16xf32> to vector<16xf32>
    %sub3A_316 = arith.subf %get3A_312, %get3A_315 : vector<16xf32>
    %get3A_317 = arith.constant 48 : index
    %get3A_318 = tpu.vector_load %arg15[%get3A_317] {strides = array<i32>} : memref<512xf32, #tpu.memory_space<vmem>>, vector<16xf32>,
    %get3A_319 = vector.shape_cast %get3A_318 : vector<16xf32> to vector<16xf32>
    %get3A_320 = arith.constant 48 : index
    %get3A_321 = tpu.vector_load %arg18[%get3A_320] {strides = array<i32>} : memref<512xf32, #tpu.memory_space<vmem>>, vector<16xf32>,
    %get3A_322 = vector.shape_cast %get3A_321 : vector<16xf32> to vector<16xf32>
    %sub3A_323 = arith.subf %get3A_319, %get3A_322 : vector<16xf32>
    %get3A_324 = arith.constant 48 : index
    %get3A_325 = tpu.vector_load %arg16[%get3A_324] {strides = array<i32>} : memref<512xf32, #tpu.memory_space<vmem>>, vector<16xf32>,
    %get3A_326 = vector.shape_cast %get3A_325 : vector<16xf32> to vector<16xf32>
    %get3A_327 = arith.constant 48 : index
    %get3A_328 = tpu.vector_load %arg19[%get3A_327] {strides = array<i32>} : memref<512xf32, #tpu.memory_space<vmem>>, vector<16xf32>,
    %get3A_329 = vector.shape_cast %get3A_328 : vector<16xf32> to vector<16xf32>
    %sub3A_330 = arith.subf %get3A_326, %get3A_329 : vector<16xf32>
    %mul3A_331 = arith.mulf %sub3A_316, %sub3A_316 : vector<16xf32>
    %mul3A_332 = arith.mulf %sub3A_323, %sub3A_323 : vector<16xf32>
    %mul3A_333 = arith.mulf %sub3A_330, %sub3A_330 : vector<16xf32>
    %swap3A_334 = arith.constant 48 : index
    %swap3A_335 = tpu.vector_load %arg20[%swap3A_334] {strides = array<i32>} : memref<512xf32, #tpu.memory_space<vmem>>, vector<16xf32>,
    %swap3A_336 = vector.shape_cast %swap3A_335 : vector<16xf32> to vector<16xf32>
    %swap3A_337 = vector.shape_cast %mul3A_331 : vector<16xf32> to vector<16xf32>
    tpu.vector_store %arg20[%swap3A_334], %swap3A_337 {strides = array<i32>} : memref<512xf32, #tpu.memory_space<vmem>>, vector<16xf32>,
    %swap3A_338 = arith.constant 48 : index
    %swap3A_339 = tpu.vector_load %arg21[%swap3A_338] {strides = array<i32>} : memref<512xf32, #tpu.memory_space<vmem>>, vector<16xf32>,
    %swap3A_340 = vector.shape_cast %swap3A_339 : vector<16xf32> to vector<16xf32>
    %swap3A_341 = vector.shape_cast %mul3A_332 : vector<16xf32> to vector<16xf32>
    tpu.vector_store %arg21[%swap3A_338], %swap3A_341 {strides = array<i32>} : memref<512xf32, #tpu.memory_space<vmem>>, vector<16xf32>,
    %swap3A_342 = arith.constant 48 : index
    %swap3A_343 = tpu.vector_load %arg22[%swap3A_342] {strides = array<i32>} : memref<512xf32, #tpu.memory_space<vmem>>, vector<16xf32>,
    %swap3A_344 = vector.shape_cast %swap3A_343 : vector<16xf32> to vector<16xf32>
    %swap3A_345 = vector.shape_cast %mul3A_333 : vector<16xf32> to vector<16xf32>
    tpu.vector_store %arg22[%swap3A_342], %swap3A_345 {strides = array<i32>} : memref<512xf32, #tpu.memory_space<vmem>>, vector<16xf32>,
    %add3A_346 = arith.addf %add3A_309, %mul3A_331 : vector<16xf32>
    %add3A_347 = arith.addf %add3A_346, %mul3A_332 : vector<16xf32>
    %add3A_348 = arith.addf %add3A_347, %mul3A_333 : vector<16xf32>
    %get3A_349 = arith.constant 64 : index
    %get3A_350 = tpu.vector_load %arg14[%get3A_349] {strides = array<i32>} : memref<512xf32, #tpu.memory_space<vmem>>, vector<16xf32>,
    %get3A_351 = vector.shape_cast %get3A_350 : vector<16xf32> to vector<16xf32>
    %get3A_352 = arith.constant 64 : index
    %get3A_353 = tpu.vector_load %arg17[%get3A_352] {strides = array<i32>} : memref<512xf32, #tpu.memory_space<vmem>>, vector<16xf32>,
    %get3A_354 = vector.shape_cast %get3A_353 : vector<16xf32> to vector<16xf32>
    %sub3A_355 = arith.subf %get3A_351, %get3A_354 : vector<16xf32>
    %get3A_356 = arith.constant 64 : index
    %get3A_357 = tpu.vector_load %arg15[%get3A_356] {strides = array<i32>} : memref<512xf32, #tpu.memory_space<vmem>>, vector<16xf32>,
    %get3A_358 = vector.shape_cast %get3A_357 : vector<16xf32> to vector<16xf32>
    %get3A_359 = arith.constant 64 : index
    %get3A_360 = tpu.vector_load %arg18[%get3A_359] {strides = array<i32>} : memref<512xf32, #tpu.memory_space<vmem>>, vector<16xf32>,
    %get3A_361 = vector.shape_cast %get3A_360 : vector<16xf32> to vector<16xf32>
    %sub3A_362 = arith.subf %get3A_358, %get3A_361 : vector<16xf32>
    %get3A_363 = arith.constant 64 : index
    %get3A_364 = tpu.vector_load %arg16[%get3A_363] {strides = array<i32>} : memref<512xf32, #tpu.memory_space<vmem>>, vector<16xf32>,
    %get3A_365 = vector.shape_cast %get3A_364 : vector<16xf32> to vector<16xf32>
    %get3A_366 = arith.constant 64 : index
    %get3A_367 = tpu.vector_load %arg19[%get3A_366] {strides = array<i32>} : memref<512xf32, #tpu.memory_space<vmem>>, vector<16xf32>,
    %get3A_368 = vector.shape_cast %get3A_367 : vector<16xf32> to vector<16xf32>
    %sub3A_369 = arith.subf %get3A_365, %get3A_368 : vector<16xf32>
    %mul3A_370 = arith.mulf %sub3A_355, %sub3A_355 : vector<16xf32>
    %mul3A_371 = arith.mulf %sub3A_362, %sub3A_362 : vector<16xf32>
    %mul3A_372 = arith.mulf %sub3A_369, %sub3A_369 : vector<16xf32>
    %swap3A_373 = arith.constant 64 : index
    %swap3A_374 = tpu.vector_load %arg20[%swap3A_373] {strides = array<i32>} : memref<512xf32, #tpu.memory_space<vmem>>, vector<16xf32>,
    %swap3A_375 = vector.shape_cast %swap3A_374 : vector<16xf32> to vector<16xf32>
    %swap3A_376 = vector.shape_cast %mul3A_370 : vector<16xf32> to vector<16xf32>
    tpu.vector_store %arg20[%swap3A_373], %swap3A_376 {strides = array<i32>} : memref<512xf32, #tpu.memory_space<vmem>>, vector<16xf32>,
    %swap3A_377 = arith.constant 64 : index
    %swap3A_378 = tpu.vector_load %arg21[%swap3A_377] {strides = array<i32>} : memref<512xf32, #tpu.memory_space<vmem>>, vector<16xf32>,
    %swap3A_379 = vector.shape_cast %swap3A_378 : vector<16xf32> to vector<16xf32>
    %swap3A_380 = vector.shape_cast %mul3A_371 : vector<16xf32> to vector<16xf32>
    tpu.vector_store %arg21[%swap3A_377], %swap3A_380 {strides = array<i32>} : memref<512xf32, #tpu.memory_space<vmem>>, vector<16xf32>,
    %swap3A_381 = arith.constant 64 : index
    %swap3A_382 = tpu.vector_load %arg22[%swap3A_381] {strides = array<i32>} : memref<512xf32, #tpu.memory_space<vmem>>, vector<16xf32>,
    %swap3A_383 = vector.shape_cast %swap3A_382 : vector<16xf32> to vector<16xf32>
    %swap3A_384 = vector.shape_cast %mul3A_372 : vector<16xf32> to vector<16xf32>
    tpu.vector_store %arg22[%swap3A_381], %swap3A_384 {strides = array<i32>} : memref<512xf32, #tpu.memory_space<vmem>>, vector<16xf32>,
    %add3A_385 = arith.addf %add3A_348, %mul3A_370 : vector<16xf32>
    %add3A_386 = arith.addf %add3A_385, %mul3A_371 : vector<16xf32>
    %add3A_387 = arith.addf %add3A_386, %mul3A_372 : vector<16xf32>
    %get3A_388 = arith.constant 80 : index
    %get3A_389 = tpu.vector_load %arg14[%get3A_388] {strides = array<i32>} : memref<512xf32, #tpu.memory_space<vmem>>, vector<16xf32>,
    %get3A_390 = vector.shape_cast %get3A_389 : vector<16xf32> to vector<16xf32>
    %get3A_391 = arith.constant 80 : index
    %get3A_392 = tpu.vector_load %arg17[%get3A_391] {strides = array<i32>} : memref<512xf32, #tpu.memory_space<vmem>>, vector<16xf32>,
    %get3A_393 = vector.shape_cast %get3A_392 : vector<16xf32> to vector<16xf32>
    %sub3A_394 = arith.subf %get3A_390, %get3A_393 : vector<16xf32>
    %get3A_395 = arith.constant 80 : index
    %get3A_396 = tpu.vector_load %arg15[%get3A_395] {strides = array<i32>} : memref<512xf32, #tpu.memory_space<vmem>>, vector<16xf32>,
    %get3A_397 = vector.shape_cast %get3A_396 : vector<16xf32> to vector<16xf32>
    %get3A_398 = arith.constant 80 : index
    %get3A_399 = tpu.vector_load %arg18[%get3A_398] {strides = array<i32>} : memref<512xf32, #tpu.memory_space<vmem>>, vector<16xf32>,
    %get3A_400 = vector.shape_cast %get3A_399 : vector<16xf32> to vector<16xf32>
    %sub3A_401 = arith.subf %get3A_397, %get3A_400 : vector<16xf32>
    %get3A_402 = arith.constant 80 : index
    %get3A_403 = tpu.vector_load %arg16[%get3A_402] {strides = array<i32>} : memref<512xf32, #tpu.memory_space<vmem>>, vector<16xf32>,
    %get3A_404 = vector.shape_cast %get3A_403 : vector<16xf32> to vector<16xf32>
    %get3A_405 = arith.constant 80 : index
    %get3A_406 = tpu.vector_load %arg19[%get3A_405] {strides = array<i32>} : memref<512xf32, #tpu.memory_space<vmem>>, vector<16xf32>,
    %get3A_407 = vector.shape_cast %get3A_406 : vector<16xf32> to vector<16xf32>
    %sub3A_408 = arith.subf %get3A_404, %get3A_407 : vector<16xf32>
    %mul3A_409 = arith.mulf %sub3A_394, %sub3A_394 : vector<16xf32>
    %mul3A_410 = arith.mulf %sub3A_401, %sub3A_401 : vector<16xf32>
    %mul3A_411 = arith.mulf %sub3A_408, %sub3A_408 : vector<16xf32>
    %swap3A_412 = arith.constant 80 : index
    %swap3A_413 = tpu.vector_load %arg20[%swap3A_412] {strides = array<i32>} : memref<512xf32, #tpu.memory_space<vmem>>, vector<16xf32>,
    %swap3A_414 = vector.shape_cast %swap3A_413 : vector<16xf32> to vector<16xf32>
    %swap3A_415 = vector.shape_cast %mul3A_409 : vector<16xf32> to vector<16xf32>
    tpu.vector_store %arg20[%swap3A_412], %swap3A_415 {strides = array<i32>} : memref<512xf32, #tpu.memory_space<vmem>>, vector<16xf32>,
    %swap3A_416 = arith.constant 80 : index
    %swap3A_417 = tpu.vector_load %arg21[%swap3A_416] {strides = array<i32>} : memref<512xf32, #tpu.memory_space<vmem>>, vector<16xf32>,
    %swap3A_418 = vector.shape_cast %swap3A_417 : vector<16xf32> to vector<16xf32>
    %swap3A_419 = vector.shape_cast %mul3A_410 : vector<16xf32> to vector<16xf32>
    tpu.vector_store %arg21[%swap3A_416], %swap3A_419 {strides = array<i32>} : memref<512xf32, #tpu.memory_space<vmem>>, vector<16xf32>,
    %swap3A_420 = arith.constant 80 : index
    %swap3A_421 = tpu.vector_load %arg22[%swap3A_420] {strides = array<i32>} : memref<512xf32, #tpu.memory_space<vmem>>, vector<16xf32>,
    %swap3A_422 = vector.shape_cast %swap3A_421 : vector<16xf32> to vector<16xf32>
    %swap3A_423 = vector.shape_cast %mul3A_411 : vector<16xf32> to vector<16xf32>
    tpu.vector_store %arg22[%swap3A_420], %swap3A_423 {strides = array<i32>} : memref<512xf32, #tpu.memory_space<vmem>>, vector<16xf32>,
    %add3A_424 = arith.addf %add3A_387, %mul3A_409 : vector<16xf32>
    %add3A_425 = arith.addf %add3A_424, %mul3A_410 : vector<16xf32>
    %add3A_426 = arith.addf %add3A_425, %mul3A_411 : vector<16xf32>
    %get3A_427 = arith.constant 96 : index
    %get3A_428 = tpu.vector_load %arg14[%get3A_427] {strides = array<i32>} : memref<512xf32, #tpu.memory_space<vmem>>, vector<16xf32>,
    %get3A_429 = vector.shape_cast %get3A_428 : vector<16xf32> to vector<16xf32>
    %get3A_430 = arith.constant 96 : index
    %get3A_431 = tpu.vector_load %arg17[%get3A_430] {strides = array<i32>} : memref<512xf32, #tpu.memory_space<vmem>>, vector<16xf32>,
    %get3A_432 = vector.shape_cast %get3A_431 : vector<16xf32> to vector<16xf32>
    %sub3A_433 = arith.subf %get3A_429, %get3A_432 : vector<16xf32>
    %get3A_434 = arith.constant 96 : index
    %get3A_435 = tpu.vector_load %arg15[%get3A_434] {strides = array<i32>} : memref<512xf32, #tpu.memory_space<vmem>>, vector<16xf32>,
    %get3A_436 = vector.shape_cast %get3A_435 : vector<16xf32> to vector<16xf32>
    %get3A_437 = arith.constant 96 : index
    %get3A_438 = tpu.vector_load %arg18[%get3A_437] {strides = array<i32>} : memref<512xf32, #tpu.memory_space<vmem>>, vector<16xf32>,
    %get3A_439 = vector.shape_cast %get3A_438 : vector<16xf32> to vector<16xf32>
    %sub3A_440 = arith.subf %get3A_436, %get3A_439 : vector<16xf32>
    %get3A_441 = arith.constant 96 : index
    %get3A_442 = tpu.vector_load %arg16[%get3A_441] {strides = array<i32>} : memref<512xf32, #tpu.memory_space<vmem>>, vector<16xf32>,
    %get3A_443 = vector.shape_cast %get3A_442 : vector<16xf32> to vector<16xf32>
    %get3A_444 = arith.constant 96 : index
    %get3A_445 = tpu.vector_load %arg19[%get3A_444] {strides = array<i32>} : memref<512xf32, #tpu.memory_space<vmem>>, vector<16xf32>,
    %get3A_446 = vector.shape_cast %get3A_445 : vector<16xf32> to vector<16xf32>
    %sub3A_447 = arith.subf %get3A_443, %get3A_446 : vector<16xf32>
    %mul3A_448 = arith.mulf %sub3A_433, %sub3A_433 : vector<16xf32>
    %mul3A_449 = arith.mulf %sub3A_440, %sub3A_440 : vector<16xf32>
    %mul3A_450 = arith.mulf %sub3A_447, %sub3A_447 : vector<16xf32>
    %swap3A_451 = arith.constant 96 : index
    %swap3A_452 = tpu.vector_load %arg20[%swap3A_451] {strides = array<i32>} : memref<512xf32, #tpu.memory_space<vmem>>, vector<16xf32>,
    %swap3A_453 = vector.shape_cast %swap3A_452 : vector<16xf32> to vector<16xf32>
    %swap3A_454 = vector.shape_cast %mul3A_448 : vector<16xf32> to vector<16xf32>
    tpu.vector_store %arg20[%swap3A_451], %swap3A_454 {strides = array<i32>} : memref<512xf32, #tpu.memory_space<vmem>>, vector<16xf32>,
    %swap3A_455 = arith.constant 96 : index
    %swap3A_456 = tpu.vector_load %arg21[%swap3A_455] {strides = array<i32>} : memref<512xf32, #tpu.memory_space<vmem>>, vector<16xf32>,
    %swap3A_457 = vector.shape_cast %swap3A_456 : vector<16xf32> to vector<16xf32>
    %swap3A_458 = vector.shape_cast %mul3A_449 : vector<16xf32> to vector<16xf32>
    tpu.vector_store %arg21[%swap3A_455], %swap3A_458 {strides = array<i32>} : memref<512xf32, #tpu.memory_space<vmem>>, vector<16xf32>,
    %swap3A_459 = arith.constant 96 : index
    %swap3A_460 = tpu.vector_load %arg22[%swap3A_459] {strides = array<i32>} : memref<512xf32, #tpu.memory_space<vmem>>, vector<16xf32>,
    %swap3A_461 = vector.shape_cast %swap3A_460 : vector<16xf32> to vector<16xf32>
    %swap3A_462 = vector.shape_cast %mul3A_450 : vector<16xf32> to vector<16xf32>
    tpu.vector_store %arg22[%swap3A_459], %swap3A_462 {strides = array<i32>} : memref<512xf32, #tpu.memory_space<vmem>>, vector<16xf32>,
    %add3A_463 = arith.addf %add3A_426, %mul3A_448 : vector<16xf32>
    %add3A_464 = arith.addf %add3A_463, %mul3A_449 : vector<16xf32>
    %add3A_465 = arith.addf %add3A_464, %mul3A_450 : vector<16xf32>
    %get3A_466 = arith.constant 112 : index
    %get3A_467 = tpu.vector_load %arg14[%get3A_466] {strides = array<i32>} : memref<512xf32, #tpu.memory_space<vmem>>, vector<16xf32>,
    %get3A_468 = vector.shape_cast %get3A_467 : vector<16xf32> to vector<16xf32>
    %get3A_469 = arith.constant 112 : index
    %get3A_470 = tpu.vector_load %arg17[%get3A_469] {strides = array<i32>} : memref<512xf32, #tpu.memory_space<vmem>>, vector<16xf32>,
    %get3A_471 = vector.shape_cast %get3A_470 : vector<16xf32> to vector<16xf32>
    %sub3A_472 = arith.subf %get3A_468, %get3A_471 : vector<16xf32>
    %get3A_473 = arith.constant 112 : index
    %get3A_474 = tpu.vector_load %arg15[%get3A_473] {strides = array<i32>} : memref<512xf32, #tpu.memory_space<vmem>>, vector<16xf32>,
    %get3A_475 = vector.shape_cast %get3A_474 : vector<16xf32> to vector<16xf32>
    %get3A_476 = arith.constant 112 : index
    %get3A_477 = tpu.vector_load %arg18[%get3A_476] {strides = array<i32>} : memref<512xf32, #tpu.memory_space<vmem>>, vector<16xf32>,
    %get3A_478 = vector.shape_cast %get3A_477 : vector<16xf32> to vector<16xf32>
    %sub3A_479 = arith.subf %get3A_475, %get3A_478 : vector<16xf32>
    %get3A_480 = arith.constant 112 : index
    %get3A_481 = tpu.vector_load %arg16[%get3A_480] {strides = array<i32>} : memref<512xf32, #tpu.memory_space<vmem>>, vector<16xf32>,
    %get3A_482 = vector.shape_cast %get3A_481 : vector<16xf32> to vector<16xf32>
    %get3A_483 = arith.constant 112 : index
    %get3A_484 = tpu.vector_load %arg19[%get3A_483] {strides = array<i32>} : memref<512xf32, #tpu.memory_space<vmem>>, vector<16xf32>,
    %get3A_485 = vector.shape_cast %get3A_484 : vector<16xf32> to vector<16xf32>
    %sub3A_486 = arith.subf %get3A_482, %get3A_485 : vector<16xf32>
    %mul3A_487 = arith.mulf %sub3A_472, %sub3A_472 : vector<16xf32>
    %mul3A_488 = arith.mulf %sub3A_479, %sub3A_479 : vector<16xf32>
    %mul3A_489 = arith.mulf %sub3A_486, %sub3A_486 : vector<16xf32>
    %swap3A_490 = arith.constant 112 : index
    %swap3A_491 = tpu.vector_load %arg20[%swap3A_490] {strides = array<i32>} : memref<512xf32, #tpu.memory_space<vmem>>, vector<16xf32>,
    %swap3A_492 = vector.shape_cast %swap3A_491 : vector<16xf32> to vector<16xf32>
    %swap3A_493 = vector.shape_cast %mul3A_487 : vector<16xf32> to vector<16xf32>
    tpu.vector_store %arg20[%swap3A_490], %swap3A_493 {strides = array<i32>} : memref<512xf32, #tpu.memory_space<vmem>>, vector<16xf32>,
    %swap3A_494 = arith.constant 112 : index
    %swap3A_495 = tpu.vector_load %arg21[%swap3A_494] {strides = array<i32>} : memref<512xf32, #tpu.memory_space<vmem>>, vector<16xf32>,
    %swap3A_496 = vector.shape_cast %swap3A_495 : vector<16xf32> to vector<16xf32>
    %swap3A_497 = vector.shape_cast %mul3A_488 : vector<16xf32> to vector<16xf32>
    tpu.vector_store %arg21[%swap3A_494], %swap3A_497 {strides = array<i32>} : memref<512xf32, #tpu.memory_space<vmem>>, vector<16xf32>,
    %swap3A_498 = arith.constant 112 : index
    %swap3A_499 = tpu.vector_load %arg22[%swap3A_498] {strides = array<i32>} : memref<512xf32, #tpu.memory_space<vmem>>, vector<16xf32>,
    %swap3A_500 = vector.shape_cast %swap3A_499 : vector<16xf32> to vector<16xf32>
    %swap3A_501 = vector.shape_cast %mul3A_489 : vector<16xf32> to vector<16xf32>
    tpu.vector_store %arg22[%swap3A_498], %swap3A_501 {strides = array<i32>} : memref<512xf32, #tpu.memory_space<vmem>>, vector<16xf32>,
    %add3A_502 = arith.addf %add3A_465, %mul3A_487 : vector<16xf32>
    %add3A_503 = arith.addf %add3A_502, %mul3A_488 : vector<16xf32>
    %add3A_504 = arith.addf %add3A_503, %mul3A_489 : vector<16xf32>
    %get3A_505 = arith.constant 128 : index
    %get3A_506 = tpu.vector_load %arg14[%get3A_505] {strides = array<i32>} : memref<512xf32, #tpu.memory_space<vmem>>, vector<16xf32>,
    %get3A_507 = vector.shape_cast %get3A_506 : vector<16xf32> to vector<16xf32>
    %get3A_508 = arith.constant 128 : index
    %get3A_509 = tpu.vector_load %arg17[%get3A_508] {strides = array<i32>} : memref<512xf32, #tpu.memory_space<vmem>>, vector<16xf32>,
    %get3A_510 = vector.shape_cast %get3A_509 : vector<16xf32> to vector<16xf32>
    %sub3A_511 = arith.subf %get3A_507, %get3A_510 : vector<16xf32>
    %get3A_512 = arith.constant 128 : index
    %get3A_513 = tpu.vector_load %arg15[%get3A_512] {strides = array<i32>} : memref<512xf32, #tpu.memory_space<vmem>>, vector<16xf32>,
    %get3A_514 = vector.shape_cast %get3A_513 : vector<16xf32> to vector<16xf32>
    %get3A_515 = arith.constant 128 : index
    %get3A_516 = tpu.vector_load %arg18[%get3A_515] {strides = array<i32>} : memref<512xf32, #tpu.memory_space<vmem>>, vector<16xf32>,
    %get3A_517 = vector.shape_cast %get3A_516 : vector<16xf32> to vector<16xf32>
    %sub3A_518 = arith.subf %get3A_514, %get3A_517 : vector<16xf32>
    %get3A_519 = arith.constant 128 : index
    %get3A_520 = tpu.vector_load %arg16[%get3A_519] {strides = array<i32>} : memref<512xf32, #tpu.memory_space<vmem>>, vector<16xf32>,
    %get3A_521 = vector.shape_cast %get3A_520 : vector<16xf32> to vector<16xf32>
    %get3A_522 = arith.constant 128 : index
    %get3A_523 = tpu.vector_load %arg19[%get3A_522] {strides = array<i32>} : memref<512xf32, #tpu.memory_space<vmem>>, vector<16xf32>,
    %get3A_524 = vector.shape_cast %get3A_523 : vector<16xf32> to vector<16xf32>
    %sub3A_525 = arith.subf %get3A_521, %get3A_524 : vector<16xf32>
    %mul3A_526 = arith.mulf %sub3A_511, %sub3A_511 : vector<16xf32>
    %mul3A_527 = arith.mulf %sub3A_518, %sub3A_518 : vector<16xf32>
    %mul3A_528 = arith.mulf %sub3A_525, %sub3A_525 : vector<16xf32>
    %swap3A_529 = arith.constant 128 : index
    %swap3A_530 = tpu.vector_load %arg20[%swap3A_529] {strides = array<i32>} : memref<512xf32, #tpu.memory_space<vmem>>, vector<16xf32>,
    %swap3A_531 = vector.shape_cast %swap3A_530 : vector<16xf32> to vector<16xf32>
    %swap3A_532 = vector.shape_cast %mul3A_526 : vector<16xf32> to vector<16xf32>
    tpu.vector_store %arg20[%swap3A_529], %swap3A_532 {strides = array<i32>} : memref<512xf32, #tpu.memory_space<vmem>>, vector<16xf32>,
    %swap3A_533 = arith.constant 128 : index
    %swap3A_534 = tpu.vector_load %arg21[%swap3A_533] {strides = array<i32>} : memref<512xf32, #tpu.memory_space<vmem>>, vector<16xf32>,
    %swap3A_535 = vector.shape_cast %swap3A_534 : vector<16xf32> to vector<16xf32>
    %swap3A_536 = vector.shape_cast %mul3A_527 : vector<16xf32> to vector<16xf32>
    tpu.vector_store %arg21[%swap3A_533], %swap3A_536 {strides = array<i32>} : memref<512xf32, #tpu.memory_space<vmem>>, vector<16xf32>,
    %swap3A_537 = arith.constant 128 : index
    %swap3A_538 = tpu.vector_load %arg22[%swap3A_537] {strides = array<i32>} : memref<512xf32, #tpu.memory_space<vmem>>, vector<16xf32>,
    %swap3A_539 = vector.shape_cast %swap3A_538 : vector<16xf32> to vector<16xf32>
    %swap3A_540 = vector.shape_cast %mul3A_528 : vector<16xf32> to vector<16xf32>
    tpu.vector_store %arg22[%swap3A_537], %swap3A_540 {strides = array<i32>} : memref<512xf32, #tpu.memory_space<vmem>>, vector<16xf32>,
    %add3A_541 = arith.addf %add3A_504, %mul3A_526 : vector<16xf32>
    %add3A_542 = arith.addf %add3A_541, %mul3A_527 : vector<16xf32>
    %add3A_543 = arith.addf %add3A_542, %mul3A_528 : vector<16xf32>
    %get3A_544 = arith.constant 144 : index
    %get3A_545 = tpu.vector_load %arg14[%get3A_544] {strides = array<i32>} : memref<512xf32, #tpu.memory_space<vmem>>, vector<16xf32>,
    %get3A_546 = vector.shape_cast %get3A_545 : vector<16xf32> to vector<16xf32>
    %get3A_547 = arith.constant 144 : index
    %get3A_548 = tpu.vector_load %arg17[%get3A_547] {strides = array<i32>} : memref<512xf32, #tpu.memory_space<vmem>>, vector<16xf32>,
    %get3A_549 = vector.shape_cast %get3A_548 : vector<16xf32> to vector<16xf32>
    %sub3A_550 = arith.subf %get3A_546, %get3A_549 : vector<16xf32>
    %get3A_551 = arith.constant 144 : index
    %get3A_552 = tpu.vector_load %arg15[%get3A_551] {strides = array<i32>} : memref<512xf32, #tpu.memory_space<vmem>>, vector<16xf32>,
    %get3A_553 = vector.shape_cast %get3A_552 : vector<16xf32> to vector<16xf32>
    %get3A_554 = arith.constant 144 : index
    %get3A_555 = tpu.vector_load %arg18[%get3A_554] {strides = array<i32>} : memref<512xf32, #tpu.memory_space<vmem>>, vector<16xf32>,
    %get3A_556 = vector.shape_cast %get3A_555 : vector<16xf32> to vector<16xf32>
    %sub3A_557 = arith.subf %get3A_553, %get3A_556 : vector<16xf32>
    %get3A_558 = arith.constant 144 : index
    %get3A_559 = tpu.vector_load %arg16[%get3A_558] {strides = array<i32>} : memref<512xf32, #tpu.memory_space<vmem>>, vector<16xf32>,
    %get3A_560 = vector.shape_cast %get3A_559 : vector<16xf32> to vector<16xf32>
    %get3A_561 = arith.constant 144 : index
    %get3A_562 = tpu.vector_load %arg19[%get3A_561] {strides = array<i32>} : memref<512xf32, #tpu.memory_space<vmem>>, vector<16xf32>,
    %get3A_563 = vector.shape_cast %get3A_562 : vector<16xf32> to vector<16xf32>
    %sub3A_564 = arith.subf %get3A_560, %get3A_563 : vector<16xf32>
    %mul3A_565 = arith.mulf %sub3A_550, %sub3A_550 : vector<16xf32>
    %mul3A_566 = arith.mulf %sub3A_557, %sub3A_557 : vector<16xf32>
    %mul3A_567 = arith.mulf %sub3A_564, %sub3A_564 : vector<16xf32>
    %swap3A_568 = arith.constant 144 : index
    %swap3A_569 = tpu.vector_load %arg20[%swap3A_568] {strides = array<i32>} : memref<512xf32, #tpu.memory_space<vmem>>, vector<16xf32>,
    %swap3A_570 = vector.shape_cast %swap3A_569 : vector<16xf32> to vector<16xf32>
    %swap3A_571 = vector.shape_cast %mul3A_565 : vector<16xf32> to vector<16xf32>
    tpu.vector_store %arg20[%swap3A_568], %swap3A_571 {strides = array<i32>} : memref<512xf32, #tpu.memory_space<vmem>>, vector<16xf32>,
    %swap3A_572 = arith.constant 144 : index
    %swap3A_573 = tpu.vector_load %arg21[%swap3A_572] {strides = array<i32>} : memref<512xf32, #tpu.memory_space<vmem>>, vector<16xf32>,
    %swap3A_574 = vector.shape_cast %swap3A_573 : vector<16xf32> to vector<16xf32>
    %swap3A_575 = vector.shape_cast %mul3A_566 : vector<16xf32> to vector<16xf32>
    tpu.vector_store %arg21[%swap3A_572], %swap3A_575 {strides = array<i32>} : memref<512xf32, #tpu.memory_space<vmem>>, vector<16xf32>,
    %swap3A_576 = arith.constant 144 : index
    %swap3A_577 = tpu.vector_load %arg22[%swap3A_576] {strides = array<i32>} : memref<512xf32, #tpu.memory_space<vmem>>, vector<16xf32>,
    %swap3A_578 = vector.shape_cast %swap3A_577 : vector<16xf32> to vector<16xf32>
    %swap3A_579 = vector.shape_cast %mul3A_567 : vector<16xf32> to vector<16xf32>
    tpu.vector_store %arg22[%swap3A_576], %swap3A_579 {strides = array<i32>} : memref<512xf32, #tpu.memory_space<vmem>>, vector<16xf32>,
    %add3A_580 = arith.addf %add3A_543, %mul3A_565 : vector<16xf32>
    %add3A_581 = arith.addf %add3A_580, %mul3A_566 : vector<16xf32>
    %add3A_582 = arith.addf %add3A_581, %mul3A_567 : vector<16xf32>
    %get3A_583 = arith.constant 160 : index
    %get3A_584 = tpu.vector_load %arg14[%get3A_583] {strides = array<i32>} : memref<512xf32, #tpu.memory_space<vmem>>, vector<16xf32>,
    %get3A_585 = vector.shape_cast %get3A_584 : vector<16xf32> to vector<16xf32>
    %get3A_586 = arith.constant 160 : index
    %get3A_587 = tpu.vector_load %arg17[%get3A_586] {strides = array<i32>} : memref<512xf32, #tpu.memory_space<vmem>>, vector<16xf32>,
    %get3A_588 = vector.shape_cast %get3A_587 : vector<16xf32> to vector<16xf32>
    %sub3A_589 = arith.subf %get3A_585, %get3A_588 : vector<16xf32>
    %get3A_590 = arith.constant 160 : index
    %get3A_591 = tpu.vector_load %arg15[%get3A_590] {strides = array<i32>} : memref<512xf32, #tpu.memory_space<vmem>>, vector<16xf32>,
    %get3A_592 = vector.shape_cast %get3A_591 : vector<16xf32> to vector<16xf32>
    %get3A_593 = arith.constant 160 : index
    %get3A_594 = tpu.vector_load %arg18[%get3A_593] {strides = array<i32>} : memref<512xf32, #tpu.memory_space<vmem>>, vector<16xf32>,
    %get3A_595 = vector.shape_cast %get3A_594 : vector<16xf32> to vector<16xf32>
    %sub3A_596 = arith.subf %get3A_592, %get3A_595 : vector<16xf32>
    %get3A_597 = arith.constant 160 : index
    %get3A_598 = tpu.vector_load %arg16[%get3A_597] {strides = array<i32>} : memref<512xf32, #tpu.memory_space<vmem>>, vector<16xf32>,
    %get3A_599 = vector.shape_cast %get3A_598 : vector<16xf32> to vector<16xf32>
    %get3A_600 = arith.constant 160 : index
    %get3A_601 = tpu.vector_load %arg19[%get3A_600] {strides = array<i32>} : memref<512xf32, #tpu.memory_space<vmem>>, vector<16xf32>,
    %get3A_602 = vector.shape_cast %get3A_601 : vector<16xf32> to vector<16xf32>
    %sub3A_603 = arith.subf %get3A_599, %get3A_602 : vector<16xf32>
    %mul3A_604 = arith.mulf %sub3A_589, %sub3A_589 : vector<16xf32>
    %mul3A_605 = arith.mulf %sub3A_596, %sub3A_596 : vector<16xf32>
    %mul3A_606 = arith.mulf %sub3A_603, %sub3A_603 : vector<16xf32>
    %swap3A_607 = arith.constant 160 : index
    %swap3A_608 = tpu.vector_load %arg20[%swap3A_607] {strides = array<i32>} : memref<512xf32, #tpu.memory_space<vmem>>, vector<16xf32>,
    %swap3A_609 = vector.shape_cast %swap3A_608 : vector<16xf32> to vector<16xf32>
    %swap3A_610 = vector.shape_cast %mul3A_604 : vector<16xf32> to vector<16xf32>
    tpu.vector_store %arg20[%swap3A_607], %swap3A_610 {strides = array<i32>} : memref<512xf32, #tpu.memory_space<vmem>>, vector<16xf32>,
    %swap3A_611 = arith.constant 160 : index
    %swap3A_612 = tpu.vector_load %arg21[%swap3A_611] {strides = array<i32>} : memref<512xf32, #tpu.memory_space<vmem>>, vector<16xf32>,
    %swap3A_613 = vector.shape_cast %swap3A_612 : vector<16xf32> to vector<16xf32>
    %swap3A_614 = vector.shape_cast %mul3A_605 : vector<16xf32> to vector<16xf32>
    tpu.vector_store %arg21[%swap3A_611], %swap3A_614 {strides = array<i32>} : memref<512xf32, #tpu.memory_space<vmem>>, vector<16xf32>,
    %swap3A_615 = arith.constant 160 : index
    %swap3A_616 = tpu.vector_load %arg22[%swap3A_615] {strides = array<i32>} : memref<512xf32, #tpu.memory_space<vmem>>, vector<16xf32>,
    %swap3A_617 = vector.shape_cast %swap3A_616 : vector<16xf32> to vector<16xf32>
    %swap3A_618 = vector.shape_cast %mul3A_606 : vector<16xf32> to vector<16xf32>
    tpu.vector_store %arg22[%swap3A_615], %swap3A_618 {strides = array<i32>} : memref<512xf32, #tpu.memory_space<vmem>>, vector<16xf32>,
    %add3A_619 = arith.addf %add3A_582, %mul3A_604 : vector<16xf32>
    %add3A_620 = arith.addf %add3A_619, %mul3A_605 : vector<16xf32>
    %add3A_621 = arith.addf %add3A_620, %mul3A_606 : vector<16xf32>
    %get3A_622 = arith.constant 176 : index
    %get3A_623 = tpu.vector_load %arg14[%get3A_622] {strides = array<i32>} : memref<512xf32, #tpu.memory_space<vmem>>, vector<16xf32>,
    %get3A_624 = vector.shape_cast %get3A_623 : vector<16xf32> to vector<16xf32>
    %get3A_625 = arith.constant 176 : index
    %get3A_626 = tpu.vector_load %arg17[%get3A_625] {strides = array<i32>} : memref<512xf32, #tpu.memory_space<vmem>>, vector<16xf32>,
    %get3A_627 = vector.shape_cast %get3A_626 : vector<16xf32> to vector<16xf32>
    %sub3A_628 = arith.subf %get3A_624, %get3A_627 : vector<16xf32>
    %get3A_629 = arith.constant 176 : index
    %get3A_630 = tpu.vector_load %arg15[%get3A_629] {strides = array<i32>} : memref<512xf32, #tpu.memory_space<vmem>>, vector<16xf32>,
    %get3A_631 = vector.shape_cast %get3A_630 : vector<16xf32> to vector<16xf32>
    %get3A_632 = arith.constant 176 : index
    %get3A_633 = tpu.vector_load %arg18[%get3A_632] {strides = array<i32>} : memref<512xf32, #tpu.memory_space<vmem>>, vector<16xf32>,
    %get3A_634 = vector.shape_cast %get3A_633 : vector<16xf32> to vector<16xf32>
    %sub3A_635 = arith.subf %get3A_631, %get3A_634 : vector<16xf32>
    %get3A_636 = arith.constant 176 : index
    %get3A_637 = tpu.vector_load %arg16[%get3A_636] {strides = array<i32>} : memref<512xf32, #tpu.memory_space<vmem>>, vector<16xf32>,
    %get3A_638 = vector.shape_cast %get3A_637 : vector<16xf32> to vector<16xf32>
    %get3A_639 = arith.constant 176 : index
    %get3A_640 = tpu.vector_load %arg19[%get3A_639] {strides = array<i32>} : memref<512xf32, #tpu.memory_space<vmem>>, vector<16xf32>,
    %get3A_641 = vector.shape_cast %get3A_640 : vector<16xf32> to vector<16xf32>
    %sub3A_642 = arith.subf %get3A_638, %get3A_641 : vector<16xf32>
    %mul3A_643 = arith.mulf %sub3A_628, %sub3A_628 : vector<16xf32>
    %mul3A_644 = arith.mulf %sub3A_635, %sub3A_635 : vector<16xf32>
    %mul3A_645 = arith.mulf %sub3A_642, %sub3A_642 : vector<16xf32>
    %swap3A_646 = arith.constant 176 : index
    %swap3A_647 = tpu.vector_load %arg20[%swap3A_646] {strides = array<i32>} : memref<512xf32, #tpu.memory_space<vmem>>, vector<16xf32>,
    %swap3A_648 = vector.shape_cast %swap3A_647 : vector<16xf32> to vector<16xf32>
    %swap3A_649 = vector.shape_cast %mul3A_643 : vector<16xf32> to vector<16xf32>
    tpu.vector_store %arg20[%swap3A_646], %swap3A_649 {strides = array<i32>} : memref<512xf32, #tpu.memory_space<vmem>>, vector<16xf32>,
    %swap3A_650 = arith.constant 176 : index
    %swap3A_651 = tpu.vector_load %arg21[%swap3A_650] {strides = array<i32>} : memref<512xf32, #tpu.memory_space<vmem>>, vector<16xf32>,
    %swap3A_652 = vector.shape_cast %swap3A_651 : vector<16xf32> to vector<16xf32>
    %swap3A_653 = vector.shape_cast %mul3A_644 : vector<16xf32> to vector<16xf32>
    tpu.vector_store %arg21[%swap3A_650], %swap3A_653 {strides = array<i32>} : memref<512xf32, #tpu.memory_space<vmem>>, vector<16xf32>,
    %swap3A_654 = arith.constant 176 : index
    %swap3A_655 = tpu.vector_load %arg22[%swap3A_654] {strides = array<i32>} : memref<512xf32, #tpu.memory_space<vmem>>, vector<16xf32>,
    %swap3A_656 = vector.shape_cast %swap3A_655 : vector<16xf32> to vector<16xf32>
    %swap3A_657 = vector.shape_cast %mul3A_645 : vector<16xf32> to vector<16xf32>
    tpu.vector_store %arg22[%swap3A_654], %swap3A_657 {strides = array<i32>} : memref<512xf32, #tpu.memory_space<vmem>>, vector<16xf32>,
    %add3A_658 = arith.addf %add3A_621, %mul3A_643 : vector<16xf32>
    %add3A_659 = arith.addf %add3A_658, %mul3A_644 : vector<16xf32>
    %add3A_660 = arith.addf %add3A_659, %mul3A_645 : vector<16xf32>
    %get3A_661 = arith.constant 192 : index
    %get3A_662 = tpu.vector_load %arg14[%get3A_661] {strides = array<i32>} : memref<512xf32, #tpu.memory_space<vmem>>, vector<16xf32>,
    %get3A_663 = vector.shape_cast %get3A_662 : vector<16xf32> to vector<16xf32>
    %get3A_664 = arith.constant 192 : index
    %get3A_665 = tpu.vector_load %arg17[%get3A_664] {strides = array<i32>} : memref<512xf32, #tpu.memory_space<vmem>>, vector<16xf32>,
    %get3A_666 = vector.shape_cast %get3A_665 : vector<16xf32> to vector<16xf32>
    %sub3A_667 = arith.subf %get3A_663, %get3A_666 : vector<16xf32>
    %get3A_668 = arith.constant 192 : index
    %get3A_669 = tpu.vector_load %arg15[%get3A_668] {strides = array<i32>} : memref<512xf32, #tpu.memory_space<vmem>>, vector<16xf32>,
    %get3A_670 = vector.shape_cast %get3A_669 : vector<16xf32> to vector<16xf32>
    %get3A_671 = arith.constant 192 : index
    %get3A_672 = tpu.vector_load %arg18[%get3A_671] {strides = array<i32>} : memref<512xf32, #tpu.memory_space<vmem>>, vector<16xf32>,
    %get3A_673 = vector.shape_cast %get3A_672 : vector<16xf32> to vector<16xf32>
    %sub3A_674 = arith.subf %get3A_670, %get3A_673 : vector<16xf32>
    %get3A_675 = arith.constant 192 : index
    %get3A_676 = tpu.vector_load %arg16[%get3A_675] {strides = array<i32>} : memref<512xf32, #tpu.memory_space<vmem>>, vector<16xf32>,
    %get3A_677 = vector.shape_cast %get3A_676 : vector<16xf32> to vector<16xf32>
    %get3A_678 = arith.constant 192 : index
    %get3A_679 = tpu.vector_load %arg19[%get3A_678] {strides = array<i32>} : memref<512xf32, #tpu.memory_space<vmem>>, vector<16xf32>,
    %get3A_680 = vector.shape_cast %get3A_679 : vector<16xf32> to vector<16xf32>
    %sub3A_681 = arith.subf %get3A_677, %get3A_680 : vector<16xf32>
    %mul3A_682 = arith.mulf %sub3A_667, %sub3A_667 : vector<16xf32>
    %mul3A_683 = arith.mulf %sub3A_674, %sub3A_674 : vector<16xf32>
    %mul3A_684 = arith.mulf %sub3A_681, %sub3A_681 : vector<16xf32>
    %swap3A_685 = arith.constant 192 : index
    %swap3A_686 = tpu.vector_load %arg20[%swap3A_685] {strides = array<i32>} : memref<512xf32, #tpu.memory_space<vmem>>, vector<16xf32>,
    %swap3A_687 = vector.shape_cast %swap3A_686 : vector<16xf32> to vector<16xf32>
    %swap3A_688 = vector.shape_cast %mul3A_682 : vector<16xf32> to vector<16xf32>
    tpu.vector_store %arg20[%swap3A_685], %swap3A_688 {strides = array<i32>} : memref<512xf32, #tpu.memory_space<vmem>>, vector<16xf32>,
    %swap3A_689 = arith.constant 192 : index
    %swap3A_690 = tpu.vector_load %arg21[%swap3A_689] {strides = array<i32>} : memref<512xf32, #tpu.memory_space<vmem>>, vector<16xf32>,
    %swap3A_691 = vector.shape_cast %swap3A_690 : vector<16xf32> to vector<16xf32>
    %swap3A_692 = vector.shape_cast %mul3A_683 : vector<16xf32> to vector<16xf32>
    tpu.vector_store %arg21[%swap3A_689], %swap3A_692 {strides = array<i32>} : memref<512xf32, #tpu.memory_space<vmem>>, vector<16xf32>,
    %swap3A_693 = arith.constant 192 : index
    %swap3A_694 = tpu.vector_load %arg22[%swap3A_693] {strides = array<i32>} : memref<512xf32, #tpu.memory_space<vmem>>, vector<16xf32>,
    %swap3A_695 = vector.shape_cast %swap3A_694 : vector<16xf32> to vector<16xf32>
    %swap3A_696 = vector.shape_cast %mul3A_684 : vector<16xf32> to vector<16xf32>
    tpu.vector_store %arg22[%swap3A_693], %swap3A_696 {strides = array<i32>} : memref<512xf32, #tpu.memory_space<vmem>>, vector<16xf32>,
    %add3A_697 = arith.addf %add3A_660, %mul3A_682 : vector<16xf32>
    %add3A_698 = arith.addf %add3A_697, %mul3A_683 : vector<16xf32>
    %add3A_699 = arith.addf %add3A_698, %mul3A_684 : vector<16xf32>
    %get3A_700 = arith.constant 208 : index
    %get3A_701 = tpu.vector_load %arg14[%get3A_700] {strides = array<i32>} : memref<512xf32, #tpu.memory_space<vmem>>, vector<16xf32>,
    %get3A_702 = vector.shape_cast %get3A_701 : vector<16xf32> to vector<16xf32>
    %get3A_703 = arith.constant 208 : index
    %get3A_704 = tpu.vector_load %arg17[%get3A_703] {strides = array<i32>} : memref<512xf32, #tpu.memory_space<vmem>>, vector<16xf32>,
    %get3A_705 = vector.shape_cast %get3A_704 : vector<16xf32> to vector<16xf32>
    %sub3A_706 = arith.subf %get3A_702, %get3A_705 : vector<16xf32>
    %get3A_707 = arith.constant 208 : index
    %get3A_708 = tpu.vector_load %arg15[%get3A_707] {strides = array<i32>} : memref<512xf32, #tpu.memory_space<vmem>>, vector<16xf32>,
    %get3A_709 = vector.shape_cast %get3A_708 : vector<16xf32> to vector<16xf32>
    %get3A_710 = arith.constant 208 : index
    %get3A_711 = tpu.vector_load %arg18[%get3A_710] {strides = array<i32>} : memref<512xf32, #tpu.memory_space<vmem>>, vector<16xf32>,
    %get3A_712 = vector.shape_cast %get3A_711 : vector<16xf32> to vector<16xf32>
    %sub3A_713 = arith.subf %get3A_709, %get3A_712 : vector<16xf32>
    %get3A_714 = arith.constant 208 : index
    %get3A_715 = tpu.vector_load %arg16[%get3A_714] {strides = array<i32>} : memref<512xf32, #tpu.memory_space<vmem>>, vector<16xf32>,
    %get3A_716 = vector.shape_cast %get3A_715 : vector<16xf32> to vector<16xf32>
    %get3A_717 = arith.constant 208 : index
    %get3A_718 = tpu.vector_load %arg19[%get3A_717] {strides = array<i32>} : memref<512xf32, #tpu.memory_space<vmem>>, vector<16xf32>,
    %get3A_719 = vector.shape_cast %get3A_718 : vector<16xf32> to vector<16xf32>
    %sub3A_720 = arith.subf %get3A_716, %get3A_719 : vector<16xf32>
    %mul3A_721 = arith.mulf %sub3A_706, %sub3A_706 : vector<16xf32>
    %mul3A_722 = arith.mulf %sub3A_713, %sub3A_713 : vector<16xf32>
    %mul3A_723 = arith.mulf %sub3A_720, %sub3A_720 : vector<16xf32>
    %swap3A_724 = arith.constant 208 : index
    %swap3A_725 = tpu.vector_load %arg20[%swap3A_724] {strides = array<i32>} : memref<512xf32, #tpu.memory_space<vmem>>, vector<16xf32>,
    %swap3A_726 = vector.shape_cast %swap3A_725 : vector<16xf32> to vector<16xf32>
    %swap3A_727 = vector.shape_cast %mul3A_721 : vector<16xf32> to vector<16xf32>
    tpu.vector_store %arg20[%swap3A_724], %swap3A_727 {strides = array<i32>} : memref<512xf32, #tpu.memory_space<vmem>>, vector<16xf32>,
    %swap3A_728 = arith.constant 208 : index
    %swap3A_729 = tpu.vector_load %arg21[%swap3A_728] {strides = array<i32>} : memref<512xf32, #tpu.memory_space<vmem>>, vector<16xf32>,
    %swap3A_730 = vector.shape_cast %swap3A_729 : vector<16xf32> to vector<16xf32>
    %swap3A_731 = vector.shape_cast %mul3A_722 : vector<16xf32> to vector<16xf32>
    tpu.vector_store %arg21[%swap3A_728], %swap3A_731 {strides = array<i32>} : memref<512xf32, #tpu.memory_space<vmem>>, vector<16xf32>,
    %swap3A_732 = arith.constant 208 : index
    %swap3A_733 = tpu.vector_load %arg22[%swap3A_732] {strides = array<i32>} : memref<512xf32, #tpu.memory_space<vmem>>, vector<16xf32>,
    %swap3A_734 = vector.shape_cast %swap3A_733 : vector<16xf32> to vector<16xf32>
    %swap3A_735 = vector.shape_cast %mul3A_723 : vector<16xf32> to vector<16xf32>
    tpu.vector_store %arg22[%swap3A_732], %swap3A_735 {strides = array<i32>} : memref<512xf32, #tpu.memory_space<vmem>>, vector<16xf32>,
    %add3A_736 = arith.addf %add3A_699, %mul3A_721 : vector<16xf32>
    %add3A_737 = arith.addf %add3A_736, %mul3A_722 : vector<16xf32>
    %add3A_738 = arith.addf %add3A_737, %mul3A_723 : vector<16xf32>
    %get3A_739 = arith.constant 224 : index
    %get3A_740 = tpu.vector_load %arg14[%get3A_739] {strides = array<i32>} : memref<512xf32, #tpu.memory_space<vmem>>, vector<16xf32>,
    %get3A_741 = vector.shape_cast %get3A_740 : vector<16xf32> to vector<16xf32>
    %get3A_742 = arith.constant 224 : index
    %get3A_743 = tpu.vector_load %arg17[%get3A_742] {strides = array<i32>} : memref<512xf32, #tpu.memory_space<vmem>>, vector<16xf32>,
    %get3A_744 = vector.shape_cast %get3A_743 : vector<16xf32> to vector<16xf32>
    %sub3A_745 = arith.subf %get3A_741, %get3A_744 : vector<16xf32>
    %get3A_746 = arith.constant 224 : index
    %get3A_747 = tpu.vector_load %arg15[%get3A_746] {strides = array<i32>} : memref<512xf32, #tpu.memory_space<vmem>>, vector<16xf32>,
    %get3A_748 = vector.shape_cast %get3A_747 : vector<16xf32> to vector<16xf32>
    %get3A_749 = arith.constant 224 : index
    %get3A_750 = tpu.vector_load %arg18[%get3A_749] {strides = array<i32>} : memref<512xf32, #tpu.memory_space<vmem>>, vector<16xf32>,
    %get3A_751 = vector.shape_cast %get3A_750 : vector<16xf32> to vector<16xf32>
    %sub3A_752 = arith.subf %get3A_748, %get3A_751 : vector<16xf32>
    %get3A_753 = arith.constant 224 : index
    %get3A_754 = tpu.vector_load %arg16[%get3A_753] {strides = array<i32>} : memref<512xf32, #tpu.memory_space<vmem>>, vector<16xf32>,
    %get3A_755 = vector.shape_cast %get3A_754 : vector<16xf32> to vector<16xf32>
    %get3A_756 = arith.constant 224 : index
    %get3A_757 = tpu.vector_load %arg19[%get3A_756] {strides = array<i32>} : memref<512xf32, #tpu.memory_space<vmem>>, vector<16xf32>,
    %get3A_758 = vector.shape_cast %get3A_757 : vector<16xf32> to vector<16xf32>
    %sub3A_759 = arith.subf %get3A_755, %get3A_758 : vector<16xf32>
    %mul3A_760 = arith.mulf %sub3A_745, %sub3A_745 : vector<16xf32>
    %mul3A_761 = arith.mulf %sub3A_752, %sub3A_752 : vector<16xf32>
    %mul3A_762 = arith.mulf %sub3A_759, %sub3A_759 : vector<16xf32>
    %swap3A_763 = arith.constant 224 : index
    %swap3A_764 = tpu.vector_load %arg20[%swap3A_763] {strides = array<i32>} : memref<512xf32, #tpu.memory_space<vmem>>, vector<16xf32>,
    %swap3A_765 = vector.shape_cast %swap3A_764 : vector<16xf32> to vector<16xf32>
    %swap3A_766 = vector.shape_cast %mul3A_760 : vector<16xf32> to vector<16xf32>
    tpu.vector_store %arg20[%swap3A_763], %swap3A_766 {strides = array<i32>} : memref<512xf32, #tpu.memory_space<vmem>>, vector<16xf32>,
    %swap3A_767 = arith.constant 224 : index
    %swap3A_768 = tpu.vector_load %arg21[%swap3A_767] {strides = array<i32>} : memref<512xf32, #tpu.memory_space<vmem>>, vector<16xf32>,
    %swap3A_769 = vector.shape_cast %swap3A_768 : vector<16xf32> to vector<16xf32>
    %swap3A_770 = vector.shape_cast %mul3A_761 : vector<16xf32> to vector<16xf32>
    tpu.vector_store %arg21[%swap3A_767], %swap3A_770 {strides = array<i32>} : memref<512xf32, #tpu.memory_space<vmem>>, vector<16xf32>,
    %swap3A_771 = arith.constant 224 : index
    %swap3A_772 = tpu.vector_load %arg22[%swap3A_771] {strides = array<i32>} : memref<512xf32, #tpu.memory_space<vmem>>, vector<16xf32>,
    %swap3A_773 = vector.shape_cast %swap3A_772 : vector<16xf32> to vector<16xf32>
    %swap3A_774 = vector.shape_cast %mul3A_762 : vector<16xf32> to vector<16xf32>
    tpu.vector_store %arg22[%swap3A_771], %swap3A_774 {strides = array<i32>} : memref<512xf32, #tpu.memory_space<vmem>>, vector<16xf32>,
    %add3A_775 = arith.addf %add3A_738, %mul3A_760 : vector<16xf32>
    %add3A_776 = arith.addf %add3A_775, %mul3A_761 : vector<16xf32>
    %add3A_777 = arith.addf %add3A_776, %mul3A_762 : vector<16xf32>
    %get3A_778 = arith.constant 240 : index
    %get3A_779 = tpu.vector_load %arg14[%get3A_778] {strides = array<i32>} : memref<512xf32, #tpu.memory_space<vmem>>, vector<16xf32>,
    %get3A_780 = vector.shape_cast %get3A_779 : vector<16xf32> to vector<16xf32>
    %get3A_781 = arith.constant 240 : index
    %get3A_782 = tpu.vector_load %arg17[%get3A_781] {strides = array<i32>} : memref<512xf32, #tpu.memory_space<vmem>>, vector<16xf32>,
    %get3A_783 = vector.shape_cast %get3A_782 : vector<16xf32> to vector<16xf32>
    %sub3A_784 = arith.subf %get3A_780, %get3A_783 : vector<16xf32>
    %get3A_785 = arith.constant 240 : index
    %get3A_786 = tpu.vector_load %arg15[%get3A_785] {strides = array<i32>} : memref<512xf32, #tpu.memory_space<vmem>>, vector<16xf32>,
    %get3A_787 = vector.shape_cast %get3A_786 : vector<16xf32> to vector<16xf32>
    %get3A_788 = arith.constant 240 : index
    %get3A_789 = tpu.vector_load %arg18[%get3A_788] {strides = array<i32>} : memref<512xf32, #tpu.memory_space<vmem>>, vector<16xf32>,
    %get3A_790 = vector.shape_cast %get3A_789 : vector<16xf32> to vector<16xf32>
    %sub3A_791 = arith.subf %get3A_787, %get3A_790 : vector<16xf32>
    %get3A_792 = arith.constant 240 : index
    %get3A_793 = tpu.vector_load %arg16[%get3A_792] {strides = array<i32>} : memref<512xf32, #tpu.memory_space<vmem>>, vector<16xf32>,
    %get3A_794 = vector.shape_cast %get3A_793 : vector<16xf32> to vector<16xf32>
    %get3A_795 = arith.constant 240 : index
    %get3A_796 = tpu.vector_load %arg19[%get3A_795] {strides = array<i32>} : memref<512xf32, #tpu.memory_space<vmem>>, vector<16xf32>,
    %get3A_797 = vector.shape_cast %get3A_796 : vector<16xf32> to vector<16xf32>
    %sub3A_798 = arith.subf %get3A_794, %get3A_797 : vector<16xf32>
    %mul3A_799 = arith.mulf %sub3A_784, %sub3A_784 : vector<16xf32>
    %mul3A_800 = arith.mulf %sub3A_791, %sub3A_791 : vector<16xf32>
    %mul3A_801 = arith.mulf %sub3A_798, %sub3A_798 : vector<16xf32>
    %swap3A_802 = arith.constant 240 : index
    %swap3A_803 = tpu.vector_load %arg20[%swap3A_802] {strides = array<i32>} : memref<512xf32, #tpu.memory_space<vmem>>, vector<16xf32>,
    %swap3A_804 = vector.shape_cast %swap3A_803 : vector<16xf32> to vector<16xf32>
    %swap3A_805 = vector.shape_cast %mul3A_799 : vector<16xf32> to vector<16xf32>
    tpu.vector_store %arg20[%swap3A_802], %swap3A_805 {strides = array<i32>} : memref<512xf32, #tpu.memory_space<vmem>>, vector<16xf32>,
    %swap3A_806 = arith.constant 240 : index
    %swap3A_807 = tpu.vector_load %arg21[%swap3A_806] {strides = array<i32>} : memref<512xf32, #tpu.memory_space<vmem>>, vector<16xf32>,
    %swap3A_808 = vector.shape_cast %swap3A_807 : vector<16xf32> to vector<16xf32>
    %swap3A_809 = vector.shape_cast %mul3A_800 : vector<16xf32> to vector<16xf32>
    tpu.vector_store %arg21[%swap3A_806], %swap3A_809 {strides = array<i32>} : memref<512xf32, #tpu.memory_space<vmem>>, vector<16xf32>,
    %swap3A_810 = arith.constant 240 : index
    %swap3A_811 = tpu.vector_load %arg22[%swap3A_810] {strides = array<i32>} : memref<512xf32, #tpu.memory_space<vmem>>, vector<16xf32>,
    %swap3A_812 = vector.shape_cast %swap3A_811 : vector<16xf32> to vector<16xf32>
    %swap3A_813 = vector.shape_cast %mul3A_801 : vector<16xf32> to vector<16xf32>
    tpu.vector_store %arg22[%swap3A_810], %swap3A_813 {strides = array<i32>} : memref<512xf32, #tpu.memory_space<vmem>>, vector<16xf32>,
    %add3A_814 = arith.addf %add3A_777, %mul3A_799 : vector<16xf32>
    %add3A_815 = arith.addf %add3A_814, %mul3A_800 : vector<16xf32>
    %add3A_816 = arith.addf %add3A_815, %mul3A_801 : vector<16xf32>
    %get3A_817 = arith.constant 256 : index
    %get3A_818 = tpu.vector_load %arg14[%get3A_817] {strides = array<i32>} : memref<512xf32, #tpu.memory_space<vmem>>, vector<16xf32>,
    %get3A_819 = vector.shape_cast %get3A_818 : vector<16xf32> to vector<16xf32>
    %get3A_820 = arith.constant 256 : index
    %get3A_821 = tpu.vector_load %arg17[%get3A_820] {strides = array<i32>} : memref<512xf32, #tpu.memory_space<vmem>>, vector<16xf32>,
    %get3A_822 = vector.shape_cast %get3A_821 : vector<16xf32> to vector<16xf32>
    %sub3A_823 = arith.subf %get3A_819, %get3A_822 : vector<16xf32>
    %get3A_824 = arith.constant 256 : index
    %get3A_825 = tpu.vector_load %arg15[%get3A_824] {strides = array<i32>} : memref<512xf32, #tpu.memory_space<vmem>>, vector<16xf32>,
    %get3A_826 = vector.shape_cast %get3A_825 : vector<16xf32> to vector<16xf32>
    %get3A_827 = arith.constant 256 : index
    %get3A_828 = tpu.vector_load %arg18[%get3A_827] {strides = array<i32>} : memref<512xf32, #tpu.memory_space<vmem>>, vector<16xf32>,
    %get3A_829 = vector.shape_cast %get3A_828 : vector<16xf32> to vector<16xf32>
    %sub3A_830 = arith.subf %get3A_826, %get3A_829 : vector<16xf32>
    %get3A_831 = arith.constant 256 : index
    %get3A_832 = tpu.vector_load %arg16[%get3A_831] {strides = array<i32>} : memref<512xf32, #tpu.memory_space<vmem>>, vector<16xf32>,
    %get3A_833 = vector.shape_cast %get3A_832 : vector<16xf32> to vector<16xf32>
    %get3A_834 = arith.constant 256 : index
    %get3A_835 = tpu.vector_load %arg19[%get3A_834] {strides = array<i32>} : memref<512xf32, #tpu.memory_space<vmem>>, vector<16xf32>,
    %get3A_836 = vector.shape_cast %get3A_835 : vector<16xf32> to vector<16xf32>
    %sub3A_837 = arith.subf %get3A_833, %get3A_836 : vector<16xf32>
    %mul3A_838 = arith.mulf %sub3A_823, %sub3A_823 : vector<16xf32>
    %mul3A_839 = arith.mulf %sub3A_830, %sub3A_830 : vector<16xf32>
    %mul3A_840 = arith.mulf %sub3A_837, %sub3A_837 : vector<16xf32>
    %swap3A_841 = arith.constant 256 : index
    %swap3A_842 = tpu.vector_load %arg20[%swap3A_841] {strides = array<i32>} : memref<512xf32, #tpu.memory_space<vmem>>, vector<16xf32>,
    %swap3A_843 = vector.shape_cast %swap3A_842 : vector<16xf32> to vector<16xf32>
    %swap3A_844 = vector.shape_cast %mul3A_838 : vector<16xf32> to vector<16xf32>
    tpu.vector_store %arg20[%swap3A_841], %swap3A_844 {strides = array<i32>} : memref<512xf32, #tpu.memory_space<vmem>>, vector<16xf32>,
    %swap3A_845 = arith.constant 256 : index
    %swap3A_846 = tpu.vector_load %arg21[%swap3A_845] {strides = array<i32>} : memref<512xf32, #tpu.memory_space<vmem>>, vector<16xf32>,
    %swap3A_847 = vector.shape_cast %swap3A_846 : vector<16xf32> to vector<16xf32>
    %swap3A_848 = vector.shape_cast %mul3A_839 : vector<16xf32> to vector<16xf32>
    tpu.vector_store %arg21[%swap3A_845], %swap3A_848 {strides = array<i32>} : memref<512xf32, #tpu.memory_space<vmem>>, vector<16xf32>,
    %swap3A_849 = arith.constant 256 : index
    %swap3A_850 = tpu.vector_load %arg22[%swap3A_849] {strides = array<i32>} : memref<512xf32, #tpu.memory_space<vmem>>, vector<16xf32>,
    %swap3A_851 = vector.shape_cast %swap3A_850 : vector<16xf32> to vector<16xf32>
    %swap3A_852 = vector.shape_cast %mul3A_840 : vector<16xf32> to vector<16xf32>
    tpu.vector_store %arg22[%swap3A_849], %swap3A_852 {strides = array<i32>} : memref<512xf32, #tpu.memory_space<vmem>>, vector<16xf32>,
    %add3A_853 = arith.addf %add3A_816, %mul3A_838 : vector<16xf32>
    %add3A_854 = arith.addf %add3A_853, %mul3A_839 : vector<16xf32>
    %add3A_855 = arith.addf %add3A_854, %mul3A_840 : vector<16xf32>
    %get3A_856 = arith.constant 272 : index
    %get3A_857 = tpu.vector_load %arg14[%get3A_856] {strides = array<i32>} : memref<512xf32, #tpu.memory_space<vmem>>, vector<16xf32>,
    %get3A_858 = vector.shape_cast %get3A_857 : vector<16xf32> to vector<16xf32>
    %get3A_859 = arith.constant 272 : index
    %get3A_860 = tpu.vector_load %arg17[%get3A_859] {strides = array<i32>} : memref<512xf32, #tpu.memory_space<vmem>>, vector<16xf32>,
    %get3A_861 = vector.shape_cast %get3A_860 : vector<16xf32> to vector<16xf32>
    %sub3A_862 = arith.subf %get3A_858, %get3A_861 : vector<16xf32>
    %get3A_863 = arith.constant 272 : index
    %get3A_864 = tpu.vector_load %arg15[%get3A_863] {strides = array<i32>} : memref<512xf32, #tpu.memory_space<vmem>>, vector<16xf32>,
    %get3A_865 = vector.shape_cast %get3A_864 : vector<16xf32> to vector<16xf32>
    %get3A_866 = arith.constant 272 : index
    %get3A_867 = tpu.vector_load %arg18[%get3A_866] {strides = array<i32>} : memref<512xf32, #tpu.memory_space<vmem>>, vector<16xf32>,
    %get3A_868 = vector.shape_cast %get3A_867 : vector<16xf32> to vector<16xf32>
    %sub3A_869 = arith.subf %get3A_865, %get3A_868 : vector<16xf32>
    %get3A_870 = arith.constant 272 : index
    %get3A_871 = tpu.vector_load %arg16[%get3A_870] {strides = array<i32>} : memref<512xf32, #tpu.memory_space<vmem>>, vector<16xf32>,
    %get3A_872 = vector.shape_cast %get3A_871 : vector<16xf32> to vector<16xf32>
    %get3A_873 = arith.constant 272 : index
    %get3A_874 = tpu.vector_load %arg19[%get3A_873] {strides = array<i32>} : memref<512xf32, #tpu.memory_space<vmem>>, vector<16xf32>,
    %get3A_875 = vector.shape_cast %get3A_874 : vector<16xf32> to vector<16xf32>
    %sub3A_876 = arith.subf %get3A_872, %get3A_875 : vector<16xf32>
    %mul3A_877 = arith.mulf %sub3A_862, %sub3A_862 : vector<16xf32>
    %mul3A_878 = arith.mulf %sub3A_869, %sub3A_869 : vector<16xf32>
    %mul3A_879 = arith.mulf %sub3A_876, %sub3A_876 : vector<16xf32>
    %swap3A_880 = arith.constant 272 : index
    %swap3A_881 = tpu.vector_load %arg20[%swap3A_880] {strides = array<i32>} : memref<512xf32, #tpu.memory_space<vmem>>, vector<16xf32>,
    %swap3A_882 = vector.shape_cast %swap3A_881 : vector<16xf32> to vector<16xf32>
    %swap3A_883 = vector.shape_cast %mul3A_877 : vector<16xf32> to vector<16xf32>
    tpu.vector_store %arg20[%swap3A_880], %swap3A_883 {strides = array<i32>} : memref<512xf32, #tpu.memory_space<vmem>>, vector<16xf32>,
    %swap3A_884 = arith.constant 272 : index
    %swap3A_885 = tpu.vector_load %arg21[%swap3A_884] {strides = array<i32>} : memref<512xf32, #tpu.memory_space<vmem>>, vector<16xf32>,
    %swap3A_886 = vector.shape_cast %swap3A_885 : vector<16xf32> to vector<16xf32>
    %swap3A_887 = vector.shape_cast %mul3A_878 : vector<16xf32> to vector<16xf32>
    tpu.vector_store %arg21[%swap3A_884], %swap3A_887 {strides = array<i32>} : memref<512xf32, #tpu.memory_space<vmem>>, vector<16xf32>,
    %swap3A_888 = arith.constant 272 : index
    %swap3A_889 = tpu.vector_load %arg22[%swap3A_888] {strides = array<i32>} : memref<512xf32, #tpu.memory_space<vmem>>, vector<16xf32>,
    %swap3A_890 = vector.shape_cast %swap3A_889 : vector<16xf32> to vector<16xf32>
    %swap3A_891 = vector.shape_cast %mul3A_879 : vector<16xf32> to vector<16xf32>
    tpu.vector_store %arg22[%swap3A_888], %swap3A_891 {strides = array<i32>} : memref<512xf32, #tpu.memory_space<vmem>>, vector<16xf32>,
    %add3A_892 = arith.addf %add3A_855, %mul3A_877 : vector<16xf32>
    %add3A_893 = arith.addf %add3A_892, %mul3A_878 : vector<16xf32>
    %add3A_894 = arith.addf %add3A_893, %mul3A_879 : vector<16xf32>
    %get3A_895 = arith.constant 288 : index
    %get3A_896 = tpu.vector_load %arg14[%get3A_895] {strides = array<i32>} : memref<512xf32, #tpu.memory_space<vmem>>, vector<16xf32>,
    %get3A_897 = vector.shape_cast %get3A_896 : vector<16xf32> to vector<16xf32>
    %get3A_898 = arith.constant 288 : index
    %get3A_899 = tpu.vector_load %arg17[%get3A_898] {strides = array<i32>} : memref<512xf32, #tpu.memory_space<vmem>>, vector<16xf32>,
    %get3A_900 = vector.shape_cast %get3A_899 : vector<16xf32> to vector<16xf32>
    %sub3A_901 = arith.subf %get3A_897, %get3A_900 : vector<16xf32>
    %get3A_902 = arith.constant 288 : index
    %get3A_903 = tpu.vector_load %arg15[%get3A_902] {strides = array<i32>} : memref<512xf32, #tpu.memory_space<vmem>>, vector<16xf32>,
    %get3A_904 = vector.shape_cast %get3A_903 : vector<16xf32> to vector<16xf32>
    %get3A_905 = arith.constant 288 : index
    %get3A_906 = tpu.vector_load %arg18[%get3A_905] {strides = array<i32>} : memref<512xf32, #tpu.memory_space<vmem>>, vector<16xf32>,
    %get3A_907 = vector.shape_cast %get3A_906 : vector<16xf32> to vector<16xf32>
    %sub3A_908 = arith.subf %get3A_904, %get3A_907 : vector<16xf32>
    %get3A_909 = arith.constant 288 : index
    %get3A_910 = tpu.vector_load %arg16[%get3A_909] {strides = array<i32>} : memref<512xf32, #tpu.memory_space<vmem>>, vector<16xf32>,
    %get3A_911 = vector.shape_cast %get3A_910 : vector<16xf32> to vector<16xf32>
    %get3A_912 = arith.constant 288 : index
    %get3A_913 = tpu.vector_load %arg19[%get3A_912] {strides = array<i32>} : memref<512xf32, #tpu.memory_space<vmem>>, vector<16xf32>,
    %get3A_914 = vector.shape_cast %get3A_913 : vector<16xf32> to vector<16xf32>
    %sub3A_915 = arith.subf %get3A_911, %get3A_914 : vector<16xf32>
    %mul3A_916 = arith.mulf %sub3A_901, %sub3A_901 : vector<16xf32>
    %mul3A_917 = arith.mulf %sub3A_908, %sub3A_908 : vector<16xf32>
    %mul3A_918 = arith.mulf %sub3A_915, %sub3A_915 : vector<16xf32>
    %swap3A_919 = arith.constant 288 : index
    %swap3A_920 = tpu.vector_load %arg20[%swap3A_919] {strides = array<i32>} : memref<512xf32, #tpu.memory_space<vmem>>, vector<16xf32>,
    %swap3A_921 = vector.shape_cast %swap3A_920 : vector<16xf32> to vector<16xf32>
    %swap3A_922 = vector.shape_cast %mul3A_916 : vector<16xf32> to vector<16xf32>
    tpu.vector_store %arg20[%swap3A_919], %swap3A_922 {strides = array<i32>} : memref<512xf32, #tpu.memory_space<vmem>>, vector<16xf32>,
    %swap3A_923 = arith.constant 288 : index
    %swap3A_924 = tpu.vector_load %arg21[%swap3A_923] {strides = array<i32>} : memref<512xf32, #tpu.memory_space<vmem>>, vector<16xf32>,
    %swap3A_925 = vector.shape_cast %swap3A_924 : vector<16xf32> to vector<16xf32>
    %swap3A_926 = vector.shape_cast %mul3A_917 : vector<16xf32> to vector<16xf32>
    tpu.vector_store %arg21[%swap3A_923], %swap3A_926 {strides = array<i32>} : memref<512xf32, #tpu.memory_space<vmem>>, vector<16xf32>,
    %swap3A_927 = arith.constant 288 : index
    %swap3A_928 = tpu.vector_load %arg22[%swap3A_927] {strides = array<i32>} : memref<512xf32, #tpu.memory_space<vmem>>, vector<16xf32>,
    %swap3A_929 = vector.shape_cast %swap3A_928 : vector<16xf32> to vector<16xf32>
    %swap3A_930 = vector.shape_cast %mul3A_918 : vector<16xf32> to vector<16xf32>
    tpu.vector_store %arg22[%swap3A_927], %swap3A_930 {strides = array<i32>} : memref<512xf32, #tpu.memory_space<vmem>>, vector<16xf32>,
    %add3A_931 = arith.addf %add3A_894, %mul3A_916 : vector<16xf32>
    %add3A_932 = arith.addf %add3A_931, %mul3A_917 : vector<16xf32>
    %add3A_933 = arith.addf %add3A_932, %mul3A_918 : vector<16xf32>
    %get3A_934 = arith.constant 304 : index
    %get3A_935 = tpu.vector_load %arg14[%get3A_934] {strides = array<i32>} : memref<512xf32, #tpu.memory_space<vmem>>, vector<16xf32>,
    %get3A_936 = vector.shape_cast %get3A_935 : vector<16xf32> to vector<16xf32>
    %get3A_937 = arith.constant 304 : index
    %get3A_938 = tpu.vector_load %arg17[%get3A_937] {strides = array<i32>} : memref<512xf32, #tpu.memory_space<vmem>>, vector<16xf32>,
    %get3A_939 = vector.shape_cast %get3A_938 : vector<16xf32> to vector<16xf32>
    %sub3A_940 = arith.subf %get3A_936, %get3A_939 : vector<16xf32>
    %get3A_941 = arith.constant 304 : index
    %get3A_942 = tpu.vector_load %arg15[%get3A_941] {strides = array<i32>} : memref<512xf32, #tpu.memory_space<vmem>>, vector<16xf32>,
    %get3A_943 = vector.shape_cast %get3A_942 : vector<16xf32> to vector<16xf32>
    %get3A_944 = arith.constant 304 : index
    %get3A_945 = tpu.vector_load %arg18[%get3A_944] {strides = array<i32>} : memref<512xf32, #tpu.memory_space<vmem>>, vector<16xf32>,
    %get3A_946 = vector.shape_cast %get3A_945 : vector<16xf32> to vector<16xf32>
    %sub3A_947 = arith.subf %get3A_943, %get3A_946 : vector<16xf32>
    %get3A_948 = arith.constant 304 : index
    %get3A_949 = tpu.vector_load %arg16[%get3A_948] {strides = array<i32>} : memref<512xf32, #tpu.memory_space<vmem>>, vector<16xf32>,
    %get3A_950 = vector.shape_cast %get3A_949 : vector<16xf32> to vector<16xf32>
    %get3A_951 = arith.constant 304 : index
    %get3A_952 = tpu.vector_load %arg19[%get3A_951] {strides = array<i32>} : memref<512xf32, #tpu.memory_space<vmem>>, vector<16xf32>,
    %get3A_953 = vector.shape_cast %get3A_952 : vector<16xf32> to vector<16xf32>
    %sub3A_954 = arith.subf %get3A_950, %get3A_953 : vector<16xf32>
    %mul3A_955 = arith.mulf %sub3A_940, %sub3A_940 : vector<16xf32>
    %mul3A_956 = arith.mulf %sub3A_947, %sub3A_947 : vector<16xf32>
    %mul3A_957 = arith.mulf %sub3A_954, %sub3A_954 : vector<16xf32>
    %swap3A_958 = arith.constant 304 : index
    %swap3A_959 = tpu.vector_load %arg20[%swap3A_958] {strides = array<i32>} : memref<512xf32, #tpu.memory_space<vmem>>, vector<16xf32>,
    %swap3A_960 = vector.shape_cast %swap3A_959 : vector<16xf32> to vector<16xf32>
    %swap3A_961 = vector.shape_cast %mul3A_955 : vector<16xf32> to vector<16xf32>
    tpu.vector_store %arg20[%swap3A_958], %swap3A_961 {strides = array<i32>} : memref<512xf32, #tpu.memory_space<vmem>>, vector<16xf32>,
    %swap3A_962 = arith.constant 304 : index
    %swap3A_963 = tpu.vector_load %arg21[%swap3A_962] {strides = array<i32>} : memref<512xf32, #tpu.memory_space<vmem>>, vector<16xf32>,
    %swap3A_964 = vector.shape_cast %swap3A_963 : vector<16xf32> to vector<16xf32>
    %swap3A_965 = vector.shape_cast %mul3A_956 : vector<16xf32> to vector<16xf32>
    tpu.vector_store %arg21[%swap3A_962], %swap3A_965 {strides = array<i32>} : memref<512xf32, #tpu.memory_space<vmem>>, vector<16xf32>,
    %swap3A_966 = arith.constant 304 : index
    %swap3A_967 = tpu.vector_load %arg22[%swap3A_966] {strides = array<i32>} : memref<512xf32, #tpu.memory_space<vmem>>, vector<16xf32>,
    %swap3A_968 = vector.shape_cast %swap3A_967 : vector<16xf32> to vector<16xf32>
    %swap3A_969 = vector.shape_cast %mul3A_957 : vector<16xf32> to vector<16xf32>
    tpu.vector_store %arg22[%swap3A_966], %swap3A_969 {strides = array<i32>} : memref<512xf32, #tpu.memory_space<vmem>>, vector<16xf32>,
    %add3A_970 = arith.addf %add3A_933, %mul3A_955 : vector<16xf32>
    %add3A_971 = arith.addf %add3A_970, %mul3A_956 : vector<16xf32>
    %add3A_972 = arith.addf %add3A_971, %mul3A_957 : vector<16xf32>
    %get3A_973 = arith.constant 320 : index
    %get3A_974 = tpu.vector_load %arg14[%get3A_973] {strides = array<i32>} : memref<512xf32, #tpu.memory_space<vmem>>, vector<16xf32>,
    %get3A_975 = vector.shape_cast %get3A_974 : vector<16xf32> to vector<16xf32>
    %get3A_976 = arith.constant 320 : index
    %get3A_977 = tpu.vector_load %arg17[%get3A_976] {strides = array<i32>} : memref<512xf32, #tpu.memory_space<vmem>>, vector<16xf32>,
    %get3A_978 = vector.shape_cast %get3A_977 : vector<16xf32> to vector<16xf32>
    %sub3A_979 = arith.subf %get3A_975, %get3A_978 : vector<16xf32>
    %get3A_980 = arith.constant 320 : index
    %get3A_981 = tpu.vector_load %arg15[%get3A_980] {strides = array<i32>} : memref<512xf32, #tpu.memory_space<vmem>>, vector<16xf32>,
    %get3A_982 = vector.shape_cast %get3A_981 : vector<16xf32> to vector<16xf32>
    %get3A_983 = arith.constant 320 : index
    %get3A_984 = tpu.vector_load %arg18[%get3A_983] {strides = array<i32>} : memref<512xf32, #tpu.memory_space<vmem>>, vector<16xf32>,
    %get3A_985 = vector.shape_cast %get3A_984 : vector<16xf32> to vector<16xf32>
    %sub3A_986 = arith.subf %get3A_982, %get3A_985 : vector<16xf32>
    %get3A_987 = arith.constant 320 : index
    %get3A_988 = tpu.vector_load %arg16[%get3A_987] {strides = array<i32>} : memref<512xf32, #tpu.memory_space<vmem>>, vector<16xf32>,
    %get3A_989 = vector.shape_cast %get3A_988 : vector<16xf32> to vector<16xf32>
    %get3A_990 = arith.constant 320 : index
    %get3A_991 = tpu.vector_load %arg19[%get3A_990] {strides = array<i32>} : memref<512xf32, #tpu.memory_space<vmem>>, vector<16xf32>,
    %get3A_992 = vector.shape_cast %get3A_991 : vector<16xf32> to vector<16xf32>
    %sub3A_993 = arith.subf %get3A_989, %get3A_992 : vector<16xf32>
    %mul3A_994 = arith.mulf %sub3A_979, %sub3A_979 : vector<16xf32>
    %mul3A_995 = arith.mulf %sub3A_986, %sub3A_986 : vector<16xf32>
    %mul3A_996 = arith.mulf %sub3A_993, %sub3A_993 : vector<16xf32>
    %swap3A_997 = arith.constant 320 : index
    %swap3A_998 = tpu.vector_load %arg20[%swap3A_997] {strides = array<i32>} : memref<512xf32, #tpu.memory_space<vmem>>, vector<16xf32>,
    %swap3A_999 = vector.shape_cast %swap3A_998 : vector<16xf32> to vector<16xf32>
    %swap3A_1000 = vector.shape_cast %mul3A_994 : vector<16xf32> to vector<16xf32>
    tpu.vector_store %arg20[%swap3A_997], %swap3A_1000 {strides = array<i32>} : memref<512xf32, #tpu.memory_space<vmem>>, vector<16xf32>,
    %swap3A_1001 = arith.constant 320 : index
    %swap3A_1002 = tpu.vector_load %arg21[%swap3A_1001] {strides = array<i32>} : memref<512xf32, #tpu.memory_space<vmem>>, vector<16xf32>,
    %swap3A_1003 = vector.shape_cast %swap3A_1002 : vector<16xf32> to vector<16xf32>
    %swap3A_1004 = vector.shape_cast %mul3A_995 : vector<16xf32> to vector<16xf32>
    tpu.vector_store %arg21[%swap3A_1001], %swap3A_1004 {strides = array<i32>} : memref<512xf32, #tpu.memory_space<vmem>>, vector<16xf32>,
    %swap3A_1005 = arith.constant 320 : index
    %swap3A_1006 = tpu.vector_load %arg22[%swap3A_1005] {strides = array<i32>} : memref<512xf32, #tpu.memory_space<vmem>>, vector<16xf32>,
    %swap3A_1007 = vector.shape_cast %swap3A_1006 : vector<16xf32> to vector<16xf32>
    %swap3A_1008 = vector.shape_cast %mul3A_996 : vector<16xf32> to vector<16xf32>
    tpu.vector_store %arg22[%swap3A_1005], %swap3A_1008 {strides = array<i32>} : memref<512xf32, #tpu.memory_space<vmem>>, vector<16xf32>,
    %add3A_1009 = arith.addf %add3A_972, %mul3A_994 : vector<16xf32>
    %add3A_1010 = arith.addf %add3A_1009, %mul3A_995 : vector<16xf32>
    %add3A_1011 = arith.addf %add3A_1010, %mul3A_996 : vector<16xf32>
    %get3A_1012 = arith.constant 336 : index
    %get3A_1013 = tpu.vector_load %arg14[%get3A_1012] {strides = array<i32>} : memref<512xf32, #tpu.memory_space<vmem>>, vector<16xf32>,
    %get3A_1014 = vector.shape_cast %get3A_1013 : vector<16xf32> to vector<16xf32>
    %get3A_1015 = arith.constant 336 : index
    %get3A_1016 = tpu.vector_load %arg17[%get3A_1015] {strides = array<i32>} : memref<512xf32, #tpu.memory_space<vmem>>, vector<16xf32>,
    %get3A_1017 = vector.shape_cast %get3A_1016 : vector<16xf32> to vector<16xf32>
    %sub3A_1018 = arith.subf %get3A_1014, %get3A_1017 : vector<16xf32>
    %get3A_1019 = arith.constant 336 : index
    %get3A_1020 = tpu.vector_load %arg15[%get3A_1019] {strides = array<i32>} : memref<512xf32, #tpu.memory_space<vmem>>, vector<16xf32>,
    %get3A_1021 = vector.shape_cast %get3A_1020 : vector<16xf32> to vector<16xf32>
    %get3A_1022 = arith.constant 336 : index
    %get3A_1023 = tpu.vector_load %arg18[%get3A_1022] {strides = array<i32>} : memref<512xf32, #tpu.memory_space<vmem>>, vector<16xf32>,
    %get3A_1024 = vector.shape_cast %get3A_1023 : vector<16xf32> to vector<16xf32>
    %sub3A_1025 = arith.subf %get3A_1021, %get3A_1024 : vector<16xf32>
    %get3A_1026 = arith.constant 336 : index
    %get3A_1027 = tpu.vector_load %arg16[%get3A_1026] {strides = array<i32>} : memref<512xf32, #tpu.memory_space<vmem>>, vector<16xf32>,
    %get3A_1028 = vector.shape_cast %get3A_1027 : vector<16xf32> to vector<16xf32>
    %get3A_1029 = arith.constant 336 : index
    %get3A_1030 = tpu.vector_load %arg19[%get3A_1029] {strides = array<i32>} : memref<512xf32, #tpu.memory_space<vmem>>, vector<16xf32>,
    %get3A_1031 = vector.shape_cast %get3A_1030 : vector<16xf32> to vector<16xf32>
    %sub3A_1032 = arith.subf %get3A_1028, %get3A_1031 : vector<16xf32>
    %mul3A_1033 = arith.mulf %sub3A_1018, %sub3A_1018 : vector<16xf32>
    %mul3A_1034 = arith.mulf %sub3A_1025, %sub3A_1025 : vector<16xf32>
    %mul3A_1035 = arith.mulf %sub3A_1032, %sub3A_1032 : vector<16xf32>
    %swap3A_1036 = arith.constant 336 : index
    %swap3A_1037 = tpu.vector_load %arg20[%swap3A_1036] {strides = array<i32>} : memref<512xf32, #tpu.memory_space<vmem>>, vector<16xf32>,
    %swap3A_1038 = vector.shape_cast %swap3A_1037 : vector<16xf32> to vector<16xf32>
    %swap3A_1039 = vector.shape_cast %mul3A_1033 : vector<16xf32> to vector<16xf32>
    tpu.vector_store %arg20[%swap3A_1036], %swap3A_1039 {strides = array<i32>} : memref<512xf32, #tpu.memory_space<vmem>>, vector<16xf32>,
    %swap3A_1040 = arith.constant 336 : index
    %swap3A_1041 = tpu.vector_load %arg21[%swap3A_1040] {strides = array<i32>} : memref<512xf32, #tpu.memory_space<vmem>>, vector<16xf32>,
    %swap3A_1042 = vector.shape_cast %swap3A_1041 : vector<16xf32> to vector<16xf32>
    %swap3A_1043 = vector.shape_cast %mul3A_1034 : vector<16xf32> to vector<16xf32>
    tpu.vector_store %arg21[%swap3A_1040], %swap3A_1043 {strides = array<i32>} : memref<512xf32, #tpu.memory_space<vmem>>, vector<16xf32>,
    %swap3A_1044 = arith.constant 336 : index
    %swap3A_1045 = tpu.vector_load %arg22[%swap3A_1044] {strides = array<i32>} : memref<512xf32, #tpu.memory_space<vmem>>, vector<16xf32>,
    %swap3A_1046 = vector.shape_cast %swap3A_1045 : vector<16xf32> to vector<16xf32>
    %swap3A_1047 = vector.shape_cast %mul3A_1035 : vector<16xf32> to vector<16xf32>
    tpu.vector_store %arg22[%swap3A_1044], %swap3A_1047 {strides = array<i32>} : memref<512xf32, #tpu.memory_space<vmem>>, vector<16xf32>,
    %add3A_1048 = arith.addf %add3A_1011, %mul3A_1033 : vector<16xf32>
    %add3A_1049 = arith.addf %add3A_1048, %mul3A_1034 : vector<16xf32>
    %add3A_1050 = arith.addf %add3A_1049, %mul3A_1035 : vector<16xf32>
    %get3A_1051 = arith.constant 352 : index
    %get3A_1052 = tpu.vector_load %arg14[%get3A_1051] {strides = array<i32>} : memref<512xf32, #tpu.memory_space<vmem>>, vector<16xf32>,
    %get3A_1053 = vector.shape_cast %get3A_1052 : vector<16xf32> to vector<16xf32>
    %get3A_1054 = arith.constant 352 : index
    %get3A_1055 = tpu.vector_load %arg17[%get3A_1054] {strides = array<i32>} : memref<512xf32, #tpu.memory_space<vmem>>, vector<16xf32>,
    %get3A_1056 = vector.shape_cast %get3A_1055 : vector<16xf32> to vector<16xf32>
    %sub3A_1057 = arith.subf %get3A_1053, %get3A_1056 : vector<16xf32>
    %get3A_1058 = arith.constant 352 : index
    %get3A_1059 = tpu.vector_load %arg15[%get3A_1058] {strides = array<i32>} : memref<512xf32, #tpu.memory_space<vmem>>, vector<16xf32>,
    %get3A_1060 = vector.shape_cast %get3A_1059 : vector<16xf32> to vector<16xf32>
    %get3A_1061 = arith.constant 352 : index
    %get3A_1062 = tpu.vector_load %arg18[%get3A_1061] {strides = array<i32>} : memref<512xf32, #tpu.memory_space<vmem>>, vector<16xf32>,
    %get3A_1063 = vector.shape_cast %get3A_1062 : vector<16xf32> to vector<16xf32>
    %sub3A_1064 = arith.subf %get3A_1060, %get3A_1063 : vector<16xf32>
    %get3A_1065 = arith.constant 352 : index
    %get3A_1066 = tpu.vector_load %arg16[%get3A_1065] {strides = array<i32>} : memref<512xf32, #tpu.memory_space<vmem>>, vector<16xf32>,
    %get3A_1067 = vector.shape_cast %get3A_1066 : vector<16xf32> to vector<16xf32>
    %get3A_1068 = arith.constant 352 : index
    %get3A_1069 = tpu.vector_load %arg19[%get3A_1068] {strides = array<i32>} : memref<512xf32, #tpu.memory_space<vmem>>, vector<16xf32>,
    %get3A_1070 = vector.shape_cast %get3A_1069 : vector<16xf32> to vector<16xf32>
    %sub3A_1071 = arith.subf %get3A_1067, %get3A_1070 : vector<16xf32>
    %mul3A_1072 = arith.mulf %sub3A_1057, %sub3A_1057 : vector<16xf32>
    %mul3A_1073 = arith.mulf %sub3A_1064, %sub3A_1064 : vector<16xf32>
    %mul3A_1074 = arith.mulf %sub3A_1071, %sub3A_1071 : vector<16xf32>
    %swap3A_1075 = arith.constant 352 : index
    %swap3A_1076 = tpu.vector_load %arg20[%swap3A_1075] {strides = array<i32>} : memref<512xf32, #tpu.memory_space<vmem>>, vector<16xf32>,
    %swap3A_1077 = vector.shape_cast %swap3A_1076 : vector<16xf32> to vector<16xf32>
    %swap3A_1078 = vector.shape_cast %mul3A_1072 : vector<16xf32> to vector<16xf32>
    tpu.vector_store %arg20[%swap3A_1075], %swap3A_1078 {strides = array<i32>} : memref<512xf32, #tpu.memory_space<vmem>>, vector<16xf32>,
    %swap3A_1079 = arith.constant 352 : index
    %swap3A_1080 = tpu.vector_load %arg21[%swap3A_1079] {strides = array<i32>} : memref<512xf32, #tpu.memory_space<vmem>>, vector<16xf32>,
    %swap3A_1081 = vector.shape_cast %swap3A_1080 : vector<16xf32> to vector<16xf32>
    %swap3A_1082 = vector.shape_cast %mul3A_1073 : vector<16xf32> to vector<16xf32>
    tpu.vector_store %arg21[%swap3A_1079], %swap3A_1082 {strides = array<i32>} : memref<512xf32, #tpu.memory_space<vmem>>, vector<16xf32>,
    %swap3A_1083 = arith.constant 352 : index
    %swap3A_1084 = tpu.vector_load %arg22[%swap3A_1083] {strides = array<i32>} : memref<512xf32, #tpu.memory_space<vmem>>, vector<16xf32>,
    %swap3A_1085 = vector.shape_cast %swap3A_1084 : vector<16xf32> to vector<16xf32>
    %swap3A_1086 = vector.shape_cast %mul3A_1074 : vector<16xf32> to vector<16xf32>
    tpu.vector_store %arg22[%swap3A_1083], %swap3A_1086 {strides = array<i32>} : memref<512xf32, #tpu.memory_space<vmem>>, vector<16xf32>,
    %add3A_1087 = arith.addf %add3A_1050, %mul3A_1072 : vector<16xf32>
    %add3A_1088 = arith.addf %add3A_1087, %mul3A_1073 : vector<16xf32>
    %add3A_1089 = arith.addf %add3A_1088, %mul3A_1074 : vector<16xf32>
    %get3A_1090 = arith.constant 368 : index
    %get3A_1091 = tpu.vector_load %arg14[%get3A_1090] {strides = array<i32>} : memref<512xf32, #tpu.memory_space<vmem>>, vector<16xf32>,
    %get3A_1092 = vector.shape_cast %get3A_1091 : vector<16xf32> to vector<16xf32>
    %get3A_1093 = arith.constant 368 : index
    %get3A_1094 = tpu.vector_load %arg17[%get3A_1093] {strides = array<i32>} : memref<512xf32, #tpu.memory_space<vmem>>, vector<16xf32>,
    %get3A_1095 = vector.shape_cast %get3A_1094 : vector<16xf32> to vector<16xf32>
    %sub3A_1096 = arith.subf %get3A_1092, %get3A_1095 : vector<16xf32>
    %get3A_1097 = arith.constant 368 : index
    %get3A_1098 = tpu.vector_load %arg15[%get3A_1097] {strides = array<i32>} : memref<512xf32, #tpu.memory_space<vmem>>, vector<16xf32>,
    %get3A_1099 = vector.shape_cast %get3A_1098 : vector<16xf32> to vector<16xf32>
    %get3A_1100 = arith.constant 368 : index
    %get3A_1101 = tpu.vector_load %arg18[%get3A_1100] {strides = array<i32>} : memref<512xf32, #tpu.memory_space<vmem>>, vector<16xf32>,
    %get3A_1102 = vector.shape_cast %get3A_1101 : vector<16xf32> to vector<16xf32>
    %sub3A_1103 = arith.subf %get3A_1099, %get3A_1102 : vector<16xf32>
    %get3A_1104 = arith.constant 368 : index
    %get3A_1105 = tpu.vector_load %arg16[%get3A_1104] {strides = array<i32>} : memref<512xf32, #tpu.memory_space<vmem>>, vector<16xf32>,
    %get3A_1106 = vector.shape_cast %get3A_1105 : vector<16xf32> to vector<16xf32>
    %get3A_1107 = arith.constant 368 : index
    %get3A_1108 = tpu.vector_load %arg19[%get3A_1107] {strides = array<i32>} : memref<512xf32, #tpu.memory_space<vmem>>, vector<16xf32>,
    %get3A_1109 = vector.shape_cast %get3A_1108 : vector<16xf32> to vector<16xf32>
    %sub3A_1110 = arith.subf %get3A_1106, %get3A_1109 : vector<16xf32>
    %mul3A_1111 = arith.mulf %sub3A_1096, %sub3A_1096 : vector<16xf32>
    %mul3A_1112 = arith.mulf %sub3A_1103, %sub3A_1103 : vector<16xf32>
    %mul3A_1113 = arith.mulf %sub3A_1110, %sub3A_1110 : vector<16xf32>
    %swap3A_1114 = arith.constant 368 : index
    %swap3A_1115 = tpu.vector_load %arg20[%swap3A_1114] {strides = array<i32>} : memref<512xf32, #tpu.memory_space<vmem>>, vector<16xf32>,
    %swap3A_1116 = vector.shape_cast %swap3A_1115 : vector<16xf32> to vector<16xf32>
    %swap3A_1117 = vector.shape_cast %mul3A_1111 : vector<16xf32> to vector<16xf32>
    tpu.vector_store %arg20[%swap3A_1114], %swap3A_1117 {strides = array<i32>} : memref<512xf32, #tpu.memory_space<vmem>>, vector<16xf32>,
    %swap3A_1118 = arith.constant 368 : index
    %swap3A_1119 = tpu.vector_load %arg21[%swap3A_1118] {strides = array<i32>} : memref<512xf32, #tpu.memory_space<vmem>>, vector<16xf32>,
    %swap3A_1120 = vector.shape_cast %swap3A_1119 : vector<16xf32> to vector<16xf32>
    %swap3A_1121 = vector.shape_cast %mul3A_1112 : vector<16xf32> to vector<16xf32>
    tpu.vector_store %arg21[%swap3A_1118], %swap3A_1121 {strides = array<i32>} : memref<512xf32, #tpu.memory_space<vmem>>, vector<16xf32>,
    %swap3A_1122 = arith.constant 368 : index
    %swap3A_1123 = tpu.vector_load %arg22[%swap3A_1122] {strides = array<i32>} : memref<512xf32, #tpu.memory_space<vmem>>, vector<16xf32>,
    %swap3A_1124 = vector.shape_cast %swap3A_1123 : vector<16xf32> to vector<16xf32>
    %swap3A_1125 = vector.shape_cast %mul3A_1113 : vector<16xf32> to vector<16xf32>
    tpu.vector_store %arg22[%swap3A_1122], %swap3A_1125 {strides = array<i32>} : memref<512xf32, #tpu.memory_space<vmem>>, vector<16xf32>,
    %add3A_1126 = arith.addf %add3A_1089, %mul3A_1111 : vector<16xf32>
    %add3A_1127 = arith.addf %add3A_1126, %mul3A_1112 : vector<16xf32>
    %add3A_1128 = arith.addf %add3A_1127, %mul3A_1113 : vector<16xf32>
    %get3A_1129 = arith.constant 384 : index
    %get3A_1130 = tpu.vector_load %arg14[%get3A_1129] {strides = array<i32>} : memref<512xf32, #tpu.memory_space<vmem>>, vector<16xf32>,
    %get3A_1131 = vector.shape_cast %get3A_1130 : vector<16xf32> to vector<16xf32>
    %get3A_1132 = arith.constant 384 : index
    %get3A_1133 = tpu.vector_load %arg17[%get3A_1132] {strides = array<i32>} : memref<512xf32, #tpu.memory_space<vmem>>, vector<16xf32>,
    %get3A_1134 = vector.shape_cast %get3A_1133 : vector<16xf32> to vector<16xf32>
    %sub3A_1135 = arith.subf %get3A_1131, %get3A_1134 : vector<16xf32>
    %get3A_1136 = arith.constant 384 : index
    %get3A_1137 = tpu.vector_load %arg15[%get3A_1136] {strides = array<i32>} : memref<512xf32, #tpu.memory_space<vmem>>, vector<16xf32>,
    %get3A_1138 = vector.shape_cast %get3A_1137 : vector<16xf32> to vector<16xf32>
    %get3A_1139 = arith.constant 384 : index
    %get3A_1140 = tpu.vector_load %arg18[%get3A_1139] {strides = array<i32>} : memref<512xf32, #tpu.memory_space<vmem>>, vector<16xf32>,
    %get3A_1141 = vector.shape_cast %get3A_1140 : vector<16xf32> to vector<16xf32>
    %sub3A_1142 = arith.subf %get3A_1138, %get3A_1141 : vector<16xf32>
    %get3A_1143 = arith.constant 384 : index
    %get3A_1144 = tpu.vector_load %arg16[%get3A_1143] {strides = array<i32>} : memref<512xf32, #tpu.memory_space<vmem>>, vector<16xf32>,
    %get3A_1145 = vector.shape_cast %get3A_1144 : vector<16xf32> to vector<16xf32>
    %get3A_1146 = arith.constant 384 : index
    %get3A_1147 = tpu.vector_load %arg19[%get3A_1146] {strides = array<i32>} : memref<512xf32, #tpu.memory_space<vmem>>, vector<16xf32>,
    %get3A_1148 = vector.shape_cast %get3A_1147 : vector<16xf32> to vector<16xf32>
    %sub3A_1149 = arith.subf %get3A_1145, %get3A_1148 : vector<16xf32>
    %mul3A_1150 = arith.mulf %sub3A_1135, %sub3A_1135 : vector<16xf32>
    %mul3A_1151 = arith.mulf %sub3A_1142, %sub3A_1142 : vector<16xf32>
    %mul3A_1152 = arith.mulf %sub3A_1149, %sub3A_1149 : vector<16xf32>
    %swap3A_1153 = arith.constant 384 : index
    %swap3A_1154 = tpu.vector_load %arg20[%swap3A_1153] {strides = array<i32>} : memref<512xf32, #tpu.memory_space<vmem>>, vector<16xf32>,
    %swap3A_1155 = vector.shape_cast %swap3A_1154 : vector<16xf32> to vector<16xf32>
    %swap3A_1156 = vector.shape_cast %mul3A_1150 : vector<16xf32> to vector<16xf32>
    tpu.vector_store %arg20[%swap3A_1153], %swap3A_1156 {strides = array<i32>} : memref<512xf32, #tpu.memory_space<vmem>>, vector<16xf32>,
    %swap3A_1157 = arith.constant 384 : index
    %swap3A_1158 = tpu.vector_load %arg21[%swap3A_1157] {strides = array<i32>} : memref<512xf32, #tpu.memory_space<vmem>>, vector<16xf32>,
    %swap3A_1159 = vector.shape_cast %swap3A_1158 : vector<16xf32> to vector<16xf32>
    %swap3A_1160 = vector.shape_cast %mul3A_1151 : vector<16xf32> to vector<16xf32>
    tpu.vector_store %arg21[%swap3A_1157], %swap3A_1160 {strides = array<i32>} : memref<512xf32, #tpu.memory_space<vmem>>, vector<16xf32>,
    %swap3A_1161 = arith.constant 384 : index
    %swap3A_1162 = tpu.vector_load %arg22[%swap3A_1161] {strides = array<i32>} : memref<512xf32, #tpu.memory_space<vmem>>, vector<16xf32>,
    %swap3A_1163 = vector.shape_cast %swap3A_1162 : vector<16xf32> to vector<16xf32>
    %swap3A_1164 = vector.shape_cast %mul3A_1152 : vector<16xf32> to vector<16xf32>
    tpu.vector_store %arg22[%swap3A_1161], %swap3A_1164 {strides = array<i32>} : memref<512xf32, #tpu.memory_space<vmem>>, vector<16xf32>,
    %add3A_1165 = arith.addf %add3A_1128, %mul3A_1150 : vector<16xf32>
    %add3A_1166 = arith.addf %add3A_1165, %mul3A_1151 : vector<16xf32>
    %add3A_1167 = arith.addf %add3A_1166, %mul3A_1152 : vector<16xf32>
    %get3A_1168 = arith.constant 400 : index
    %get3A_1169 = tpu.vector_load %arg14[%get3A_1168] {strides = array<i32>} : memref<512xf32, #tpu.memory_space<vmem>>, vector<16xf32>,
    %get3A_1170 = vector.shape_cast %get3A_1169 : vector<16xf32> to vector<16xf32>
    %get3A_1171 = arith.constant 400 : index
    %get3A_1172 = tpu.vector_load %arg17[%get3A_1171] {strides = array<i32>} : memref<512xf32, #tpu.memory_space<vmem>>, vector<16xf32>,
    %get3A_1173 = vector.shape_cast %get3A_1172 : vector<16xf32> to vector<16xf32>
    %sub3A_1174 = arith.subf %get3A_1170, %get3A_1173 : vector<16xf32>
    %get3A_1175 = arith.constant 400 : index
    %get3A_1176 = tpu.vector_load %arg15[%get3A_1175] {strides = array<i32>} : memref<512xf32, #tpu.memory_space<vmem>>, vector<16xf32>,
    %get3A_1177 = vector.shape_cast %get3A_1176 : vector<16xf32> to vector<16xf32>
    %get3A_1178 = arith.constant 400 : index
    %get3A_1179 = tpu.vector_load %arg18[%get3A_1178] {strides = array<i32>} : memref<512xf32, #tpu.memory_space<vmem>>, vector<16xf32>,
    %get3A_1180 = vector.shape_cast %get3A_1179 : vector<16xf32> to vector<16xf32>
    %sub3A_1181 = arith.subf %get3A_1177, %get3A_1180 : vector<16xf32>
    %get3A_1182 = arith.constant 400 : index
    %get3A_1183 = tpu.vector_load %arg16[%get3A_1182] {strides = array<i32>} : memref<512xf32, #tpu.memory_space<vmem>>, vector<16xf32>,
    %get3A_1184 = vector.shape_cast %get3A_1183 : vector<16xf32> to vector<16xf32>
    %get3A_1185 = arith.constant 400 : index
    %get3A_1186 = tpu.vector_load %arg19[%get3A_1185] {strides = array<i32>} : memref<512xf32, #tpu.memory_space<vmem>>, vector<16xf32>,
    %get3A_1187 = vector.shape_cast %get3A_1186 : vector<16xf32> to vector<16xf32>
    %sub3A_1188 = arith.subf %get3A_1184, %get3A_1187 : vector<16xf32>
    %mul3A_1189 = arith.mulf %sub3A_1174, %sub3A_1174 : vector<16xf32>
    %mul3A_1190 = arith.mulf %sub3A_1181, %sub3A_1181 : vector<16xf32>
    %mul3A_1191 = arith.mulf %sub3A_1188, %sub3A_1188 : vector<16xf32>
    %swap3A_1192 = arith.constant 400 : index
    %swap3A_1193 = tpu.vector_load %arg20[%swap3A_1192] {strides = array<i32>} : memref<512xf32, #tpu.memory_space<vmem>>, vector<16xf32>,
    %swap3A_1194 = vector.shape_cast %swap3A_1193 : vector<16xf32> to vector<16xf32>
    %swap3A_1195 = vector.shape_cast %mul3A_1189 : vector<16xf32> to vector<16xf32>
    tpu.vector_store %arg20[%swap3A_1192], %swap3A_1195 {strides = array<i32>} : memref<512xf32, #tpu.memory_space<vmem>>, vector<16xf32>,
    %swap3A_1196 = arith.constant 400 : index
    %swap3A_1197 = tpu.vector_load %arg21[%swap3A_1196] {strides = array<i32>} : memref<512xf32, #tpu.memory_space<vmem>>, vector<16xf32>,
    %swap3A_1198 = vector.shape_cast %swap3A_1197 : vector<16xf32> to vector<16xf32>
    %swap3A_1199 = vector.shape_cast %mul3A_1190 : vector<16xf32> to vector<16xf32>
    tpu.vector_store %arg21[%swap3A_1196], %swap3A_1199 {strides = array<i32>} : memref<512xf32, #tpu.memory_space<vmem>>, vector<16xf32>,
    %swap3A_1200 = arith.constant 400 : index
    %swap3A_1201 = tpu.vector_load %arg22[%swap3A_1200] {strides = array<i32>} : memref<512xf32, #tpu.memory_space<vmem>>, vector<16xf32>,
    %swap3A_1202 = vector.shape_cast %swap3A_1201 : vector<16xf32> to vector<16xf32>
    %swap3A_1203 = vector.shape_cast %mul3A_1191 : vector<16xf32> to vector<16xf32>
    tpu.vector_store %arg22[%swap3A_1200], %swap3A_1203 {strides = array<i32>} : memref<512xf32, #tpu.memory_space<vmem>>, vector<16xf32>,
    %add3A_1204 = arith.addf %add3A_1167, %mul3A_1189 : vector<16xf32>
    %add3A_1205 = arith.addf %add3A_1204, %mul3A_1190 : vector<16xf32>
    %add3A_1206 = arith.addf %add3A_1205, %mul3A_1191 : vector<16xf32>
    %get3A_1207 = arith.constant 416 : index
    %get3A_1208 = tpu.vector_load %arg14[%get3A_1207] {strides = array<i32>} : memref<512xf32, #tpu.memory_space<vmem>>, vector<16xf32>,
    %get3A_1209 = vector.shape_cast %get3A_1208 : vector<16xf32> to vector<16xf32>
    %get3A_1210 = arith.constant 416 : index
    %get3A_1211 = tpu.vector_load %arg17[%get3A_1210] {strides = array<i32>} : memref<512xf32, #tpu.memory_space<vmem>>, vector<16xf32>,
    %get3A_1212 = vector.shape_cast %get3A_1211 : vector<16xf32> to vector<16xf32>
    %sub3A_1213 = arith.subf %get3A_1209, %get3A_1212 : vector<16xf32>
    %get3A_1214 = arith.constant 416 : index
    %get3A_1215 = tpu.vector_load %arg15[%get3A_1214] {strides = array<i32>} : memref<512xf32, #tpu.memory_space<vmem>>, vector<16xf32>,
    %get3A_1216 = vector.shape_cast %get3A_1215 : vector<16xf32> to vector<16xf32>
    %get3A_1217 = arith.constant 416 : index
    %get3A_1218 = tpu.vector_load %arg18[%get3A_1217] {strides = array<i32>} : memref<512xf32, #tpu.memory_space<vmem>>, vector<16xf32>,
    %get3A_1219 = vector.shape_cast %get3A_1218 : vector<16xf32> to vector<16xf32>
    %sub3A_1220 = arith.subf %get3A_1216, %get3A_1219 : vector<16xf32>
    %get3A_1221 = arith.constant 416 : index
    %get3A_1222 = tpu.vector_load %arg16[%get3A_1221] {strides = array<i32>} : memref<512xf32, #tpu.memory_space<vmem>>, vector<16xf32>,
    %get3A_1223 = vector.shape_cast %get3A_1222 : vector<16xf32> to vector<16xf32>
    %get3A_1224 = arith.constant 416 : index
    %get3A_1225 = tpu.vector_load %arg19[%get3A_1224] {strides = array<i32>} : memref<512xf32, #tpu.memory_space<vmem>>, vector<16xf32>,
    %get3A_1226 = vector.shape_cast %get3A_1225 : vector<16xf32> to vector<16xf32>
    %sub3A_1227 = arith.subf %get3A_1223, %get3A_1226 : vector<16xf32>
    %mul3A_1228 = arith.mulf %sub3A_1213, %sub3A_1213 : vector<16xf32>
    %mul3A_1229 = arith.mulf %sub3A_1220, %sub3A_1220 : vector<16xf32>
    %mul3A_1230 = arith.mulf %sub3A_1227, %sub3A_1227 : vector<16xf32>
    %swap3A_1231 = arith.constant 416 : index
    %swap3A_1232 = tpu.vector_load %arg20[%swap3A_1231] {strides = array<i32>} : memref<512xf32, #tpu.memory_space<vmem>>, vector<16xf32>,
    %swap3A_1233 = vector.shape_cast %swap3A_1232 : vector<16xf32> to vector<16xf32>
    %swap3A_1234 = vector.shape_cast %mul3A_1228 : vector<16xf32> to vector<16xf32>
    tpu.vector_store %arg20[%swap3A_1231], %swap3A_1234 {strides = array<i32>} : memref<512xf32, #tpu.memory_space<vmem>>, vector<16xf32>,
    %swap3A_1235 = arith.constant 416 : index
    %swap3A_1236 = tpu.vector_load %arg21[%swap3A_1235] {strides = array<i32>} : memref<512xf32, #tpu.memory_space<vmem>>, vector<16xf32>,
    %swap3A_1237 = vector.shape_cast %swap3A_1236 : vector<16xf32> to vector<16xf32>
    %swap3A_1238 = vector.shape_cast %mul3A_1229 : vector<16xf32> to vector<16xf32>
    tpu.vector_store %arg21[%swap3A_1235], %swap3A_1238 {strides = array<i32>} : memref<512xf32, #tpu.memory_space<vmem>>, vector<16xf32>,
    %swap3A_1239 = arith.constant 416 : index
    %swap3A_1240 = tpu.vector_load %arg22[%swap3A_1239] {strides = array<i32>} : memref<512xf32, #tpu.memory_space<vmem>>, vector<16xf32>,
    %swap3A_1241 = vector.shape_cast %swap3A_1240 : vector<16xf32> to vector<16xf32>
    %swap3A_1242 = vector.shape_cast %mul3A_1230 : vector<16xf32> to vector<16xf32>
    tpu.vector_store %arg22[%swap3A_1239], %swap3A_1242 {strides = array<i32>} : memref<512xf32, #tpu.memory_space<vmem>>, vector<16xf32>,
    %add3A_1243 = arith.addf %add3A_1206, %mul3A_1228 : vector<16xf32>
    %add3A_1244 = arith.addf %add3A_1243, %mul3A_1229 : vector<16xf32>
    %add3A_1245 = arith.addf %add3A_1244, %mul3A_1230 : vector<16xf32>
    %get3A_1246 = arith.constant 432 : index
    %get3A_1247 = tpu.vector_load %arg14[%get3A_1246] {strides = array<i32>} : memref<512xf32, #tpu.memory_space<vmem>>, vector<16xf32>,
    %get3A_1248 = vector.shape_cast %get3A_1247 : vector<16xf32> to vector<16xf32>
    %get3A_1249 = arith.constant 432 : index
    %get3A_1250 = tpu.vector_load %arg17[%get3A_1249] {strides = array<i32>} : memref<512xf32, #tpu.memory_space<vmem>>, vector<16xf32>,
    %get3A_1251 = vector.shape_cast %get3A_1250 : vector<16xf32> to vector<16xf32>
    %sub3A_1252 = arith.subf %get3A_1248, %get3A_1251 : vector<16xf32>
    %get3A_1253 = arith.constant 432 : index
    %get3A_1254 = tpu.vector_load %arg15[%get3A_1253] {strides = array<i32>} : memref<512xf32, #tpu.memory_space<vmem>>, vector<16xf32>,
    %get3A_1255 = vector.shape_cast %get3A_1254 : vector<16xf32> to vector<16xf32>
    %get3A_1256 = arith.constant 432 : index
    %get3A_1257 = tpu.vector_load %arg18[%get3A_1256] {strides = array<i32>} : memref<512xf32, #tpu.memory_space<vmem>>, vector<16xf32>,
    %get3A_1258 = vector.shape_cast %get3A_1257 : vector<16xf32> to vector<16xf32>
    %sub3A_1259 = arith.subf %get3A_1255, %get3A_1258 : vector<16xf32>
    %get3A_1260 = arith.constant 432 : index
    %get3A_1261 = tpu.vector_load %arg16[%get3A_1260] {strides = array<i32>} : memref<512xf32, #tpu.memory_space<vmem>>, vector<16xf32>,
    %get3A_1262 = vector.shape_cast %get3A_1261 : vector<16xf32> to vector<16xf32>
    %get3A_1263 = arith.constant 432 : index
    %get3A_1264 = tpu.vector_load %arg19[%get3A_1263] {strides = array<i32>} : memref<512xf32, #tpu.memory_space<vmem>>, vector<16xf32>,
    %get3A_1265 = vector.shape_cast %get3A_1264 : vector<16xf32> to vector<16xf32>
    %sub3A_1266 = arith.subf %get3A_1262, %get3A_1265 : vector<16xf32>
    %mul3A_1267 = arith.mulf %sub3A_1252, %sub3A_1252 : vector<16xf32>
    %mul3A_1268 = arith.mulf %sub3A_1259, %sub3A_1259 : vector<16xf32>
    %mul3A_1269 = arith.mulf %sub3A_1266, %sub3A_1266 : vector<16xf32>
    %swap3A_1270 = arith.constant 432 : index
    %swap3A_1271 = tpu.vector_load %arg20[%swap3A_1270] {strides = array<i32>} : memref<512xf32, #tpu.memory_space<vmem>>, vector<16xf32>,
    %swap3A_1272 = vector.shape_cast %swap3A_1271 : vector<16xf32> to vector<16xf32>
    %swap3A_1273 = vector.shape_cast %mul3A_1267 : vector<16xf32> to vector<16xf32>
    tpu.vector_store %arg20[%swap3A_1270], %swap3A_1273 {strides = array<i32>} : memref<512xf32, #tpu.memory_space<vmem>>, vector<16xf32>,
    %swap3A_1274 = arith.constant 432 : index
    %swap3A_1275 = tpu.vector_load %arg21[%swap3A_1274] {strides = array<i32>} : memref<512xf32, #tpu.memory_space<vmem>>, vector<16xf32>,
    %swap3A_1276 = vector.shape_cast %swap3A_1275 : vector<16xf32> to vector<16xf32>
    %swap3A_1277 = vector.shape_cast %mul3A_1268 : vector<16xf32> to vector<16xf32>
    tpu.vector_store %arg21[%swap3A_1274], %swap3A_1277 {strides = array<i32>} : memref<512xf32, #tpu.memory_space<vmem>>, vector<16xf32>,
    %swap3A_1278 = arith.constant 432 : index
    %swap3A_1279 = tpu.vector_load %arg22[%swap3A_1278] {strides = array<i32>} : memref<512xf32, #tpu.memory_space<vmem>>, vector<16xf32>,
    %swap3A_1280 = vector.shape_cast %swap3A_1279 : vector<16xf32> to vector<16xf32>
    %swap3A_1281 = vector.shape_cast %mul3A_1269 : vector<16xf32> to vector<16xf32>
    tpu.vector_store %arg22[%swap3A_1278], %swap3A_1281 {strides = array<i32>} : memref<512xf32, #tpu.memory_space<vmem>>, vector<16xf32>,
    %add3A_1282 = arith.addf %add3A_1245, %mul3A_1267 : vector<16xf32>
    %add3A_1283 = arith.addf %add3A_1282, %mul3A_1268 : vector<16xf32>
    %add3A_1284 = arith.addf %add3A_1283, %mul3A_1269 : vector<16xf32>
    %get3A_1285 = arith.constant 448 : index
    %get3A_1286 = tpu.vector_load %arg14[%get3A_1285] {strides = array<i32>} : memref<512xf32, #tpu.memory_space<vmem>>, vector<16xf32>,
    %get3A_1287 = vector.shape_cast %get3A_1286 : vector<16xf32> to vector<16xf32>
    %get3A_1288 = arith.constant 448 : index
    %get3A_1289 = tpu.vector_load %arg17[%get3A_1288] {strides = array<i32>} : memref<512xf32, #tpu.memory_space<vmem>>, vector<16xf32>,
    %get3A_1290 = vector.shape_cast %get3A_1289 : vector<16xf32> to vector<16xf32>
    %sub3A_1291 = arith.subf %get3A_1287, %get3A_1290 : vector<16xf32>
    %get3A_1292 = arith.constant 448 : index
    %get3A_1293 = tpu.vector_load %arg15[%get3A_1292] {strides = array<i32>} : memref<512xf32, #tpu.memory_space<vmem>>, vector<16xf32>,
    %get3A_1294 = vector.shape_cast %get3A_1293 : vector<16xf32> to vector<16xf32>
    %get3A_1295 = arith.constant 448 : index
    %get3A_1296 = tpu.vector_load %arg18[%get3A_1295] {strides = array<i32>} : memref<512xf32, #tpu.memory_space<vmem>>, vector<16xf32>,
    %get3A_1297 = vector.shape_cast %get3A_1296 : vector<16xf32> to vector<16xf32>
    %sub3A_1298 = arith.subf %get3A_1294, %get3A_1297 : vector<16xf32>
    %get3A_1299 = arith.constant 448 : index
    %get3A_1300 = tpu.vector_load %arg16[%get3A_1299] {strides = array<i32>} : memref<512xf32, #tpu.memory_space<vmem>>, vector<16xf32>,
    %get3A_1301 = vector.shape_cast %get3A_1300 : vector<16xf32> to vector<16xf32>
    %get3A_1302 = arith.constant 448 : index
    %get3A_1303 = tpu.vector_load %arg19[%get3A_1302] {strides = array<i32>} : memref<512xf32, #tpu.memory_space<vmem>>, vector<16xf32>,
    %get3A_1304 = vector.shape_cast %get3A_1303 : vector<16xf32> to vector<16xf32>
    %sub3A_1305 = arith.subf %get3A_1301, %get3A_1304 : vector<16xf32>
    %mul3A_1306 = arith.mulf %sub3A_1291, %sub3A_1291 : vector<16xf32>
    %mul3A_1307 = arith.mulf %sub3A_1298, %sub3A_1298 : vector<16xf32>
    %mul3A_1308 = arith.mulf %sub3A_1305, %sub3A_1305 : vector<16xf32>
    %swap3A_1309 = arith.constant 448 : index
    %swap3A_1310 = tpu.vector_load %arg20[%swap3A_1309] {strides = array<i32>} : memref<512xf32, #tpu.memory_space<vmem>>, vector<16xf32>,
    %swap3A_1311 = vector.shape_cast %swap3A_1310 : vector<16xf32> to vector<16xf32>
    %swap3A_1312 = vector.shape_cast %mul3A_1306 : vector<16xf32> to vector<16xf32>
    tpu.vector_store %arg20[%swap3A_1309], %swap3A_1312 {strides = array<i32>} : memref<512xf32, #tpu.memory_space<vmem>>, vector<16xf32>,
    %swap3A_1313 = arith.constant 448 : index
    %swap3A_1314 = tpu.vector_load %arg21[%swap3A_1313] {strides = array<i32>} : memref<512xf32, #tpu.memory_space<vmem>>, vector<16xf32>,
    %swap3A_1315 = vector.shape_cast %swap3A_1314 : vector<16xf32> to vector<16xf32>
    %swap3A_1316 = vector.shape_cast %mul3A_1307 : vector<16xf32> to vector<16xf32>
    tpu.vector_store %arg21[%swap3A_1313], %swap3A_1316 {strides = array<i32>} : memref<512xf32, #tpu.memory_space<vmem>>, vector<16xf32>,
    %swap3A_1317 = arith.constant 448 : index
    %swap3A_1318 = tpu.vector_load %arg22[%swap3A_1317] {strides = array<i32>} : memref<512xf32, #tpu.memory_space<vmem>>, vector<16xf32>,
    %swap3A_1319 = vector.shape_cast %swap3A_1318 : vector<16xf32> to vector<16xf32>
    %swap3A_1320 = vector.shape_cast %mul3A_1308 : vector<16xf32> to vector<16xf32>
    tpu.vector_store %arg22[%swap3A_1317], %swap3A_1320 {strides = array<i32>} : memref<512xf32, #tpu.memory_space<vmem>>, vector<16xf32>,
    %add3A_1321 = arith.addf %add3A_1284, %mul3A_1306 : vector<16xf32>
    %add3A_1322 = arith.addf %add3A_1321, %mul3A_1307 : vector<16xf32>
    %add3A_1323 = arith.addf %add3A_1322, %mul3A_1308 : vector<16xf32>
    %get3A_1324 = arith.constant 464 : index
    %get3A_1325 = tpu.vector_load %arg14[%get3A_1324] {strides = array<i32>} : memref<512xf32, #tpu.memory_space<vmem>>, vector<16xf32>,
    %get3A_1326 = vector.shape_cast %get3A_1325 : vector<16xf32> to vector<16xf32>
    %get3A_1327 = arith.constant 464 : index
    %get3A_1328 = tpu.vector_load %arg17[%get3A_1327] {strides = array<i32>} : memref<512xf32, #tpu.memory_space<vmem>>, vector<16xf32>,
    %get3A_1329 = vector.shape_cast %get3A_1328 : vector<16xf32> to vector<16xf32>
    %sub3A_1330 = arith.subf %get3A_1326, %get3A_1329 : vector<16xf32>
    %get3A_1331 = arith.constant 464 : index
    %get3A_1332 = tpu.vector_load %arg15[%get3A_1331] {strides = array<i32>} : memref<512xf32, #tpu.memory_space<vmem>>, vector<16xf32>,
    %get3A_1333 = vector.shape_cast %get3A_1332 : vector<16xf32> to vector<16xf32>
    %get3A_1334 = arith.constant 464 : index
    %get3A_1335 = tpu.vector_load %arg18[%get3A_1334] {strides = array<i32>} : memref<512xf32, #tpu.memory_space<vmem>>, vector<16xf32>,
    %get3A_1336 = vector.shape_cast %get3A_1335 : vector<16xf32> to vector<16xf32>
    %sub3A_1337 = arith.subf %get3A_1333, %get3A_1336 : vector<16xf32>
    %get3A_1338 = arith.constant 464 : index
    %get3A_1339 = tpu.vector_load %arg16[%get3A_1338] {strides = array<i32>} : memref<512xf32, #tpu.memory_space<vmem>>, vector<16xf32>,
    %get3A_1340 = vector.shape_cast %get3A_1339 : vector<16xf32> to vector<16xf32>
    %get3A_1341 = arith.constant 464 : index
    %get3A_1342 = tpu.vector_load %arg19[%get3A_1341] {strides = array<i32>} : memref<512xf32, #tpu.memory_space<vmem>>, vector<16xf32>,
    %get3A_1343 = vector.shape_cast %get3A_1342 : vector<16xf32> to vector<16xf32>
    %sub3A_1344 = arith.subf %get3A_1340, %get3A_1343 : vector<16xf32>
    %mul3A_1345 = arith.mulf %sub3A_1330, %sub3A_1330 : vector<16xf32>
    %mul3A_1346 = arith.mulf %sub3A_1337, %sub3A_1337 : vector<16xf32>
    %mul3A_1347 = arith.mulf %sub3A_1344, %sub3A_1344 : vector<16xf32>
    %swap3A_1348 = arith.constant 464 : index
    %swap3A_1349 = tpu.vector_load %arg20[%swap3A_1348] {strides = array<i32>} : memref<512xf32, #tpu.memory_space<vmem>>, vector<16xf32>,
    %swap3A_1350 = vector.shape_cast %swap3A_1349 : vector<16xf32> to vector<16xf32>
    %swap3A_1351 = vector.shape_cast %mul3A_1345 : vector<16xf32> to vector<16xf32>
    tpu.vector_store %arg20[%swap3A_1348], %swap3A_1351 {strides = array<i32>} : memref<512xf32, #tpu.memory_space<vmem>>, vector<16xf32>,
    %swap3A_1352 = arith.constant 464 : index
    %swap3A_1353 = tpu.vector_load %arg21[%swap3A_1352] {strides = array<i32>} : memref<512xf32, #tpu.memory_space<vmem>>, vector<16xf32>,
    %swap3A_1354 = vector.shape_cast %swap3A_1353 : vector<16xf32> to vector<16xf32>
    %swap3A_1355 = vector.shape_cast %mul3A_1346 : vector<16xf32> to vector<16xf32>
    tpu.vector_store %arg21[%swap3A_1352], %swap3A_1355 {strides = array<i32>} : memref<512xf32, #tpu.memory_space<vmem>>, vector<16xf32>,
    %swap3A_1356 = arith.constant 464 : index
    %swap3A_1357 = tpu.vector_load %arg22[%swap3A_1356] {strides = array<i32>} : memref<512xf32, #tpu.memory_space<vmem>>, vector<16xf32>,
    %swap3A_1358 = vector.shape_cast %swap3A_1357 : vector<16xf32> to vector<16xf32>
    %swap3A_1359 = vector.shape_cast %mul3A_1347 : vector<16xf32> to vector<16xf32>
    tpu.vector_store %arg22[%swap3A_1356], %swap3A_1359 {strides = array<i32>} : memref<512xf32, #tpu.memory_space<vmem>>, vector<16xf32>,
    %add3A_1360 = arith.addf %add3A_1323, %mul3A_1345 : vector<16xf32>
    %add3A_1361 = arith.addf %add3A_1360, %mul3A_1346 : vector<16xf32>
    %add3A_1362 = arith.addf %add3A_1361, %mul3A_1347 : vector<16xf32>
    %get3A_1363 = arith.constant 480 : index
    %get3A_1364 = tpu.vector_load %arg14[%get3A_1363] {strides = array<i32>} : memref<512xf32, #tpu.memory_space<vmem>>, vector<16xf32>,
    %get3A_1365 = vector.shape_cast %get3A_1364 : vector<16xf32> to vector<16xf32>
    %get3A_1366 = arith.constant 480 : index
    %get3A_1367 = tpu.vector_load %arg17[%get3A_1366] {strides = array<i32>} : memref<512xf32, #tpu.memory_space<vmem>>, vector<16xf32>,
    %get3A_1368 = vector.shape_cast %get3A_1367 : vector<16xf32> to vector<16xf32>
    %sub3A_1369 = arith.subf %get3A_1365, %get3A_1368 : vector<16xf32>
    %get3A_1370 = arith.constant 480 : index
    %get3A_1371 = tpu.vector_load %arg15[%get3A_1370] {strides = array<i32>} : memref<512xf32, #tpu.memory_space<vmem>>, vector<16xf32>,
    %get3A_1372 = vector.shape_cast %get3A_1371 : vector<16xf32> to vector<16xf32>
    %get3A_1373 = arith.constant 480 : index
    %get3A_1374 = tpu.vector_load %arg18[%get3A_1373] {strides = array<i32>} : memref<512xf32, #tpu.memory_space<vmem>>, vector<16xf32>,
    %get3A_1375 = vector.shape_cast %get3A_1374 : vector<16xf32> to vector<16xf32>
    %sub3A_1376 = arith.subf %get3A_1372, %get3A_1375 : vector<16xf32>
    %get3A_1377 = arith.constant 480 : index
    %get3A_1378 = tpu.vector_load %arg16[%get3A_1377] {strides = array<i32>} : memref<512xf32, #tpu.memory_space<vmem>>, vector<16xf32>,
    %get3A_1379 = vector.shape_cast %get3A_1378 : vector<16xf32> to vector<16xf32>
    %get3A_1380 = arith.constant 480 : index
    %get3A_1381 = tpu.vector_load %arg19[%get3A_1380] {strides = array<i32>} : memref<512xf32, #tpu.memory_space<vmem>>, vector<16xf32>,
    %get3A_1382 = vector.shape_cast %get3A_1381 : vector<16xf32> to vector<16xf32>
    %sub3A_1383 = arith.subf %get3A_1379, %get3A_1382 : vector<16xf32>
    %mul3A_1384 = arith.mulf %sub3A_1369, %sub3A_1369 : vector<16xf32>
    %mul3A_1385 = arith.mulf %sub3A_1376, %sub3A_1376 : vector<16xf32>
    %mul3A_1386 = arith.mulf %sub3A_1383, %sub3A_1383 : vector<16xf32>
    %swap3A_1387 = arith.constant 480 : index
    %swap3A_1388 = tpu.vector_load %arg20[%swap3A_1387] {strides = array<i32>} : memref<512xf32, #tpu.memory_space<vmem>>, vector<16xf32>,
    %swap3A_1389 = vector.shape_cast %swap3A_1388 : vector<16xf32> to vector<16xf32>
    %swap3A_1390 = vector.shape_cast %mul3A_1384 : vector<16xf32> to vector<16xf32>
    tpu.vector_store %arg20[%swap3A_1387], %swap3A_1390 {strides = array<i32>} : memref<512xf32, #tpu.memory_space<vmem>>, vector<16xf32>,
    %swap3A_1391 = arith.constant 480 : index
    %swap3A_1392 = tpu.vector_load %arg21[%swap3A_1391] {strides = array<i32>} : memref<512xf32, #tpu.memory_space<vmem>>, vector<16xf32>,
    %swap3A_1393 = vector.shape_cast %swap3A_1392 : vector<16xf32> to vector<16xf32>
    %swap3A_1394 = vector.shape_cast %mul3A_1385 : vector<16xf32> to vector<16xf32>
    tpu.vector_store %arg21[%swap3A_1391], %swap3A_1394 {strides = array<i32>} : memref<512xf32, #tpu.memory_space<vmem>>, vector<16xf32>,
    %swap3A_1395 = arith.constant 480 : index
    %swap3A_1396 = tpu.vector_load %arg22[%swap3A_1395] {strides = array<i32>} : memref<512xf32, #tpu.memory_space<vmem>>, vector<16xf32>,
    %swap3A_1397 = vector.shape_cast %swap3A_1396 : vector<16xf32> to vector<16xf32>
    %swap3A_1398 = vector.shape_cast %mul3A_1386 : vector<16xf32> to vector<16xf32>
    tpu.vector_store %arg22[%swap3A_1395], %swap3A_1398 {strides = array<i32>} : memref<512xf32, #tpu.memory_space<vmem>>, vector<16xf32>,
    %add3A_1399 = arith.addf %add3A_1362, %mul3A_1384 : vector<16xf32>
    %add3A_1400 = arith.addf %add3A_1399, %mul3A_1385 : vector<16xf32>
    %add3A_1401 = arith.addf %add3A_1400, %mul3A_1386 : vector<16xf32>
    %get3A_1402 = arith.constant 496 : index
    %get3A_1403 = tpu.vector_load %arg14[%get3A_1402] {strides = array<i32>} : memref<512xf32, #tpu.memory_space<vmem>>, vector<16xf32>,
    %get3A_1404 = vector.shape_cast %get3A_1403 : vector<16xf32> to vector<16xf32>
    %get3A_1405 = arith.constant 496 : index
    %get3A_1406 = tpu.vector_load %arg17[%get3A_1405] {strides = array<i32>} : memref<512xf32, #tpu.memory_space<vmem>>, vector<16xf32>,
    %get3A_1407 = vector.shape_cast %get3A_1406 : vector<16xf32> to vector<16xf32>
    %sub3A_1408 = arith.subf %get3A_1404, %get3A_1407 : vector<16xf32>
    %get3A_1409 = arith.constant 496 : index
    %get3A_1410 = tpu.vector_load %arg15[%get3A_1409] {strides = array<i32>} : memref<512xf32, #tpu.memory_space<vmem>>, vector<16xf32>,
    %get3A_1411 = vector.shape_cast %get3A_1410 : vector<16xf32> to vector<16xf32>
    %get3A_1412 = arith.constant 496 : index
    %get3A_1413 = tpu.vector_load %arg18[%get3A_1412] {strides = array<i32>} : memref<512xf32, #tpu.memory_space<vmem>>, vector<16xf32>,
    %get3A_1414 = vector.shape_cast %get3A_1413 : vector<16xf32> to vector<16xf32>
    %sub3A_1415 = arith.subf %get3A_1411, %get3A_1414 : vector<16xf32>
    %get3A_1416 = arith.constant 496 : index
    %get3A_1417 = tpu.vector_load %arg16[%get3A_1416] {strides = array<i32>} : memref<512xf32, #tpu.memory_space<vmem>>, vector<16xf32>,
    %get3A_1418 = vector.shape_cast %get3A_1417 : vector<16xf32> to vector<16xf32>
    %get3A_1419 = arith.constant 496 : index
    %get3A_1420 = tpu.vector_load %arg19[%get3A_1419] {strides = array<i32>} : memref<512xf32, #tpu.memory_space<vmem>>, vector<16xf32>,
    %get3A_1421 = vector.shape_cast %get3A_1420 : vector<16xf32> to vector<16xf32>
    %sub3A_1422 = arith.subf %get3A_1418, %get3A_1421 : vector<16xf32>
    %mul3A_1423 = arith.mulf %sub3A_1408, %sub3A_1408 : vector<16xf32>
    %mul3A_1424 = arith.mulf %sub3A_1415, %sub3A_1415 : vector<16xf32>
    %mul3A_1425 = arith.mulf %sub3A_1422, %sub3A_1422 : vector<16xf32>
    %swap3A_1426 = arith.constant 496 : index
    %swap3A_1427 = tpu.vector_load %arg20[%swap3A_1426] {strides = array<i32>} : memref<512xf32, #tpu.memory_space<vmem>>, vector<16xf32>,
    %swap3A_1428 = vector.shape_cast %swap3A_1427 : vector<16xf32> to vector<16xf32>
    %swap3A_1429 = vector.shape_cast %mul3A_1423 : vector<16xf32> to vector<16xf32>
    tpu.vector_store %arg20[%swap3A_1426], %swap3A_1429 {strides = array<i32>} : memref<512xf32, #tpu.memory_space<vmem>>, vector<16xf32>,
    %swap3A_1430 = arith.constant 496 : index
    %swap3A_1431 = tpu.vector_load %arg21[%swap3A_1430] {strides = array<i32>} : memref<512xf32, #tpu.memory_space<vmem>>, vector<16xf32>,
    %swap3A_1432 = vector.shape_cast %swap3A_1431 : vector<16xf32> to vector<16xf32>
    %swap3A_1433 = vector.shape_cast %mul3A_1424 : vector<16xf32> to vector<16xf32>
    tpu.vector_store %arg21[%swap3A_1430], %swap3A_1433 {strides = array<i32>} : memref<512xf32, #tpu.memory_space<vmem>>, vector<16xf32>,
    %swap3A_1434 = arith.constant 496 : index
    %swap3A_1435 = tpu.vector_load %arg22[%swap3A_1434] {strides = array<i32>} : memref<512xf32, #tpu.memory_space<vmem>>, vector<16xf32>,
    %swap3A_1436 = vector.shape_cast %swap3A_1435 : vector<16xf32> to vector<16xf32>
    %swap3A_1437 = vector.shape_cast %mul3A_1425 : vector<16xf32> to vector<16xf32>
    tpu.vector_store %arg22[%swap3A_1434], %swap3A_1437 {strides = array<i32>} : memref<512xf32, #tpu.memory_space<vmem>>, vector<16xf32>,
    %add3A_1438 = arith.addf %add3A_1401, %mul3A_1423 : vector<16xf32>
    %add3A_1439 = arith.addf %add3A_1438, %mul3A_1424 : vector<16xf32>
    %add3A_1440 = arith.addf %add3A_1439, %mul3A_1425 : vector<16xf32>
    %swap3A_1441 = arith.constant 0 : index
    %swap3A_1442 = tpu.vector_load %arg23[%swap3A_1441] {strides = array<i32>} : memref<16xf32, #tpu.memory_space<vmem>>, vector<16xf32>,
    %swap3A_1443 = vector.shape_cast %swap3A_1442 : vector<16xf32> to vector<16xf32>
    %swap3A_1444 = vector.shape_cast %add3A_1440 : vector<16xf32> to vector<16xf32>
    tpu.vector_store %arg23[%swap3A_1441], %swap3A_1444 {strides = array<i32>} : memref<16xf32, #tpu.memory_space<vmem>>, vector<16xf32>,
    "tpu.region"() ({
      %run_scoped3A = tpu.sem_alloc : memref<!tpu.dma_semaphore, #tpu.memory_space<semaphore_mem>>
      %dma_start3A_1445 = tpu.memref_slice %arg9[%mul3A_2] : memref<16384xf32, #tpu.memory_space<hbm>> -> memref<512xf32, #tpu.memory_space<hbm>>
      %dma_start3A_1446 = tpu.memref_slice %arg9[%mul3A_2] : memref<16384xf32, #tpu.memory_space<hbm>> -> memref<512xf32, #tpu.memory_space<hbm>>
      tpu.enqueue_dma source(%arg20 : memref<512xf32, #tpu.memory_space<vmem>>) target(%dma_start3A_1446 : memref<512xf32, #tpu.memory_space<hbm>>) target_semaphore(%run_scoped3A : memref<!tpu.dma_semaphore, #tpu.memory_space<semaphore_mem>>)
      %dma_wait3A_1447 = tpu.memref_slice %arg9[%mul3A_2] : memref<16384xf32, #tpu.memory_space<hbm>> -> memref<512xf32, #tpu.memory_space<hbm>>
      %dma_wait3A_1448 = tpu.memref_slice %arg9[%mul3A_2] : memref<16384xf32, #tpu.memory_space<hbm>> -> memref<512xf32, #tpu.memory_space<hbm>>
      tpu.wait_dma2 semaphore(%run_scoped3A : memref<!tpu.dma_semaphore, #tpu.memory_space<semaphore_mem>>) src(%arg20 : memref<512xf32, #tpu.memory_space<vmem>>) dst(%dma_wait3A_1448 : memref<512xf32, #tpu.memory_space<hbm>>)
      tpu.yield
    }) : () -> ()
    "tpu.region"() ({
      %run_scoped3A = tpu.sem_alloc : memref<!tpu.dma_semaphore, #tpu.memory_space<semaphore_mem>>
      %dma_start3A_1445 = tpu.memref_slice %arg10[%mul3A_2] : memref<16384xf32, #tpu.memory_space<hbm>> -> memref<512xf32, #tpu.memory_space<hbm>>
      %dma_start3A_1446 = tpu.memref_slice %arg10[%mul3A_2] : memref<16384xf32, #tpu.memory_space<hbm>> -> memref<512xf32, #tpu.memory_space<hbm>>
      tpu.enqueue_dma source(%arg21 : memref<512xf32, #tpu.memory_space<vmem>>) target(%dma_start3A_1446 : memref<512xf32, #tpu.memory_space<hbm>>) target_semaphore(%run_scoped3A : memref<!tpu.dma_semaphore, #tpu.memory_space<semaphore_mem>>)
      %dma_wait3A_1447 = tpu.memref_slice %arg10[%mul3A_2] : memref<16384xf32, #tpu.memory_space<hbm>> -> memref<512xf32, #tpu.memory_space<hbm>>
      %dma_wait3A_1448 = tpu.memref_slice %arg10[%mul3A_2] : memref<16384xf32, #tpu.memory_space<hbm>> -> memref<512xf32, #tpu.memory_space<hbm>>
      tpu.wait_dma2 semaphore(%run_scoped3A : memref<!tpu.dma_semaphore, #tpu.memory_space<semaphore_mem>>) src(%arg21 : memref<512xf32, #tpu.memory_space<vmem>>) dst(%dma_wait3A_1448 : memref<512xf32, #tpu.memory_space<hbm>>)
      tpu.yield
    }) : () -> ()
    "tpu.region"() ({
      %run_scoped3A = tpu.sem_alloc : memref<!tpu.dma_semaphore, #tpu.memory_space<semaphore_mem>>
      %dma_start3A_1445 = tpu.memref_slice %arg11[%mul3A_2] : memref<16384xf32, #tpu.memory_space<hbm>> -> memref<512xf32, #tpu.memory_space<hbm>>
      %dma_start3A_1446 = tpu.memref_slice %arg11[%mul3A_2] : memref<16384xf32, #tpu.memory_space<hbm>> -> memref<512xf32, #tpu.memory_space<hbm>>
      tpu.enqueue_dma source(%arg22 : memref<512xf32, #tpu.memory_space<vmem>>) target(%dma_start3A_1446 : memref<512xf32, #tpu.memory_space<hbm>>) target_semaphore(%run_scoped3A : memref<!tpu.dma_semaphore, #tpu.memory_space<semaphore_mem>>)
      %dma_wait3A_1447 = tpu.memref_slice %arg11[%mul3A_2] : memref<16384xf32, #tpu.memory_space<hbm>> -> memref<512xf32, #tpu.memory_space<hbm>>
      %dma_wait3A_1448 = tpu.memref_slice %arg11[%mul3A_2] : memref<16384xf32, #tpu.memory_space<hbm>> -> memref<512xf32, #tpu.memory_space<hbm>>
      tpu.wait_dma2 semaphore(%run_scoped3A : memref<!tpu.dma_semaphore, #tpu.memory_space<semaphore_mem>>) src(%arg22 : memref<512xf32, #tpu.memory_space<vmem>>) dst(%dma_wait3A_1448 : memref<512xf32, #tpu.memory_space<hbm>>)
      tpu.yield
    }) : () -> ()
    "tpu.region"() ({
      %run_scoped3A = tpu.sem_alloc : memref<!tpu.dma_semaphore, #tpu.memory_space<semaphore_mem>>
      %dma_start3A_1445 = arith.constant 0 : i32
      %dma_start3A_1446 = tpu.memref_slice %arg12[%add3A, %dma_start3A_1445] : memref<32x16xf32, #tpu.memory_space<hbm>> -> memref<1x16xf32, #tpu.memory_space<hbm>>
      %dma_start3A_1447 = tpu.memref_squeeze %dma_start3A_1446 : memref<1x16xf32, #tpu.memory_space<hbm>> -> memref<16xf32, #tpu.memory_space<hbm>>
      %dma_start3A_1448 = arith.constant 0 : i32
      %dma_start3A_1449 = tpu.memref_slice %arg12[%add3A, %dma_start3A_1448] : memref<32x16xf32, #tpu.memory_space<hbm>> -> memref<1x16xf32, #tpu.memory_space<hbm>>
      %dma_start3A_1450 = tpu.memref_squeeze %dma_start3A_1449 : memref<1x16xf32, #tpu.memory_space<hbm>> -> memref<16xf32, #tpu.memory_space<hbm>>
      tpu.enqueue_dma source(%arg23 : memref<16xf32, #tpu.memory_space<vmem>>) target(%dma_start3A_1450 : memref<16xf32, #tpu.memory_space<hbm>>) target_semaphore(%run_scoped3A : memref<!tpu.dma_semaphore, #tpu.memory_space<semaphore_mem>>)
      %dma_wait3A_1451 = arith.constant 0 : i32
      %dma_wait3A_1452 = tpu.memref_slice %arg12[%add3A, %dma_wait3A_1451] : memref<32x16xf32, #tpu.memory_space<hbm>> -> memref<1x16xf32, #tpu.memory_space<hbm>>
      %dma_wait3A_1453 = tpu.memref_squeeze %dma_wait3A_1452 : memref<1x16xf32, #tpu.memory_space<hbm>> -> memref<16xf32, #tpu.memory_space<hbm>>
      %dma_wait3A_1454 = arith.constant 0 : i32
      %dma_wait3A_1455 = tpu.memref_slice %arg12[%add3A, %dma_wait3A_1454] : memref<32x16xf32, #tpu.memory_space<hbm>> -> memref<1x16xf32, #tpu.memory_space<hbm>>
      %dma_wait3A_1456 = tpu.memref_squeeze %dma_wait3A_1455 : memref<1x16xf32, #tpu.memory_space<hbm>> -> memref<16xf32, #tpu.memory_space<hbm>>
      tpu.wait_dma2 semaphore(%run_scoped3A : memref<!tpu.dma_semaphore, #tpu.memory_space<semaphore_mem>>) src(%arg23 : memref<16xf32, #tpu.memory_space<vmem>>) dst(%dma_wait3A_1456 : memref<16xf32, #tpu.memory_space<hbm>>)
      tpu.yield
    }) : () -> ()
    return
  }
}

module attributes {stable_mosaic.version = 14 : i64} {
  func.func @_nn_idx_body(%arg0: i32, %arg1: i32, %arg2: memref<1024x3xf32, #tpu.memory_space<vmem>>, %arg3: memref<3x2048xf32, #tpu.memory_space<vmem>>, %arg4: memref<1x1024x1xi32, #tpu.memory_space<vmem>>, %arg5: memref<1024x2048xf32, #tpu.memory_space<vmem>>, %arg6: memref<1024x2048xf32, #tpu.memory_space<vmem>>) attributes {dimension_semantics = [#tpu.dimension_semantics<arbitrary>, #tpu.dimension_semantics<arbitrary>], iteration_bounds = array<i64: 16, 8>, scalar_prefetch = 0 : i64, scratch_operands = 2 : i64, tpu.core_type = #tpu.core_type<tc>, window_params = [{transform_indices = @transform_0, window_bounds = array<i64: 1024, 3>}, {transform_indices = @transform_1, window_bounds = array<i64: 3, 2048>}, {transform_indices = @transform_2, window_bounds = array<i64: 1, 1024, 1>}]} {
    %get3A = arith.constant 0 : index
    %get3A_0 = arith.constant 0 : index
    %get3A_1 = vector.load %arg2[%get3A, %get3A_0] : memref<1024x3xf32, #tpu.memory_space<vmem>>, vector<1024x3xf32>
    %get3A_2 = arith.constant 0 : index
    %get3A_3 = arith.constant 0 : index
    %get3A_4 = vector.load %arg3[%get3A_2, %get3A_3] : memref<3x2048xf32, #tpu.memory_space<vmem>>, vector<3x2048xf32>
    %dot_general3A = arith.constant dense<0.000000e+00> : vector<1024x2048xf32>
    %dot_general3A_5 = tpu.matmul %get3A_1, %get3A_4, %dot_general3A {dimension_numbers = #tpu.dot_dimension_numbers<[1], [0], [0], [1], [0, 0, 1, 1], [], []>, transpose_lhs_hint = false} : vector<1024x3xf32>, vector<3x2048xf32>, vector<1024x2048xf32> -> vector<1024x2048xf32>
    %mul3A = arith.mulf %get3A_1, %get3A_1 : vector<1024x3xf32>
    %reduce_sum3A = arith.constant dense<0.000000e+00> : vector<1024xf32>
    %reduce_sum3A_6 = vector.multi_reduction <add>, %mul3A, %reduce_sum3A [1] : vector<1024x3xf32> to vector<1024xf32>
    %broadcast_in_dim3A = vector.shape_cast %reduce_sum3A_6 : vector<1024xf32> to vector<1024x1xf32>
    %mul3A_7 = arith.mulf %get3A_4, %get3A_4 : vector<3x2048xf32>
    %reduce_sum3A_8 = arith.constant dense<0.000000e+00> : vector<2048xf32>
    %reduce_sum3A_9 = vector.multi_reduction <add>, %mul3A_7, %reduce_sum3A_8 [0] : vector<3x2048xf32> to vector<2048xf32>
    %broadcast_in_dim3A_10 = vector.shape_cast %reduce_sum3A_9 : vector<2048xf32> to vector<1x2048xf32>
    %mul3A_11 = arith.constant 2.000000e+00 : f32
    %mul3A_12 = vector.broadcast %mul3A_11 : f32 to vector<1024x2048xf32>
    %mul3A_13 = arith.mulf %mul3A_12, %dot_general3A_5 : vector<1024x2048xf32>
    %sub3A = vector.broadcast %broadcast_in_dim3A : vector<1024x1xf32> to vector<1024x2048xf32>
    %sub3A_14 = arith.subf %sub3A, %mul3A_13 : vector<1024x2048xf32>
    %add3A = vector.broadcast %broadcast_in_dim3A_10 : vector<1x2048xf32> to vector<1024x2048xf32>
    %add3A_15 = arith.addf %sub3A_14, %add3A : vector<1024x2048xf32>
    %eq3A = arith.constant 0 : i32
    %eq3A_16 = arith.cmpi eq, %arg1, %eq3A : i32
    %convert_element_type3A = arith.extui %eq3A_16 : i1 to i32
    %cond3A = arith.constant 0 : i32
    %cond3A_17 = arith.cmpi ne, %convert_element_type3A, %cond3A : i32
    scf.if %cond3A_17 {
      %swap3A = arith.constant 0 : index
      %swap3A_27 = arith.constant 0 : index
      %swap3A_28 = vector.load %arg5[%swap3A, %swap3A_27] : memref<1024x2048xf32, #tpu.memory_space<vmem>>, vector<1024x2048xf32>
      tpu.vector_store %arg5[%swap3A, %swap3A_27], %add3A_15 {strides = array<i32>} : memref<1024x2048xf32, #tpu.memory_space<vmem>>, vector<1024x2048xf32>,
      %broadcast_in_dim3A_29 = arith.constant 0.000000e+00 : f32
      %broadcast_in_dim3A_30 = vector.broadcast %broadcast_in_dim3A_29 : f32 to vector<1024x2048xf32>
      %swap3A_31 = arith.constant 0 : index
      %swap3A_32 = arith.constant 0 : index
      %swap3A_33 = vector.load %arg6[%swap3A_31, %swap3A_32] : memref<1024x2048xf32, #tpu.memory_space<vmem>>, vector<1024x2048xf32>
      tpu.vector_store %arg6[%swap3A_31, %swap3A_32], %broadcast_in_dim3A_30 {strides = array<i32>} : memref<1024x2048xf32, #tpu.memory_space<vmem>>, vector<1024x2048xf32>,
    } else {
    }
    %gt3A = arith.constant 0 : i32
    %gt3A_18 = arith.cmpi sgt, %arg1, %gt3A : i32
    %convert_element_type3A_19 = arith.extui %gt3A_18 : i1 to i32
    %cond3A_20 = arith.constant 0 : i32
    %cond3A_21 = arith.cmpi ne, %convert_element_type3A_19, %cond3A_20 : i32
    scf.if %cond3A_21 {
      %get3A_27 = arith.constant 0 : index
      %get3A_28 = arith.constant 0 : index
      %get3A_29 = vector.load %arg5[%get3A_27, %get3A_28] : memref<1024x2048xf32, #tpu.memory_space<vmem>>, vector<1024x2048xf32>
      %lt3A = arith.cmpf olt, %add3A_15, %get3A_29 : vector<1024x2048xf32>
      %get3A_30 = arith.constant 0 : index
      %get3A_31 = arith.constant 0 : index
      %get3A_32 = vector.load %arg5[%get3A_30, %get3A_31] : memref<1024x2048xf32, #tpu.memory_space<vmem>>, vector<1024x2048xf32>
      %select_n3A = arith.select %lt3A, %add3A_15, %get3A_32 : vector<1024x2048xi1>, vector<1024x2048xf32>
      %swap3A = arith.constant 0 : index
      %swap3A_33 = arith.constant 0 : index
      %swap3A_34 = vector.load %arg5[%swap3A, %swap3A_33] : memref<1024x2048xf32, #tpu.memory_space<vmem>>, vector<1024x2048xf32>
      tpu.vector_store %arg5[%swap3A, %swap3A_33], %select_n3A {strides = array<i32>} : memref<1024x2048xf32, #tpu.memory_space<vmem>>, vector<1024x2048xf32>,
      %convert_element_type3A_35 = arith.sitofp %arg1 : i32 to f32
      %get3A_36 = arith.constant 0 : index
      %get3A_37 = arith.constant 0 : index
      %get3A_38 = vector.load %arg6[%get3A_36, %get3A_37] : memref<1024x2048xf32, #tpu.memory_space<vmem>>, vector<1024x2048xf32>
      %broadcast_in_dim3A_39 = vector.broadcast %convert_element_type3A_35 : f32 to vector<1024x2048xf32>
      %select_n3A_40 = arith.select %lt3A, %broadcast_in_dim3A_39, %get3A_38 : vector<1024x2048xi1>, vector<1024x2048xf32>
      %swap3A_41 = arith.constant 0 : index
      %swap3A_42 = arith.constant 0 : index
      %swap3A_43 = vector.load %arg6[%swap3A_41, %swap3A_42] : memref<1024x2048xf32, #tpu.memory_space<vmem>>, vector<1024x2048xf32>
      tpu.vector_store %arg6[%swap3A_41, %swap3A_42], %select_n3A_40 {strides = array<i32>} : memref<1024x2048xf32, #tpu.memory_space<vmem>>, vector<1024x2048xf32>,
    } else {
    }
    %eq3A_22 = arith.constant 7 : i32
    %eq3A_23 = arith.cmpi eq, %arg1, %eq3A_22 : i32
    %convert_element_type3A_24 = arith.extui %eq3A_23 : i1 to i32
    %cond3A_25 = arith.constant 0 : i32
    %cond3A_26 = arith.cmpi ne, %convert_element_type3A_24, %cond3A_25 : i32
    scf.if %cond3A_26 {
      %get3A_27 = arith.constant 0 : index
      %get3A_28 = arith.constant 0 : index
      %get3A_29 = vector.load %arg5[%get3A_27, %get3A_28] : memref<1024x2048xf32, #tpu.memory_space<vmem>>, vector<1024x2048xf32>
      %reduce_min3A = arith.constant dense<0x7F800000> : vector<1024xf32>
      %reduce_min3A_30 = vector.multi_reduction <minimumf>, %get3A_29, %reduce_min3A [1] : vector<1024x2048xf32> to vector<1024xf32>
      %broadcast_in_dim3A_31 = vector.shape_cast %reduce_min3A_30 : vector<1024xf32> to vector<1024x1xf32>
      %iota3A = tpu.iota {dimensions = array<i32: 1>} : vector<1024x2048xi32>
      %convert_element_type3A_32 = arith.sitofp %iota3A : vector<1024x2048xi32> to vector<1024x2048xf32>
      %get3A_33 = arith.constant 0 : index
      %get3A_34 = arith.constant 0 : index
      %get3A_35 = vector.load %arg6[%get3A_33, %get3A_34] : memref<1024x2048xf32, #tpu.memory_space<vmem>>, vector<1024x2048xf32>
      %mul3A_36 = arith.constant 2.048000e+03 : f32
      %mul3A_37 = vector.broadcast %mul3A_36 : f32 to vector<1024x2048xf32>
      %mul3A_38 = arith.mulf %get3A_35, %mul3A_37 : vector<1024x2048xf32>
      %add3A_39 = arith.addf %mul3A_38, %convert_element_type3A_32 : vector<1024x2048xf32>
      %eq3A_40 = vector.broadcast %broadcast_in_dim3A_31 : vector<1024x1xf32> to vector<1024x2048xf32>
      %eq3A_41 = arith.cmpf oeq, %get3A_29, %eq3A_40 : vector<1024x2048xf32>
      %jit3A = arith.constant 1.638400e+04 : f32
      %broadcast_in_dim3A_42 = vector.broadcast %jit3A : f32 to vector<1024x2048xf32>
      %select_n3A = arith.select %eq3A_41, %add3A_39, %broadcast_in_dim3A_42 : vector<1024x2048xi1>, vector<1024x2048xf32>
      %reduce_min3A_43 = arith.constant dense<0x7F800000> : vector<1024xf32>
      %reduce_min3A_44 = vector.multi_reduction <minimumf>, %select_n3A, %reduce_min3A_43 [1] : vector<1024x2048xf32> to vector<1024xf32>
      %broadcast_in_dim3A_45 = vector.shape_cast %reduce_min3A_44 : vector<1024xf32> to vector<1024x1xf32>
      %convert_element_type3A_46 = arith.fptosi %broadcast_in_dim3A_45 : vector<1024x1xf32> to vector<1024x1xi32>
      %swap3A = arith.constant 0 : index
      %swap3A_47 = arith.constant 0 : index
      %swap3A_48 = arith.constant 0 : index
      %swap3A_49 = vector.load %arg4[%swap3A, %swap3A_47, %swap3A_48] : memref<1x1024x1xi32, #tpu.memory_space<vmem>>, vector<1x1024x1xi32>
      %swap3A_50 = vector.shape_cast %swap3A_49 : vector<1x1024x1xi32> to vector<1024x1xi32>
      %swap3A_51 = vector.shape_cast %convert_element_type3A_46 : vector<1024x1xi32> to vector<1x1024x1xi32>
      tpu.vector_store %arg4[%swap3A, %swap3A_47, %swap3A_48], %swap3A_51 {strides = array<i32>} : memref<1x1024x1xi32, #tpu.memory_space<vmem>>, vector<1x1024x1xi32>,
    } else {
    }
    return
  }
  func.func @transform_0(%arg0: i32, %arg1: i32) -> (i32, i32) {
    %c0_i32 = arith.constant 0 : i32
    %c0_i32_0 = arith.constant 0 : i32
    return %arg0, %c0_i32 : i32, i32
  }
  func.func @transform_1(%arg0: i32, %arg1: i32) -> (i32, i32) {
    %c0_i32 = arith.constant 0 : i32
    %c0_i32_0 = arith.constant 0 : i32
    return %c0_i32, %arg1 : i32, i32
  }
  func.func @transform_2(%arg0: i32, %arg1: i32) -> (i32, i32, i32) {
    %c0_i32 = arith.constant 0 : i32
    %c0_i32_0 = arith.constant 0 : i32
    %c0_i32_1 = arith.constant 0 : i32
    return %arg0, %c0_i32, %c0_i32_0 : i32, i32, i32
  }
}

</mosaic_0001>

<sc_bundles>
// kernel: kernel.4.cloned.1.call-start
scs
__scs_entry_jumppad:
0x0: {  	(pc) =	sbr.rel $0x88, $3  }
0x1: {  	(tag) =	ssettag $0x0;
	lr =	simm.s32 $0x1  }
0x2: {  	[smem:$0x3F9F] =	sst lr;
	_ =	strace $0xD0000000  }
0x3: {  	_ = 	snop  }
0x4: {  	_ = 	snop  }
0x5: {  	_ = 	snop  }
0x6: {  	_ = 	snop  }
0x7: {  	_ = 	snop  }
__scs_overlays_trampoline_lowered:
0x8: {  	[smem:$0x3FAE] =	sst s0  }
0x9: {  	[smem:$0x3FAF] =	sst s1  }
0xa: {  	[smem:$0x3FB0] =	sst s2  }
0xb: {  	[smem:$0x3FB1] =	sst s3  }
0xc: {  	[smem:$0x3FB2] =	sst s4  }
0xd: {  	[smem:$0x3FB3] =	sst s5  }
0xe: {  	[smem:$0x3FB4] =	sst s6  }
0xf: {  	[smem:$0x3FB5] =	sst s7  }
0x10: {  	[smem:$0x3FB6] =	sst s8  }
0x11: {  	[smem:$0x3FB7] =	sst s9;
	s0 =	simm.s32 @!p0 $0x0  }
0x12: {  	s1 =	sld [smem:$0x3F9D];
	s0 =	simm.s32 @p0 $0x1  }
0x13: {  	[smem:$0x3FB8] =	sst s0;
	s0 =	simm.s32 @!p1 $0x0  }
0x14: {  	s2 =	sld [smem:$0x3F9C];
	s0 =	simm.s32 @p1 $0x1  }
0x15: {  	[smem:$0x3FB9] =	sst s0;
	s0 =	simm.s32 @!p2 $0x0  }
0x16: {  	s3 =	sld [smem:$0x3FDB];
	s0 =	simm.s32 @p2 $0x1  }
0x17: {  	s4 =	simm.s32 $0x1BF5;
	[smem:$0x3FBB] =	sst s0  }
0x18: {  	s0 =	sld [smem:$0x3F9E];
	_ =	swait.ge [sflag:s4], $0x0  }
0x19: {  	s7 =	sld [smem:$0x3F9F]  }
0x1a: {  	s8 =	sadd.s32 $0xFFFFE003, lr  }
0x1b: {  	s9 =	sadd.s32 $0xFFFFFEF7, lr;
	s5 =	simm.s32 $0xFFFFFFFF;
	p2 =	slt.u32 s8, $0xFFFFF086  }
0x1c: {  	p1 =	slt.u32 s9, $0xF7A;
	s5 =	simm.s32 @!p2 $0x0  }
0x1d: {  	s5 =	simm.s32 @p1 $0x1;
	p0 =	seq.s32 s7, s2  }
0x1e: {  	s7 =	smul.u32 @!p0 $0xF7A, s2;
	p2 =	seq.s32 @!p0 s5, $0x0  }
0x1f: {  	s9 =	smul.u32 $0xF7A, s1;
	s8 =	simm.s32 @!p0 $0x1BF5;
	p2 =	por !p2, p0  }
0x20: {  	[sflag:s8] =	ssyncset.s32 @!p0 $0xFFFFF086;
	s6 =	sadd.s32 @!p0 s3, s7;
	s7 =	simm.s32 @!p0 $0x108  }
0x21: {  	s3 =	sadd.s32 s3, s9;
	s6 =	sadd.s32 @!p0 $0x88, s6;
	s7 =	simm.s32 @p2 $0x1082  }
0x22: {  	[simem:s7], [sflag:s8] =	dma.local @!p0 [hbm:s6], $0xF7A  }
0x23: {  	s9 =	sor.u32 $0xD0000000, s2;
	s6 =	simm.s32 $0x108;
	_ =	swait.ge @!p0 [sflag:s8], $0x0  }
0x24: {  	s3 =	sadd.s32 $0x88, s3;
	s6 =	simm.s32 @!p1 $0x1082;
	[sflag:s4] =	ssyncset.s32 $0xFFFFF086  }
0x25: {  	[simem:s6], [sflag:s4] =	dma.local [hbm:s3], $0xF7A  }
0x26: {  	[smem:$0x3F9F] =	sst s1;
	(tag) =	ssettag s2;
	_ =	strace s9  }
0x27: {  	s1 =	sld [smem:$0x3FAF]  }
0x28: {  	s2 =	sld [smem:$0x3FB0]  }
0x29: {  	s4 =	sld [smem:$0x3FB2]  }
0x2a: {  	p0 =	seq.s32 s5, $0x0;
	s5 =	sld [smem:$0x3FB3]  }
0x2b: {  	s6 =	sld [smem:$0x3FB4]  }
0x2c: {  	s7 =	sld [smem:$0x3FB5]  }
0x2d: {  	s3 =	simm.s32 $0x108;
	s8 =	sld [smem:$0x3FB6]  }
0x2e: {  	s3 =	simm.s32 @!p0 $0x1082;
	s9 =	sld [smem:$0x3FB7]  }
0x2f: {  	lr =	sadd.s32 s0, s3;
	s0 =	sld [smem:$0x3FAE]  }
0x30: {  	s3 =	sld [smem:$0x3FB1]  }
0x31: {  	[smem:$0x3FBA] =	sst s10  }
0x32: {  	s10 =	sld [smem:$0x3FB8];
	_ =	sdelay $0x3  }
0x33: {  	p0 =	seq.s32 s10, $0x1;
	s10 =	sld [smem:$0x3FBA];
	_ =	sdelay $0x3  }
0x34: {  	[smem:$0x3FBA] =	sst s10  }
0x35: {  	s10 =	sld [smem:$0x3FB9];
	_ =	sdelay $0x3  }
0x36: {  	p1 =	seq.s32 s10, $0x1;
	s10 =	sld [smem:$0x3FBA];
	_ =	sdelay $0x3  }
0x37: {  	[smem:$0x3FBA] =	sst s10  }
0x38: {  	s10 =	sld [smem:$0x3FBB]  }
0x39: {  	_ = 	snop;
	(pc) =	sbr.ind lr, $3  }
0x3a: {  	_ = 	snop  }
0x3b: {  	_ = 	snop  }
0x3c: {  	p2 =	seq.s32 s10, $0x1;
	s10 =	sld [smem:$0x3FBA]  }
0x3d: {  	_ =	shalt  }
0x3e: {  	_ =	shalt  }
0x3f: {  	_ =	shalt  }
0x40: {  	_ =	shalt  }
0x41: {  	_ =	shalt  }
0x42: {  	_ =	shalt  }
0x43: {  	_ =	shalt  }
0x44: {  	_ =	shalt  }
0x45: {  	_ =	shalt  }
0x46: {  	_ =	shalt  }
0x47: {  	_ =	shalt  }
0x48: {  	_ =	shalt  }
0x49: {  	_ =	shalt  }
0x4a: {  	_ =	shalt  }
0x4b: {  	_ =	shalt  }
0x4c: {  	_ =	shalt  }
0x4d: {  	_ =	shalt  }
0x4e: {  	_ =	shalt  }
0x4f: {  	_ =	shalt  }
0x50: {  	_ =	shalt  }
0x51: {  	_ =	shalt  }
0x52: {  	_ =	shalt  }
0x53: {  	_ =	shalt  }
0x54: {  	_ =	shalt  }
0x55: {  	_ =	shalt  }
0x56: {  	_ =	shalt  }
0x57: {  	_ =	shalt  }
0x58: {  	_ =	shalt  }
0x59: {  	_ =	shalt  }
0x5a: {  	_ =	shalt  }
0x5b: {  	_ =	shalt  }
0x5c: {  	_ =	shalt  }
0x5d: {  	_ =	shalt  }
0x5e: {  	_ =	shalt  }
0x5f: {  	_ =	shalt  }
0x60: {  	_ =	shalt  }
0x61: {  	_ =	shalt  }
0x62: {  	_ =	shalt  }
0x63: {  	_ =	shalt  }
0x64: {  	_ =	shalt  }
0x65: {  	_ =	shalt  }
0x66: {  	_ =	shalt  }
0x67: {  	_ =	shalt  }
0x68: {  	_ =	shalt  }
0x69: {  	_ =	shalt  }
0x6a: {  	_ =	shalt  }
0x6b: {  	_ =	shalt  }
0x6c: {  	_ =	shalt  }
0x6d: {  	_ =	shalt  }
0x6e: {  	_ =	shalt  }
0x6f: {  	_ =	shalt  }
0x70: {  	_ =	shalt  }
0x71: {  	_ =	shalt  }
0x72: {  	_ =	shalt  }
0x73: {  	_ =	shalt  }
0x74: {  	_ =	shalt  }
0x75: {  	_ =	shalt  }
0x76: {  	_ =	shalt  }
0x77: {  	_ =	shalt  }
0x78: {  	_ =	shalt  }
0x79: {  	_ =	shalt  }
0x7a: {  	_ =	shalt  }
0x7b: {  	_ =	shalt  }
0x7c: {  	_ =	shalt  }
0x7d: {  	_ =	shalt  }
0x7e: {  	_ =	shalt  }
0x7f: {  	_ =	shalt  }
0x80: {  	_ =	shalt  }
0x81: {  	_ =	shalt  }
0x82: {  	_ =	shalt  }
0x83: {  	_ =	shalt  }
0x84: {  	_ =	shalt  }
0x85: {  	_ =	shalt  }
0x86: {  	_ =	shalt  }
0x87: {  	_ =	shalt  }
.Lfunc_end0:
.L_simem_size_0:
called_computation_lowered:
.L_overlay_start_0:
0x88: {  	s2 =	sld [smem:$0x3FD9]  }
0x89: {  	s3 =	sld [smem:$0x3FFE];
	_ =	sdelay $0x1  }
0x8a: {  	s1 =	srdreg.scid  }
0x8b: {  	s0 =	sand.u32 $0x1, s1  }
0x8c: {  	s14 =	sshll.u32 s0, $0xA;
	s2 =	sadd.s32 s3, s2  }
0x8d: {  	s2 =	sadd.s32 s2, s14  }
0x8e: {  	[smem:$0x3FC6] =	sst s2  }
0x8f: {  	_ = 	snop  }
0x90: {  	s2 =	sld [smem:$0x3FD0];
	_ =	sdelay $0x2  }
0x91: {  	s15 =	simm.s32 $0xA;
	s4 =	simm.s32 $0x10  }
0x92: {  	[smem:s4], [sflag:s15] =	dma.local [hbm:s2], $0x1  }
0x93: {  	_ =	swait.eq [sflag:s15], $0x1  }
0x94: {  	[sflag:s15] =	ssyncset.done $0x0  }
0x95: {  	s16 =	sld [smem:$0x11];
	[sflag:s15] =	ssyncadd.s32 $0xFFFFFFFF  }
0x96: {  	s17 =	sld [smem:$0x12];
	(tm) =	ssettm $0x1  }
0x97: {  	s18 =	sld [smem:$0x3FFB];
	_ =	sdelay $0x3  }
0x98: {  	_ =	strace s18  }
0x99: {  	s4 =	sld [smem:$0x3FFC];
	_ =	sdelay $0x3  }
0x9a: {  	_ =	strace s4  }
0x9b: {  	s4 =	sld [smem:$0x3FFD];
	_ =	sdelay $0x3  }
0x9c: {  	_ =	strace s4  }
0x9d: {  	_ =	strace $0x8FFFFFFF  }
0x9e: {  	s19 =	sld [smem:$0x3FDB];
	_ =	sdelay $0x1  }
0x9f: {  	s5 =	simm.s32 $_scs_section_size  }
0xa0: {  	s6 =	simm.s32 $_size__tile_overlayer_lowered;
	s7 =	simm.s32 $_tile_overlayer_lowered  }
0xa1: {  	s22 =	simm.s32 $0x1BFF;
	s21 =	sshll.u32 s7, $0x1;
	s4 =	sadd.s32 s5, s19  }
0xa2: {  	s8 =	simm.s32 $0x0;
	s20 =	sshll.u32 s6, $0x1;
	s6 =	sadd.s32 s21, s4  }
0xa3: {  	[timem:s8], [sflag:s22] =	dma.local [hbm:s6], s20  }
0xa4: {  	_ =	swait.ge [sflag:s22], s20  }
0xa5: {  	s5 =	ssub.s32 $0x0, s20;
	[sflag:s22] =	ssyncset.done $0x0  }
0xa6: {  	[sflag:s22] =	ssyncadd.s32 s5;
	_ =	sdelay $0x1  }
0xa7: {  	s23 =	simm.s32 $0x1B8B  }
0xa8: {  	_ =	swait.ge [sflag:s23], $0x1  }
0xa9: {  	[sflag:s23] =	ssyncset.done $0x0  }
0xaa: {  	s25 =	simm.s32 $0x1B8E;
	s24 =	sld [smem:$0x3FFE];
	[sflag:s23] =	ssyncadd.s32 $0xFFFFFFFF  }
0xab: {  	s26 =	simm.s32 $execute0_lowered;
	[smem:$0x3FD2] =	sst s25  }
0xac: {  	s6 =	sshll.u32 s26, $0x1;
	_ =	strace $0x80000046;
	[dreg:$0x1] =	wrdreg $0xFFFFFFFF  }
0xad: {  	s28 =	simm.s32 $_size_execute0_lowered;
	s4 =	sadd.s32 s4, s6;
	[dreg:$0x0] =	wrdreg $0x0  }
0xae: {  	s6 =	sshll.u32 s28, $0x1;
	[dreg:$0x2] =	wrdreg s4  }
0xaf: {  	[dreg:$0x3] =	wrdreg s6  }
0xb0: {  	[dreg:$0x4] =	wrdreg $0xC0  }
0xb1: {  	_ =	task [dreg:s8], $0x5FFFF  }
0xb2: {  	[dreg:$0x1] =	wrdreg $0xFFFFFFFF  }
0xb3: {  	[dreg:$0x0] =	wrdreg $0x60  }
0xb4: {  	[dreg:$0x2] =	wrdreg s24  }
0xb5: {  	[dreg:$0x3] =	wrdreg s16  }
0xb6: {  	[dreg:$0x4] =	wrdreg s17  }
0xb7: {  	[dreg:$0x5] =	wrdreg $0x9  }
0xb8: {  	_ =	task.clear_ibuf [dreg:s8], $0x6FFFF;
	_ =	strace $0x90000046  }
0xb9: {  	s29 =	simm.s32 $0x9;
	_ =	strace $0x80000048  }
0xba: {  	_ =	swait.ge [sflag:s29], $0x1  }
0xbb: {  	[sflag:s29] =	ssyncadd.s32 $0xFFFFFFFF  }
0xbc: {  	_ =	strace $0x90000048  }
0xbd: {  	_ =	sfence  }
0xbe: {  	s30 =	sld [smem:$0x0];
	_ =	sdelay $0x2  }
0xbf: {  	s31 =	sshll.u32 s1, $0xD;
	s1 =	sshrl.u32 s1, $0x2  }
0xc0: {  	s3 =	sand.u32 $0x4000, s31;
	s1 =	sadd.s32 s1, s30  }
0xc1: {  	s0 =	sor.u32 s3, s0;
	s1 =	sshll.u32 s1, $0x11  }
0xc2: {  	s0 =	sor.u32 s1, s0  }
0xc3: {  	s0 =	sadd.s32 $0x8F2B, s0  }
0xc4: {  	[sflag:s0] =	ssyncadd.remote.s32 $0x1  }
0xc5: {  	_ =	sfence.sel $0xFFFF  }
0xc6: {  	[dreg:$0x0] =	wrdreg $0xFFFFFFFF;
	(pc) =	sbr.abs _section_cstart, $3  }
0xc7: {  	[dreg:$0x1] =	wrdreg $0xFFFFFFFF  }
0xc8: {  	_ =	task.clear_ibuf [dreg:s8], $0x2FFFF;
	_ =	strace $0x9FFFFFFF  }
0xc9: {  	(tm) =	ssettm $0x7FFFFFFF  }
tec
execute0_lowered:
.L_overlay_start_1:
0x0: {  	(tag) =	ssettag $0x1  }
0x1: {  	s1 =	rddreg [dreg:$0x0];
	s3 =	srdreg.scid  }
0x2: {  	s0 =	stileid.u32;
	s2 =	rddreg [dreg:$0x1];
	s10 =	simm.s32 $0x400  }
0x3: {  	s11 =	simm.s32 $0x600;
	s12 =	simm.s32 $0x80;
	s13 =	simm.s32 $0x800  }
0x4: {  	s14 =	simm.s32 $0xA00;
	s15 =	simm.s32 $0xC00;
	s16 =	simm.s32 $0x880  }
0x5: {  	s17 =	simm.s32 $0xA80;
	s18 =	simm.s32 $0xC80;
	s19 =	simm.s32 $0x100  }
0x6: {  	s28 =	simm.s32 $0x1;
	s6 =	sand.u32 $0x1, s3;
	s4 =	sshll.u32 s0, $0x1  }
0x7: {  	s29 =	simm.s32 $0xE00;
	s30 =	simm.s32 $0x1000;
	s7 =	sor.u32 s6, s4  }
0x8: {  	s31 =	simm.s32 $0x1200;
	s3 =	rddreg [dreg:$0x2];
	s5 =	sshll.u32 s7, $0x6  }
0x9: {  	s4 =	simm.s32 $0x0;
	s6 =	ssub.s32 $0x2, s6;
	s8 =	sadd.s32 s5, s1  }
0xa: {  	[smem:$0x7FF] =	sst s4;
	s7 =	sshll.u32 s7, $0x1;
	s9 =	sadd.s32 $0x2600, s8  }
0xb: {  	_ =	strace $0x80000047;
	s20 =	sadd.s32 $0x1600, s8;
	[dreg:$0x4] =	wrdreg s9  }
0xc: {  	s24 =	sshrl.u32 s6, $0x1;
	s21 =	sadd.s32 $0xE00, s8;
	[dreg:$0x5] =	wrdreg s20  }
0xd: {  	s5 =	sadd.s32 $0x1E00, s1;
	s22 =	sadd.s32 $0x600, s8;
	[dreg:$0x6] =	wrdreg s21  }
0xe: {  	s1 =	sadd.s32 s7, s1;
	s23 =	sadd.s32 $0x2E00, s8;
	[dreg:$0x7] =	wrdreg s22  }
0xf: {  	s25 =	sadd.s32 $0x3600, s8;
	s26 =	sadd.s32 $0x3E00, s8;
	[dreg:$0x8] =	wrdreg s23  }
0x10: {  	s8 =	simm.s32 $0x2;
	s9 =	ssub.s32 s6, s24;
	[dreg:$0x9] =	wrdreg s25  }
0x11: {  	[dreg:$0xa] =	wrdreg s26;
	s6 =	sadd.s32 $0x4600, s1;
	s20 =	simm.s32 $0x900  }
0x12: {  	s21 =	simm.s32 $0xB00;
	s22 =	simm.s32 $0xD00;
	s23 =	simm.s32 $0x180  }
0x13: {  	s24 =	simm.s32 $0x980;
	s25 =	simm.s32 $0xB80;
	s26 =	simm.s32 $0xD80  }
0x14: {  	s1 =	simm.s32 $0x1400;
	s7 =	smax.u32 s9, $0x1;
	s9 =	simm.s32 $0x200  }
.LBB2_1:
0x15: {  	s0 =	rddreg [dreg:$0x4]  }
0x16: {  	[tilespmem:s4], [sflag:$0x2] =	stream.linear.gather [hbm4b:s0+s4], $0x200, $0x38;
	[tilespmem:$0x1410] =	vst v63  }
0x17: {  	_ =	swait.ge [sflag:s8], $0x200  }
0x18: {  	[sflag:s8] =	ssyncset.done $0x0  }
0x19: {  	s0 =	rddreg [dreg:$0x5];
	[sflag:s8] =	ssyncadd.s32 $0xFFFFFE00  }
0x1a: {  	[tilespmem:s9], [sflag:$0x2] =	stream.linear.gather [hbm4b:s0+s4], $0x200, $0x38;
	[tilespmem:$0x1410] =	vst v63  }
0x1b: {  	_ =	swait.ge [sflag:s8], $0x200  }
0x1c: {  	[sflag:s8] =	ssyncset.done $0x0  }
0x1d: {  	s0 =	rddreg [dreg:$0x6];
	[sflag:s8] =	ssyncadd.s32 $0xFFFFFE00  }
0x1e: {  	[tilespmem:s10], [sflag:$0x2] =	stream.linear.gather [hbm4b:s0+s4], $0x200, $0x38;
	[tilespmem:$0x1410] =	vst v63  }
0x1f: {  	_ =	swait.ge [sflag:s8], $0x200  }
0x20: {  	[sflag:s8] =	ssyncset.done $0x0  }
0x21: {  	s0 =	rddreg [dreg:$0x7];
	[sflag:s8] =	ssyncadd.s32 $0xFFFFFE00  }
0x22: {  	[tilespmem:s11], [sflag:$0x2] =	stream.linear.gather [hbm4b:s0+s4], $0x200, $0x38;
	[tilespmem:$0x1410] =	vst v63  }
0x23: {  	_ =	swait.ge [sflag:s8], $0x200  }
0x24: {  	[sflag:s8] =	ssyncset.done $0x0  }
0x25: {  	[sflag:s8] =	ssyncadd.s32 $0xFFFFFE00  }
0x26: {  	[tilespmem:s13], [sflag:$0x1] =	stream.indirect.gather [hbm4b:s5+s12], $0x1, s4, s12, $0xb8;
	[tilespmem:$0x1410] =	vst v63  }
0x27: {  	_ = 	snop  }
0x28: {  	[tilespmem:s14], [sflag:$0x1] =	stream.indirect.gather [hbm4b:s2+s12], $0x1, s4, s12, $0xb8;
	[tilespmem:$0x1410] =	vst v63  }
0x29: {  	_ = 	snop  }
0x2a: {  	[tilespmem:s15], [sflag:$0x1] =	stream.indirect.gather [hbm4b:s3+s12], $0x1, s4, s12, $0xb8;
	[tilespmem:$0x1410] =	vst v63  }
0x2b: {  	_ = 	snop  }
0x2c: {  	[tilespmem:s16], [sflag:$0x1] =	stream.indirect.gather [hbm4b:s5+s12], $0x1, s12, s12, $0xb8;
	[tilespmem:$0x1410] =	vst v63  }
0x2d: {  	_ = 	snop  }
0x2e: {  	[tilespmem:s17], [sflag:$0x1] =	stream.indirect.gather [hbm4b:s2+s12], $0x1, s12, s12, $0xb8;
	[tilespmem:$0x1410] =	vst v63  }
0x2f: {  	_ = 	snop  }
0x30: {  	[tilespmem:s18], [sflag:$0x1] =	stream.indirect.gather [hbm4b:s3+s12], $0x1, s12, s12, $0xb8;
	[tilespmem:$0x1410] =	vst v63  }
0x31: {  	_ = 	snop  }
0x32: {  	[tilespmem:s20], [sflag:$0x1] =	stream.indirect.gather [hbm4b:s5+s12], $0x1, s19, s12, $0xb8;
	[tilespmem:$0x1410] =	vst v63  }
0x33: {  	_ = 	snop  }
0x34: {  	[tilespmem:s21], [sflag:$0x1] =	stream.indirect.gather [hbm4b:s2+s12], $0x1, s19, s12, $0xb8;
	[tilespmem:$0x1410] =	vst v63  }
0x35: {  	_ = 	snop  }
0x36: {  	[tilespmem:s22], [sflag:$0x1] =	stream.indirect.gather [hbm4b:s3+s12], $0x1, s19, s12, $0xb8;
	[tilespmem:$0x1410] =	vst v63  }
0x37: {  	_ = 	snop  }
0x38: {  	[tilespmem:s24], [sflag:$0x1] =	stream.indirect.gather [hbm4b:s5+s12], $0x1, s23, s12, $0xb8;
	[tilespmem:$0x1410] =	vst v63  }
0x39: {  	_ = 	snop  }
0x3a: {  	[tilespmem:s25], [sflag:$0x1] =	stream.indirect.gather [hbm4b:s2+s12], $0x1, s23, s12, $0xb8;
	[tilespmem:$0x1410] =	vst v63  }
0x3b: {  	_ = 	snop  }
0x3c: {  	[tilespmem:s26], [sflag:$0x1] =	stream.indirect.gather [hbm4b:s3+s12], $0x1, s23, s12, $0xb8;
	[tilespmem:$0x1410] =	vst v63  }
0x3d: {  	_ =	swait.ge [sflag:s28], $0x80  }
0x3e: {  	[sflag:s28] =	ssyncset.done $0x0  }
0x3f: {  	[sflag:s28] =	ssyncadd.s32 $0xFFFFFF80  }
0x40: {  	_ =	swait.ge [sflag:s28], $0x80  }
0x41: {  	[sflag:s28] =	ssyncset.done $0x0  }
0x42: {  	[sflag:s28] =	ssyncadd.s32 $0xFFFFFF80  }
0x43: {  	_ =	swait.ge [sflag:s28], $0x80  }
0x44: {  	[sflag:s28] =	ssyncset.done $0x0  }
0x45: {  	[sflag:s28] =	ssyncadd.s32 $0xFFFFFF80  }
0x46: {  	_ =	swait.ge [sflag:s28], $0x80  }
0x47: {  	[sflag:s28] =	ssyncset.done $0x0  }
0x48: {  	[sflag:s28] =	ssyncadd.s32 $0xFFFFFF80  }
0x49: {  	_ =	swait.ge [sflag:s28], $0x80  }
0x4a: {  	[sflag:s28] =	ssyncset.done $0x0  }
0x4b: {  	[sflag:s28] =	ssyncadd.s32 $0xFFFFFF80  }
0x4c: {  	_ =	swait.ge [sflag:s28], $0x80  }
0x4d: {  	[sflag:s28] =	ssyncset.done $0x0  }
0x4e: {  	[sflag:s28] =	ssyncadd.s32 $0xFFFFFF80  }
0x4f: {  	_ =	swait.ge [sflag:s28], $0x80  }
0x50: {  	[sflag:s28] =	ssyncset.done $0x0  }
0x51: {  	[sflag:s28] =	ssyncadd.s32 $0xFFFFFF80  }
0x52: {  	_ =	swait.ge [sflag:s28], $0x80  }
0x53: {  	[sflag:s28] =	ssyncset.done $0x0  }
0x54: {  	[sflag:s28] =	ssyncadd.s32 $0xFFFFFF80  }
0x55: {  	_ =	swait.ge [sflag:s28], $0x80  }
0x56: {  	[sflag:s28] =	ssyncset.done $0x0  }
0x57: {  	[sflag:s28] =	ssyncadd.s32 $0xFFFFFF80  }
0x58: {  	_ =	swait.ge [sflag:s28], $0x80  }
0x59: {  	[sflag:s28] =	ssyncset.done $0x0  }
0x5a: {  	[sflag:s28] =	ssyncadd.s32 $0xFFFFFF80  }
0x5b: {  	_ =	swait.ge [sflag:s28], $0x80  }
0x5c: {  	[sflag:s28] =	ssyncset.done $0x0  }
0x5d: {  	[sflag:s28] =	ssyncadd.s32 $0xFFFFFF80  }
0x5e: {  	_ =	swait.ge [sflag:s28], $0x80  }
0x5f: {  	[sflag:s28] =	ssyncset.done $0x0  }
0x60: {  	[sflag:s28] =	ssyncadd.s32 $0xFFFFFF80  }
0x61: {  	v0 =	vld [tilespmem:$0x200]  }
0x62: {  	v1 =	vld [tilespmem:$0x800]  }
0x63: {  	v2 =	vld [tilespmem:$0x400]  }
0x64: {  	v3 =	vld [tilespmem:$0xA00]  }
0x65: {  	v4 =	vld [tilespmem:$0x600]  }
0x66: {  	v5 =	vld [tilespmem:$0xC00]  }
0x67: {  	v6 =	vld [tilespmem:$0x210]  }
0x68: {  	v7 =	vld [tilespmem:$0x810]  }
0x69: {  	v36 =	vld [tilespmem:$0x410]  }
0x6a: {  	v8 =	vld [tilespmem:$0xA10]  }
0x6b: {  	v37 =	vld [tilespmem:$0x610];
	v0 =	vsub.f32 v0, v1;
	v35 =	vsub.f32 v2, v3  }
0x6c: {  	v9 =	vld [tilespmem:$0xC10]  }
0x6d: {  	v39 =	vld [tilespmem:$0x220];
	v4 =	vsub.f32 v4, v5;
	v3 =	vmul.f32 v0, v0;
	v0 =	vmul.f32 v35, v35  }
0x6e: {  	v10 =	vld [tilespmem:$0x820]  }
0x6f: {  	v40 =	vld [tilespmem:$0x420];
	v6 =	vsub.f32 v6, v7;
	v1 =	vmul.f32 v4, v4;
	v38 =	vadd.f32 v0, v3  }
0x70: {  	v11 =	vld [tilespmem:$0xA20]  }
0x71: {  	v12 =	vld [tilespmem:$0x620];
	v8 =	vsub.f32 v36, v8;
	v2 =	vmul.f32 v6, v6;
	v4 =	vadd.f32 v1, v38  }
0x72: {  	v13 =	vld [tilespmem:$0xC20]  }
0x73: {  	v42 =	vld [tilespmem:$0x230];
	v9 =	vsub.f32 v37, v9;
	v5 =	vmul.f32 v8, v8;
	v41 =	vadd.f32 v2, v4  }
0x74: {  	v43 =	vld [tilespmem:$0x830]  }
0x75: {  	v44 =	vld [tilespmem:$0x430];
	v7 =	vsub.f32 v39, v10;
	v4 =	vmul.f32 v9, v9;
	v8 =	vadd.f32 v5, v41  }
0x76: {  	v14 =	vld [tilespmem:$0xA30]  }
0x77: {  	v15 =	vld [tilespmem:$0x630];
	v6 =	vsub.f32 v40, v11;
	v7 =	vmul.f32 v7, v7;
	v8 =	vadd.f32 v4, v8  }
0x78: {  	v16 =	vld [tilespmem:$0xC30]  }
0x79: {  	v47 =	vld [tilespmem:$0x240];
	v12 =	vsub.f32 v12, v13;
	v6 =	vmul.f32 v6, v6;
	v45 =	vadd.f32 v7, v8  }
0x7a: {  	v17 =	vld [tilespmem:$0x840]  }
0x7b: {  	v49 =	vld [tilespmem:$0x440];
	v9 =	vsub.f32 v42, v43;
	v8 =	vmul.f32 v12, v12;
	v46 =	vadd.f32 v6, v45  }
0x7c: {  	v50 =	vld [tilespmem:$0xA40]  }
0x7d: {  	v18 =	vld [tilespmem:$0x640];
	v11 =	vsub.f32 v44, v14;
	v9 =	vmul.f32 v9, v9;
	v48 =	vadd.f32 v8, v46  }
0x7e: {  	v19 =	vld [tilespmem:$0xC40]  }
0x7f: {  	v53 =	vld [tilespmem:$0x250];
	v15 =	vsub.f32 v15, v16;
	v11 =	vmul.f32 v11, v11;
	v51 =	vadd.f32 v9, v48  }
0x80: {  	v54 =	vld [tilespmem:$0x850]  }
0x81: {  	v20 =	vld [tilespmem:$0x450];
	v13 =	vsub.f32 v47, v17;
	v10 =	vmul.f32 v15, v15;
	v52 =	vadd.f32 v11, v51  }
0x82: {  	v21 =	vld [tilespmem:$0xA50]  }
0x83: {  	v56 =	vld [tilespmem:$0x650];
	v13 =	vmul.f32 v13, v13;
	v12 =	vsub.f32 v49, v50;
	v15 =	vadd.f32 v10, v52  }
0x84: {  	v57 =	vld [tilespmem:$0xC50]  }
0x85: {  	v22 =	vld [tilespmem:$0x260];
	v55 =	vsub.f32 v18, v19;
	v12 =	vmul.f32 v12, v12;
	v15 =	vadd.f32 v13, v15  }
0x86: {  	v23 =	vld [tilespmem:$0x860]  }
0x87: {  	v59 =	vld [tilespmem:$0x460];
	v16 =	vsub.f32 v53, v54;
	v14 =	vmul.f32 v55, v55;
	v15 =	vadd.f32 v12, v15  }
0x88: {  	v60 =	vld [tilespmem:$0xA60]  }
0x89: {  	v63 =	vld [tilespmem:$0x660];
	v58 =	vsub.f32 v20, v21;
	v24 =	vadd.f32 v14, v15;
	v15 =	vmul.f32 v16, v16  }
0x8a: {  	v25 =	vld [tilespmem:$0xC60]  }
0x8b: {  	v30 =	vld [tilespmem:$0x270];
	v61 =	vsub.f32 v56, v57;
	v17 =	vmul.f32 v58, v58;
	v62 =	vadd.f32 v15, v24  }
0x8c: {  	v31 =	vld [tilespmem:$0x870]  }
0x8d: {  	v33 =	vld [tilespmem:$0x470];
	v29 =	vsub.f32 v22, v23;
	v16 =	vmul.f32 v61, v61;
	v18 =	vadd.f32 v17, v62  }
0x8e: {  	v27 =	vld [tilespmem:$0xA70]  }
0x8f: {  	v28 =	vld [tilespmem:$0x280];
	v32 =	vsub.f32 v59, v60;
	v19 =	vmul.f32 v29, v29;
	v26 =	vadd.f32 v16, v18  }
0x90: {  	v36 =	vld [tilespmem:$0x670]  }
0x91: {  	v34 =	vsub.f32 v63, v25;
	v37 =	vld [tilespmem:$0xC70];
	v18 =	vmul.f32 v32, v32;
	v35 =	vadd.f32 v19, v26  }
0x92: {  	v39 =	vld [tilespmem:$0x480]  }
0x93: {  	v22 =	vsub.f32 v30, v31;
	v30 =	vld [tilespmem:$0xA80];
	v20 =	vmul.f32 v34, v34;
	v24 =	vadd.f32 v18, v35  }
0x94: {  	v29 =	vld [tilespmem:$0x880]  }
0x95: {  	v31 =	vld [tilespmem:$0xC80];
	v21 =	vmul.f32 v22, v22;
	v38 =	vsub.f32 v33, v27;
	v24 =	vadd.f32 v20, v24  }
0x96: {  	v47 =	vld [tilespmem:$0xA90]  }
0x97: {  	v53 =	vld [tilespmem:$0x6A0];
	v40 =	vsub.f32 v36, v37;
	v23 =	vmul.f32 v38, v38;
	v24 =	vadd.f32 v21, v24  }
0x98: {  	v41 =	vld [tilespmem:$0x680]  }
0x99: {  	v44 =	vld [tilespmem:$0x890];
	v22 =	vmul.f32 v40, v40;
	v42 =	vsub.f32 v28, v29;
	v24 =	vadd.f32 v23, v24  }
0x9a: {  	v43 =	vld [tilespmem:$0x290]  }
0x9b: {  	v54 =	vld [tilespmem:$0xCA0];
	v25 =	vmul.f32 v42, v42;
	v45 =	vsub.f32 v39, v30;
	v32 =	vadd.f32 v22, v24  }
0x9c: {  	v46 =	vld [tilespmem:$0x490]  }
0x9d: {  	v33 =	vld [tilespmem:$0xC90];
	v26 =	vsub.f32 v41, v31;
	v24 =	vmul.f32 v45, v45;
	v48 =	vadd.f32 v25, v32  }
0x9e: {  	v49 =	vld [tilespmem:$0x690]  }
0x9f: {  	v34 =	vld [tilespmem:$0x2A0];
	v28 =	vsub.f32 v43, v44;
	v26 =	vmul.f32 v26, v26;
	v31 =	vadd.f32 v24, v48  }
0xa0: {  	v35 =	vld [tilespmem:$0x8A0]  }
0xa1: {  	v36 =	vld [tilespmem:$0xAA0];
	v27 =	vmul.f32 v28, v28;
	v50 =	vsub.f32 v46, v47;
	v31 =	vadd.f32 v26, v31  }
0xa2: {  	v51 =	vld [tilespmem:$0x4A0]  }
0xa3: {  	v56 =	vld [tilespmem:$0x4B0];
	v52 =	vsub.f32 v49, v33;
	v29 =	vmul.f32 v50, v50;
	v31 =	vadd.f32 v27, v31  }
0xa4: {  	v57 =	vld [tilespmem:$0xAB0]  }
0xa5: {  	v55 =	vld [tilespmem:$0x2B0];
	v28 =	vmul.f32 v52, v52;
	v34 =	vsub.f32 v34, v35;
	v31 =	vadd.f32 v29, v31  }
0xa6: {  	v37 =	vld [tilespmem:$0x8B0]  }
0xa7: {  	v59 =	vld [tilespmem:$0x6B0];
	v30 =	vsub.f32 v51, v36;
	v38 =	vadd.f32 v28, v31;
	v31 =	vmul.f32 v34, v34  }
0xa8: {  	v60 =	vld [tilespmem:$0x2C0]  }
0xa9: {  	v63 =	vld [tilespmem:$0x6C0];
	v30 =	vmul.f32 v30, v30;
	v32 =	vsub.f32 v53, v54;
	v58 =	vadd.f32 v31, v38  }
0xaa: {  	v39 =	vld [tilespmem:$0xCB0]  }
0xab: {  	v40 =	vld [tilespmem:$0x8C0];
	v35 =	vsub.f32 v55, v37;
	v32 =	vmul.f32 v32, v32;
	v33 =	vadd.f32 v30, v58  }
0xac: {  	v42 =	vld [tilespmem:$0xAC0]  }
0xad: {  	v43 =	vld [tilespmem:$0xCC0];
	v34 =	vsub.f32 v56, v57;
	v41 =	vadd.f32 v32, v33;
	v33 =	vmul.f32 v35, v35  }
0xae: {  	v61 =	vld [tilespmem:$0x4C0]  }
0xaf: {  	v44 =	vld [tilespmem:$0xAD0];
	v38 =	vsub.f32 v59, v39;
	v35 =	vmul.f32 v34, v34;
	v62 =	vadd.f32 v33, v41  }
0xb0: {  	v46 =	vld [tilespmem:$0xCD0]  }
0xb1: {  	v49 =	vld [tilespmem:$0x8D0];
	v37 =	vsub.f32 v60, v40;
	v34 =	vmul.f32 v38, v38;
	v47 =	vadd.f32 v35, v62  }
0xb2: {  	v48 =	vld [tilespmem:$0x2D0]  }
0xb3: {  	v50 =	vld [tilespmem:$0x4D0];
	v36 =	vsub.f32 v61, v42;
	v37 =	vmul.f32 v37, v37;
	v38 =	vadd.f32 v34, v47  }
0xb4: {  	v61 =	vld [tilespmem:$0x8F0]  }
0xb5: {  	v36 =	vmul.f32 v36, v36;
	v60 =	vld [tilespmem:$0x2F0];
	v41 =	vsub.f32 v63, v43;
	v51 =	vadd.f32 v37, v38  }
0xb6: {  	v45 =	vld [tilespmem:$0x6D0]  }
0xb7: {  	v53 =	vld [tilespmem:$0x2E0];
	v39 =	vsub.f32 v48, v49;
	v38 =	vmul.f32 v41, v41;
	v52 =	vadd.f32 v36, v51  }
0xb8: {  	v47 =	vld [tilespmem:$0x8E0]  }
0xb9: {  	v55 =	vsub.f32 v50, v44;
	v56 =	vld [tilespmem:$0x4E0];
	v39 =	vmul.f32 v39, v39;
	v54 =	vadd.f32 v38, v52  }
0xba: {  	v57 =	vld [tilespmem:$0xAE0]  }
0xbb: {  	v45 =	vsub.f32 v45, v46;
	v48 =	vld [tilespmem:$0x6E0];
	v41 =	vmul.f32 v55, v55;
	v58 =	vadd.f32 v39, v54  }
0xbc: {  	v49 =	vld [tilespmem:$0xCE0]  }
0xbd: {  	v50 =	vld [tilespmem:$0x4F0];
	v40 =	vmul.f32 v45, v45;
	v43 =	vsub.f32 v53, v47;
	v59 =	vadd.f32 v41, v58  }
0xbe: {  	v46 =	vsub.f32 v60, v61;
	v61 =	vld [tilespmem:$0x700]  }
0xbf: {  	[tilespmem:$0x1090] =	vst v29;
	v29 =	vld [tilespmem:$0x760];
	v42 =	vsub.f32 v56, v57;
	v43 =	vmul.f32 v43, v43;
	v45 =	vadd.f32 v40, v59  }
0xc0: {  	v51 =	vld [tilespmem:$0xAF0]  }
0xc1: {  	v57 =	vld [tilespmem:$0xCF0];
	v42 =	vmul.f32 v42, v42;
	v62 =	vsub.f32 v48, v49;
	v45 =	vadd.f32 v43, v45  }
0xc2: {  	v63 =	vld [tilespmem:$0x6F0]  }
0xc3: {  	v44 =	vmul.f32 v62, v62;
	v53 =	vld [tilespmem:$0x900];
	v45 =	vadd.f32 v42, v45  }
0xc4: {  	v52 =	vld [tilespmem:$0x300]  }
0xc5: {  	v58 =	vsub.f32 v50, v51;
	v50 =	vld [tilespmem:$0x500];
	v54 =	vadd.f32 v44, v45;
	v45 =	vmul.f32 v46, v46  }
0xc6: {  	v51 =	vld [tilespmem:$0xB00]  }
0xc7: {  	[tilespmem:$0x1290] =	vst v28;
	v28 =	vld [tilespmem:$0xB60];
	v59 =	vsub.f32 v63, v57;
	v47 =	vmul.f32 v58, v58;
	v60 =	vadd.f32 v45, v54  }
0xc8: {  	v62 =	vld [tilespmem:$0xD00]  }
0xc9: {  	v55 =	vld [tilespmem:$0x910];
	v52 =	vsub.f32 v52, v53;
	v46 =	vmul.f32 v59, v59;
	v48 =	vadd.f32 v47, v60  }
0xca: {  	v63 =	vld [tilespmem:$0x310]  }
0xcb: {  	v50 =	vsub.f32 v50, v51;
	v51 =	vld [tilespmem:$0x510];
	v56 =	vadd.f32 v46, v48;
	v48 =	vmul.f32 v52, v52  }
0xcc: {  	v60 =	vld [tilespmem:$0xB10]  }
0xcd: {  	[tilespmem:$0xE00] =	vst v3;
	v49 =	vsub.f32 v61, v62;
	v3 =	vmul.f32 v50, v50;
	v54 =	vld [tilespmem:$0x710];
	v61 =	vadd.f32 v48, v56  }
0xce: {  	v56 =	vld [tilespmem:$0xD10]  }
0xcf: {  	[tilespmem:$0x1000] =	vst v0;
	v0 =	vmul.f32 v49, v49;
	v57 =	vld [tilespmem:$0x920];
	v63 =	vsub.f32 v63, v55;
	v62 =	vadd.f32 v3, v61  }
0xd0: {  	v50 =	vld [tilespmem:$0x320]  }
0xd1: {  	[tilespmem:$0x1200] =	vst v1;
	v1 =	vmul.f32 v63, v63;
	v59 =	vsub.f32 v51, v60;
	v60 =	vld [tilespmem:$0x520];
	v58 =	vadd.f32 v0, v62  }
0xd2: {  	[tilespmem:$0xE10] =	vst v2;
	v61 =	vld [tilespmem:$0xB20]  }
0xd3: {  	[tilespmem:$0x1010] =	vst v5;
	v63 =	vld [tilespmem:$0x720];
	v2 =	vmul.f32 v59, v59;
	v62 =	vsub.f32 v54, v56;
	v5 =	vadd.f32 v1, v58  }
0xd4: {  	[tilespmem:$0xE20] =	vst v7;
	v52 =	vld [tilespmem:$0xD20]  }
0xd5: {  	[tilespmem:$0x1210] =	vst v4;
	v55 =	vld [tilespmem:$0x930];
	v53 =	vsub.f32 v50, v57;
	v4 =	vmul.f32 v62, v62;
	v5 =	vadd.f32 v2, v5  }
0xd6: {  	[tilespmem:$0x1230] =	vst v10;
	v54 =	vld [tilespmem:$0x330]  }
0xd7: {  	[tilespmem:$0xE40] =	vst v13;
	v57 =	vld [tilespmem:$0x530];
	v49 =	vsub.f32 v60, v61;
	v56 =	vadd.f32 v4, v5;
	v5 =	vmul.f32 v53, v53  }
0xd8: {  	[tilespmem:$0x1020] =	vst v6;
	v58 =	vld [tilespmem:$0xB30]  }
0xd9: {  	[tilespmem:$0x1030] =	vst v11;
	v7 =	vsub.f32 v63, v52;
	v59 =	vld [tilespmem:$0x730];
	v6 =	vmul.f32 v49, v49;
	v11 =	vadd.f32 v5, v56  }
0xda: {  	[tilespmem:$0x1240] =	vst v14;
	v60 =	vld [tilespmem:$0xD30]  }
0xdb: {  	[tilespmem:$0xE30] =	vst v9;
	v7 =	vmul.f32 v7, v7;
	v61 =	vld [tilespmem:$0x340];
	v9 =	vsub.f32 v54, v55;
	v11 =	vadd.f32 v6, v11  }
0xdc: {  	[tilespmem:$0x1050] =	vst v17;
	v62 =	vld [tilespmem:$0x940]  }
0xdd: {  	[tilespmem:$0x1220] =	vst v8;
	v63 =	vld [tilespmem:$0x540];
	v10 =	vsub.f32 v57, v58;
	v8 =	vmul.f32 v9, v9;
	v11 =	vadd.f32 v7, v11  }
0xde: {  	[tilespmem:$0xE60] =	vst v19;
	v49 =	vld [tilespmem:$0xB40]  }
0xdf: {  	[tilespmem:$0x1040] =	vst v12;
	v50 =	vld [tilespmem:$0x740];
	v12 =	vsub.f32 v59, v60;
	v9 =	vmul.f32 v10, v10;
	v11 =	vadd.f32 v8, v11  }
0xe0: {  	[tilespmem:$0x1260] =	vst v20;
	v51 =	vld [tilespmem:$0xD40]  }
0xe1: {  	[tilespmem:$0xE70] =	vst v21;
	v53 =	vld [tilespmem:$0x350];
	v52 =	vsub.f32 v61, v62;
	v10 =	vmul.f32 v12, v12;
	v11 =	vadd.f32 v9, v11  }
0xe2: {  	[tilespmem:$0x1270] =	vst v22;
	v54 =	vld [tilespmem:$0x950]  }
0xe3: {  	[tilespmem:$0x1250] =	vst v16;
	v57 =	vld [tilespmem:$0xB50];
	v16 =	vsub.f32 v63, v49;
	v55 =	vadd.f32 v10, v11;
	v11 =	vmul.f32 v52, v52  }
0xe4: {  	[tilespmem:$0x1070] =	vst v23;
	v56 =	vld [tilespmem:$0x550]  }
0xe5: {  	[tilespmem:$0xE80] =	vst v25;
	v13 =	vsub.f32 v50, v51;
	v59 =	vld [tilespmem:$0x750];
	v12 =	vmul.f32 v16, v16;
	v58 =	vadd.f32 v11, v55  }
0xe6: {  	[tilespmem:$0xE90] =	vst v27;
	v60 =	vld [tilespmem:$0xD50]  }
0xe7: {  	[tilespmem:$0x10A0] =	vst v30;
	v13 =	vmul.f32 v13, v13;
	v61 =	vld [tilespmem:$0x360];
	v14 =	vsub.f32 v53, v54;
	v16 =	vadd.f32 v12, v58  }
0xe8: {  	[tilespmem:$0xE50] =	vst v15;
	v62 =	vld [tilespmem:$0x960]  }
0xe9: {  	[tilespmem:$0x1060] =	vst v18;
	v30 =	vld [tilespmem:$0xD60];
	v17 =	vsub.f32 v56, v57;
	v14 =	vmul.f32 v14, v14;
	v16 =	vadd.f32 v13, v16  }
0xea: {  	[tilespmem:$0x10C0] =	vst v36;
	v63 =	vld [tilespmem:$0x560]  }
0xeb: {  	[tilespmem:$0x1280] =	vst v26;
	v27 =	vld [tilespmem:$0x5B0];
	v18 =	vsub.f32 v59, v60;
	v17 =	vmul.f32 v17, v17;
	v16 =	vadd.f32 v14, v16  }
0xec: {  	[tilespmem:$0xEA0] =	vst v31;
	v31 =	vld [tilespmem:$0x370]  }
0xed: {  	[tilespmem:$0x12A0] =	vst v32;
	v32 =	vld [tilespmem:$0x970];
	v15 =	vsub.f32 v61, v62;
	v18 =	vmul.f32 v18, v18;
	v16 =	vadd.f32 v17, v16  }
0xee: {  	[tilespmem:$0xEB0] =	vst v33;
	v33 =	vld [tilespmem:$0x570];
	v19 =	vsub.f32 v29, v30  }
0xef: {  	[tilespmem:$0xEC0] =	vst v37;
	v29 =	vld [tilespmem:$0x7B0];
	v20 =	vsub.f32 v63, v28;
	v15 =	vmul.f32 v15, v15;
	v16 =	vadd.f32 v18, v16  }
0xf0: {  	[tilespmem:$0x12B0] =	vst v34;
	v34 =	vld [tilespmem:$0xB70]  }
0xf1: {  	[tilespmem:$0x10B0] =	vst v35;
	v35 =	vld [tilespmem:$0x770];
	v20 =	vmul.f32 v20, v20;
	v16 =	vadd.f32 v15, v16  }
0xf2: {  	[tilespmem:$0x1080] =	vst v24;
	v36 =	vld [tilespmem:$0xD70]  }
0xf3: {  	[tilespmem:$0x12D0] =	vst v40;
	v19 =	vmul.f32 v19, v19;
	v21 =	vsub.f32 v31, v32;
	v37 =	vld [tilespmem:$0x380];
	v16 =	vadd.f32 v20, v16  }
0xf4: {  	[tilespmem:$0x12C0] =	vst v38;
	v38 =	vld [tilespmem:$0x980]  }
0xf5: {  	[tilespmem:$0xED0] =	vst v39;
	v21 =	vmul.f32 v21, v21;
	v22 =	vsub.f32 v33, v34;
	v39 =	vld [tilespmem:$0x580];
	v16 =	vadd.f32 v19, v16  }
0xf6: {  	[tilespmem:$0x10E0] =	vst v42;
	v40 =	vld [tilespmem:$0xB80]  }
0xf7: {  	[tilespmem:$0x10D0] =	vst v41;
	v22 =	vmul.f32 v22, v22;
	v23 =	vsub.f32 v35, v36;
	v41 =	vld [tilespmem:$0x780];
	v16 =	vadd.f32 v21, v16  }
0xf8: {  	[tilespmem:$0x1360] =	vst v19;
	v42 =	vld [tilespmem:$0xD80]  }
0xf9: {  	[tilespmem:$0xEE0] =	vst v43;
	v23 =	vmul.f32 v23, v23;
	v24 =	vsub.f32 v37, v38;
	v43 =	vld [tilespmem:$0x390];
	v16 =	vadd.f32 v22, v16  }
0xfa: {  	[tilespmem:$0x12E0] =	vst v44;
	v44 =	vld [tilespmem:$0x990]  }
0xfb: {  	v24 =	vmul.f32 v24, v24;
	v25 =	vsub.f32 v39, v40;
	[tilespmem:$0xEF0] =	vst v45;
	v45 =	vld [tilespmem:$0x590];
	v16 =	vadd.f32 v23, v16  }
0xfc: {  	[tilespmem:$0x10F0] =	vst v47;
	v47 =	vld [tilespmem:$0xB90]  }
0xfd: {  	[tilespmem:$0xF70] =	vst v21;
	v25 =	vmul.f32 v25, v25;
	v26 =	vsub.f32 v41, v42;
	v50 =	vld [tilespmem:$0xD90];
	v16 =	vadd.f32 v24, v16  }
0xfe: {  	[tilespmem:$0x1300] =	vst v0;
	v49 =	vld [tilespmem:$0x790]  }
0xff: {  	[tilespmem:$0x1170] =	vst v22;
	v51 =	vmul.f32 v26, v26;
	v53 =	vld [tilespmem:$0x3A0];
	v52 =	vsub.f32 v43, v44;
	v16 =	vadd.f32 v25, v16  }
0x100: {  	[tilespmem:$0x1370] =	vst v23;
	v54 =	vld [tilespmem:$0x9A0]  }
0x101: {  	[tilespmem:$0xF80] =	vst v24;
	v56 =	vsub.f32 v45, v47;
	v57 =	vld [tilespmem:$0x5A0];
	v26 =	vmul.f32 v52, v52;
	v55 =	vadd.f32 v51, v16  }
0x102: {  	[tilespmem:$0x1100] =	vst v3;
	v58 =	vld [tilespmem:$0xBA0]  }
0x103: {  	[tilespmem:$0x1110] =	vst v2;
	v60 =	vld [tilespmem:$0x7A0];
	v3 =	vsub.f32 v49, v50;
	v59 =	vmul.f32 v56, v56;
	v2 =	vadd.f32 v26, v55  }
0x104: {  	[tilespmem:$0x12F0] =	vst v46;
	v61 =	vld [tilespmem:$0xDA0]  }
0x105: {  	[tilespmem:$0xF10] =	vst v1;
	v62 =	vld [tilespmem:$0x3B0];
	v1 =	vsub.f32 v53, v54;
	v3 =	vmul.f32 v3, v3;
	v2 =	vadd.f32 v59, v2  }
0x106: {  	[tilespmem:$0x1180] =	vst v25;
	v63 =	vld [tilespmem:$0x9B0]  }
0x107: {  	v30 =	vld [tilespmem:$0xDB0];
	[tilespmem:$0x1310] =	vst v4;
	v1 =	vmul.f32 v1, v1;
	v4 =	vsub.f32 v57, v58;
	v2 =	vadd.f32 v3, v2  }
0x108: {  	[tilespmem:$0xF00] =	vst v48;
	v28 =	vld [tilespmem:$0xBB0]  }
0x109: {  	v31 =	vld [tilespmem:$0x3C0];
	[tilespmem:$0x1120] =	vst v6;
	v6 =	vsub.f32 v60, v61;
	v4 =	vmul.f32 v4, v4;
	v2 =	vadd.f32 v1, v2  }
0x10a: {  	v32 =	vld [tilespmem:$0x9C0];
	[tilespmem:$0x1320] =	vst v7  }
0x10b: {  	v33 =	vld [tilespmem:$0x5C0];
	[tilespmem:$0x1380] =	vst v51;
	v6 =	vmul.f32 v6, v6;
	v7 =	vsub.f32 v62, v63;
	v2 =	vadd.f32 v4, v2  }
0x10c: {  	v34 =	vld [tilespmem:$0xBC0];
	[tilespmem:$0x1340] =	vst v13  }
0x10d: {  	v35 =	vld [tilespmem:$0x7C0];
	[tilespmem:$0x1130] =	vst v9;
	v9 =	vsub.f32 v27, v28;
	v7 =	vmul.f32 v7, v7;
	v2 =	vadd.f32 v6, v2  }
0x10e: {  	v39 =	vld [tilespmem:$0x5D0];
	[tilespmem:$0xF20] =	vst v5  }
0x10f: {  	v40 =	vld [tilespmem:$0xBD0];
	[tilespmem:$0xF40] =	vst v11;
	v11 =	vsub.f32 v29, v30;
	v9 =	vmul.f32 v9, v9;
	v2 =	vadd.f32 v7, v2  }
0x110: {  	v36 =	vld [tilespmem:$0xDC0];
	[tilespmem:$0xF30] =	vst v8  }
0x111: {  	v37 =	vld [tilespmem:$0x3D0];
	[tilespmem:$0x1330] =	vst v10;
	v8 =	vsub.f32 v31, v32;
	v11 =	vmul.f32 v11, v11;
	v2 =	vadd.f32 v9, v2  }
0x112: {  	v38 =	vld [tilespmem:$0x9D0];
	[tilespmem:$0x1140] =	vst v12  }
0x113: {  	[tilespmem:$0xF50] =	vst v14;
	v8 =	vmul.f32 v8, v8;
	v10 =	vsub.f32 v33, v34;
	v2 =	vadd.f32 v11, v2  }
0x114: {  	v47 =	vsub.f32 v39, v40;
	[tilespmem:$0x1150] =	vst v17  }
0x115: {  	v41 =	vld [tilespmem:$0x7D0];
	[tilespmem:$0x1350] =	vst v18;
	v10 =	vmul.f32 v10, v10;
	v12 =	vsub.f32 v35, v36;
	v2 =	vadd.f32 v8, v2  }
0x116: {  	v42 =	vld [tilespmem:$0xDD0];
	v5 =	vmul.f32 v47, v47;
	[tilespmem:$0xF60] =	vst v15  }
0x117: {  	v46 =	vld [tilespmem:$0x9E0];
	[tilespmem:$0x1190] =	vst v59;
	v44 =	vsub.f32 v37, v38;
	v43 =	vmul.f32 v12, v12;
	v2 =	vadd.f32 v10, v2  }
0x118: {  	v45 =	vld [tilespmem:$0x3E0];
	[tilespmem:$0x11D0] =	vst v5  }
0x119: {  	v48 =	vld [tilespmem:$0x5E0];
	[tilespmem:$0xFC0] =	vst v8;
	v12 =	vmul.f32 v44, v44;
	v2 =	vadd.f32 v43, v2  }
0x11a: {  	v49 =	vld [tilespmem:$0xBE0];
	[tilespmem:$0x1160] =	vst v20  }
0x11b: {  	v50 =	vsub.f32 v41, v42;
	[tilespmem:$0x1390] =	vst v3;
	v52 =	vld [tilespmem:$0xDE0];
	v2 =	vadd.f32 v12, v2  }
0x11c: {  	[tilespmem:$0xFA0] =	vst v1;
	v51 =	vld [tilespmem:$0x7E0]  }
0x11d: {  	v54 =	vld [tilespmem:$0x3F0];
	v53 =	vsub.f32 v45, v46;
	[tilespmem:$0xF90] =	vst v26;
	v1 =	vmul.f32 v50, v50;
	v2 =	vadd.f32 v5, v2  }
0x11e: {  	[tilespmem:$0x13A0] =	vst v6;
	v55 =	vld [tilespmem:$0x9F0]  }
0x11f: {  	v56 =	vld [tilespmem:$0x5F0];
	[tilespmem:$0x11C0] =	vst v10;
	v3 =	vsub.f32 v48, v49;
	v6 =	vmul.f32 v53, v53;
	v2 =	vadd.f32 v1, v2  }
0x120: {  	[tilespmem:$0xFB0] =	vst v7;
	v57 =	vld [tilespmem:$0xBF0]  }
0x121: {  	v58 =	vld [tilespmem:$0x7F0];
	[tilespmem:$0x11A0] =	vst v4;
	v3 =	vmul.f32 v3, v3;
	v4 =	vsub.f32 v51, v52;
	v2 =	vadd.f32 v6, v2  }
0x122: {  	[tilespmem:$0x11B0] =	vst v9;
	v59 =	vld [tilespmem:$0xDF0]  }
0x123: {  	[tilespmem:$0x13B0] =	vst v11;
	v60 =	vsub.f32 v54, v55;
	v4 =	vmul.f32 v4, v4;
	v2 =	vadd.f32 v3, v2  }
0x124: {  	[tilespmem:$0x13C0] =	vst v43  }
0x125: {  	[tilespmem:$0xFD0] =	vst v12;
	v61 =	vsub.f32 v56, v57;
	v0 =	vmul.f32 v60, v60;
	v2 =	vadd.f32 v4, v2  }
0x126: {  	[tilespmem:$0x13D0] =	vst v1  }
0x127: {  	v62 =	vsub.f32 v58, v59;
	[tilespmem:$0x11E0] =	vst v3;
	v5 =	vmul.f32 v61, v61;
	v2 =	vadd.f32 v0, v2  }
0x128: {  	[tilespmem:$0xFF0] =	vst v0  }
0x129: {  	[tilespmem:$0xFE0] =	vst v6;
	v1 =	vmul.f32 v62, v62;
	v2 =	vadd.f32 v5, v2  }
0x12a: {  	[tilespmem:$0x13E0] =	vst v4  }
0x12b: {  	[tilespmem:$0x11F0] =	vst v5;
	v63 =	vadd.f32 v1, v2  }
0x12c: {  	[tilespmem:$0x13F0] =	vst v1  }
0x12d: {  	s0 =	rddreg [dreg:$0x8];
	[tilespmem:$0x1400] =	vst v63  }
0x12e: {  	[hbm4b:s0+s4] =	stream.linear.scatter [tilespmem:s29], [sflag:$0x2], $0x200, $0x38;
	[tilespmem:$0x1410] =	vst v63  }
0x12f: {  	_ =	swait.ge [sflag:s8], $0x200  }
0x130: {  	[sflag:s8] =	ssyncset.done $0x0  }
0x131: {  	s0 =	rddreg [dreg:$0x9];
	[sflag:s8] =	ssyncadd.s32 $0xFFFFFE00  }
0x132: {  	[hbm4b:s0+s4] =	stream.linear.scatter [tilespmem:s30], [sflag:$0x2], $0x200, $0x38;
	[tilespmem:$0x1410] =	vst v63  }
0x133: {  	_ =	swait.ge [sflag:s8], $0x200  }
0x134: {  	[sflag:s8] =	ssyncset.done $0x0  }
0x135: {  	s0 =	rddreg [dreg:$0xa];
	[sflag:s8] =	ssyncadd.s32 $0xFFFFFE00  }
0x136: {  	[hbm4b:s0+s4] =	stream.linear.scatter [tilespmem:s31], [sflag:$0x2], $0x200, $0x38;
	[tilespmem:$0x1410] =	vst v63  }
0x137: {  	_ =	swait.ge [sflag:s8], $0x200  }
0x138: {  	p0 =	sne.s32 s7, $0x1;
	[sflag:s8] =	ssyncset.done $0x0  }
.Ltmp0:
0x139: {  	[sflag:s8] =	ssyncadd.s32 $0xFFFFFE00;
	(pc) =	sbr.rel @p0 .LBB2_1-.Ltmp0, $4  }
0x13a: {  	[hbm4b:s6+s4] =	stream.linear.scatter [tilespmem:s1], [sflag:$0x2], $0x10, $0x38;
	[tilespmem:$0x1410] =	vst v63  }
0x13b: {  	_ =	swait.ge [sflag:s8], $0x10  }
0x13c: {  	[sflag:s8] =	ssyncset.done $0x0  }
0x13d: {  	s7 =	sadd.s32 $0xFFFFFFFF, s7;
	[sflag:s8] =	ssyncadd.s32 $0xFFFFFFF0  }
0x13e: {  	_ =	sfence.sel $0x180000  }
0x13f: {  	[bflag:$0x0] =	sbarrier.arrive $0xFFFF  }
0x140: {  	_ =	strace $0x90000047  }
0x141: {  	s0 =	stileid.u32;
	[bflag:$0x2] =	sbarrier.arrive $0xFFFF  }
0x142: {  	p0 =	sne.s32 s0, $0x0;
	s0 =	rddreg [dreg:$0x3]  }
0x143: {  	s0 =	sadd.s32 @!p0 $0x100000, s0  }
0x144: {  	[sflag:s0] =	ssyncadd.tile.s32 @!p0 $0x1;
	_ =	shalt  }
.Lfunc_end2:
_tile_overlayer_lowered:
.L_overlay_start_2:
0x145: {  	(tag) =	ssettag $0x2  }
0x146: {  	s0 =	rddreg [dreg:$0x0];
	s2 =	stileid.u32  }
0x147: {  	s1 =	rddreg [dreg:$0x1];
	p0 =	sne.s32 s2, $0x0  }
0x148: {  	s3 =	rddreg [dreg:$0x2];
	[bflag:$0x3] =	sbarrier.arrive $0xFFFF;
	s2 =	simm.s32 @!p0 $0x1C02  }
0x149: {  	[timem:s3], [sflag:s2] =	dma.local @!p0 [hbm:s0], s1  }
0x14a: {  	s0 =	simm.s32 @!p0 $0x2  }
0x14b: {  	_ =	swait.ge @!p0 [sflag:s0], s1  }
0x14c: {  	s1 =	ssub.s32 @!p0 $0x0, s1;
	[sflag:s0] =	ssyncset.done @!p0 $0x0  }
0x14d: {  	[sflag:s0] =	ssyncadd.s32 @!p0 s1  }
0x14e: {  	[bflag:$0x3] =	sbarrier.arrive $0xFFFF  }
0x14f: {  	_ =	shalt  }

</sc_bundles>
